<compile_context>
chip_gen: v7x
topology: tpu7x:2x2x1
jax: 0.10.2.dev20260603
libtpu: 0.0.44.dev20260713+nightly
codegen_flags: <defaults>
</compile_context>

<pallas_src>
import functools

import jax
import jax.numpy as jnp
from jax import lax
from jax.experimental import pallas as pl
from jax.experimental.pallas import tpu as pltpu
from jax.experimental.pallas import tpu_sc as plsc

N = 10000
D = 128
E = 320000

NCORES = 2
NSUB = 16
NWORK = NCORES * NSUB
EPW = E // NWORK
W = 80
NWIN = EPW // W
STRIPE = 624
TAIL = N - NSUB * STRIPE
NCPAD = 10240
CSTRIPE = NCPAD // NSUB
NB = 4


def _sc_agg_body(h_hbm, src_hbm, dst_hbm, z2_hbm, acc_out,
                 rows0, rows1, rows2, rows3,
                 swin0, swin1, swin2, swin3,
                 dwin0, dwin1, dwin2, dwin3, acc_s,
                 gsem0, gsem1, gsem2, gsem3,
                 ssem0, ssem1, ssem2, ssem3,
                 isem0, isem1, isem2, isem3):
    c = lax.axis_index("c")
    s = lax.axis_index("s")
    wid = s * NCORES + c
    rows = (rows0, rows1, rows2, rows3)
    swin = (swin0, swin1, swin2, swin3)
    dwin = (dwin0, dwin1, dwin2, dwin3)
    gsem = (gsem0, gsem1, gsem2, gsem3)
    ssem = (ssem0, ssem1, ssem2, ssem3)
    isem = (isem0, isem1, isem2, isem3)

    r0 = pl.multiple_of(s * STRIPE, 8)
    pltpu.sync_copy(z2_hbm.at[pl.ds(r0, STRIPE)], acc_s.at[pl.ds(r0, STRIPE)])

    @pl.when(s == 0)
    def _zero_tail():
        pltpu.sync_copy(z2_hbm.at[pl.ds(NSUB * STRIPE, TAIL)],
                        acc_s.at[pl.ds(NSUB * STRIPE, TAIL)])

    plsc.subcore_barrier()
    e0 = pl.multiple_of(wid * EPW, 16)

    def src_window(w):
        return src_hbm.at[pl.ds(e0 + pl.multiple_of(w * W, 8), W)]

    def dst_window(w):
        return dst_hbm.at[pl.ds(e0 + pl.multiple_of(w * W, 8), W)]

    def fetch_idx(w, q):
        pltpu.async_copy(src_window(w), swin[q], isem[q])
        pltpu.async_copy(dst_window(w), dwin[q], isem[q])

    def wait_idx(w, q):
        pltpu.make_async_copy(src_window(w), swin[q], isem[q]).wait()
        pltpu.make_async_copy(dst_window(w), dwin[q], isem[q]).wait()

    def start_gather(w, q):
        pltpu.async_copy(h_hbm.at[swin[q]], rows[q], gsem[q])

    def wait_scatter(w, q):
        pltpu.make_async_copy(rows[q], acc_s.at[dwin[q]], ssem[q]).wait()

    fetch_idx(0, 0)
    fetch_idx(1, 1)
    wait_idx(0, 0)
    start_gather(0, 0)
    wait_idx(1, 1)
    start_gather(1, 1)

    def stage(j, carry):
        for b in range(NB):
            w = NB * j + b

            @pl.when(w < NWIN)
            def _window():
                @pl.when(w >= 2)
                def _retire():
                    wait_scatter(w - 2, (b + NB - 2) % NB)

                @pl.when(w + 2 < NWIN)
                def _prefetch():
                    fetch_idx(w + 2, (b + 2) % NB)

                pltpu.make_async_copy(h_hbm.at[swin[b]], rows[b],
                                      gsem[b]).wait()

                pltpu.async_copy(rows[b], acc_s.at[dwin[b]], ssem[b],
                                 add=True)

                @pl.when(w + 2 < NWIN)
                def _next_gather():
                    wait_idx(w + 2, (b + 2) % NB)
                    start_gather(w + 2, (b + 2) % NB)
        return carry

    lax.fori_loop(0, (NWIN + NB - 1) // NB, stage, 0)
    wait_scatter(NWIN - 2, (NWIN - 2) % NB)
    wait_scatter(NWIN - 1, (NWIN - 1) % NB)
    plsc.subcore_barrier()

    pltpu.sync_copy(acc_s.at[pl.ds(r0, STRIPE)],
                    acc_out.at[c, pl.ds(r0, STRIPE)])

    @pl.when(s == 0)
    def _write_tail():
        pltpu.sync_copy(acc_s.at[pl.ds(NSUB * STRIPE, TAIL)],
                        acc_out.at[c, pl.ds(NSUB * STRIPE, TAIL)])


_sc_aggregate = pl.kernel(
    _sc_agg_body,
    out_type=jax.ShapeDtypeStruct((NCORES, N, D), jnp.float32),
    mesh=plsc.VectorSubcoreMesh(core_axis_name="c", subcore_axis_name="s"),
    scratch_types=(
        [pltpu.VMEM((W, D), jnp.float32)] * NB
        + [pltpu.VMEM((W,), jnp.int32)] * (2 * NB)
        + [pltpu.VMEM_SHARED((N, D), jnp.float32)]
        + [pltpu.SemaphoreType.DMA] * (3 * NB)
    ),
)

CW = 2000
CNWIN = EPW // CW


def _sc_cnt_body(dsta_hbm, dstb_hbm, z1_hbm, ones_hbm, cnta_out, cntb_out,
                 dwin0, dwin1, ones_v, cnta_s, cntb_s,
                 isem0, isem1, csem0, csem1):
    c = lax.axis_index("c")
    s = lax.axis_index("s")
    wid = s * NCORES + c
    dwin = (dwin0, dwin1)
    isem = (isem0, isem1)
    csem = (csem0, csem1)

    c0 = pl.multiple_of(s * CSTRIPE, 128)
    pltpu.sync_copy(z1_hbm.at[pl.ds(c0, CSTRIPE)], cnta_s.at[pl.ds(c0, CSTRIPE)])
    pltpu.sync_copy(z1_hbm.at[pl.ds(c0, CSTRIPE)], cntb_s.at[pl.ds(c0, CSTRIPE)])
    pltpu.sync_copy(ones_hbm, ones_v)
    plsc.subcore_barrier()

    e0 = pl.multiple_of(wid * EPW, 16)

    def win(ref, w):
        return ref.at[pl.ds(e0 + pl.multiple_of(w * CW, 16), CW)]

    for dref, cnt_s in ((dsta_hbm, cnta_s), (dstb_hbm, cntb_s)):
        pltpu.async_copy(win(dref, 0), dwin0, isem0)
        pltpu.async_copy(win(dref, 1), dwin1, isem1)

        def cstage(j, carry, dref=dref, cnt_s=cnt_s):
            for b in range(2):
                w = 2 * j + b

                @pl.when(w < CNWIN)
                def _cwindow():
                    pltpu.make_async_copy(win(dref, w), dwin[b],
                                          isem[b]).wait()
                    pltpu.async_copy(ones_v, cnt_s.at[dwin[b]], csem[b],
                                     add=True)
                    pltpu.make_async_copy(ones_v, cnt_s.at[dwin[b]],
                                          csem[b]).wait()

                    @pl.when(w + 2 < CNWIN)
                    def _next():
                        pltpu.async_copy(win(dref, w + 2), dwin[b],
                                         isem[b])
            return carry

        lax.fori_loop(0, (CNWIN + 1) // 2, cstage, 0)

    plsc.subcore_barrier()
    cbase = pl.multiple_of(c * NCPAD, 128)
    pltpu.sync_copy(cnta_s.at[pl.ds(c0, CSTRIPE)],
                    cnta_out.at[pl.ds(cbase + c0, CSTRIPE)])
    pltpu.sync_copy(cntb_s.at[pl.ds(c0, CSTRIPE)],
                    cntb_out.at[pl.ds(cbase + c0, CSTRIPE)])


_sc_counts = pl.kernel(
    _sc_cnt_body,
    out_type=[
        jax.ShapeDtypeStruct((NCORES * NCPAD,), jnp.float32),
        jax.ShapeDtypeStruct((NCORES * NCPAD,), jnp.float32),
    ],
    mesh=plsc.VectorSubcoreMesh(core_axis_name="c", subcore_axis_name="s"),
    scratch_types=(
        [pltpu.VMEM((CW,), jnp.int32)] * 2
        + [pltpu.VMEM((CW,), jnp.float32)]
        + [pltpu.VMEM_SHARED((NCPAD,), jnp.float32)] * 2
        + [pltpu.SemaphoreType.DMA] * 4
    ),
)


def _tc_body(h_ref, acc_ref, invb_ref, wlT_ref, wrT_ref, bl_ref, mask_ref,
             out_ref, *, apply_mask):
    mean = (acc_ref[0] + acc_ref[1]) * invb_ref[...]
    out = (jnp.dot(mean, wlT_ref[...], preferred_element_type=jnp.float32)
           + jnp.dot(h_ref[...], wrT_ref[...], preferred_element_type=jnp.float32)
           + bl_ref[...])
    if apply_mask:
        out = jnp.maximum(out * mask_ref[...], 0.0)
    out_ref[...] = out


RB = 2000


def _tc_layer(h, acc, invb, wlT, wrT, bl2d, mask, apply_mask):
    grid = (N // RB,)
    return pl.pallas_call(
        functools.partial(_tc_body, apply_mask=apply_mask),
        grid=grid,
        in_specs=[
            pl.BlockSpec((RB, D), lambda i: (i, 0)),
            pl.BlockSpec((NCORES, RB, D), lambda i: (0, i, 0)),
            pl.BlockSpec((RB, 1), lambda i: (i, 0)),
            pl.BlockSpec((D, D), lambda i: (0, 0)),
            pl.BlockSpec((D, D), lambda i: (0, 0)),
            pl.BlockSpec((1, D), lambda i: (0, 0)),
            pl.BlockSpec((RB, D), lambda i: (i, 0)),
        ],
        out_specs=pl.BlockSpec((RB, D), lambda i: (i, 0)),
        out_shape=jax.ShapeDtypeStruct((N, D), jnp.float32),
    )(h, acc, invb, wlT, wrT, bl2d, mask)


def kernel(x, edge_index, edge_idx_1_1, Wl1, bl1, Wr1, Wl2, bl2, Wr2,
           Wl3, bl3, Wr3):
    f32 = jnp.float32
    z2 = jnp.zeros((N, D), f32)
    z1 = jnp.zeros((NCPAD,), f32)
    ones_w = jnp.ones((CW,), f32)

    src_a, dst_a = edge_index[0], edge_index[1]
    src_b, dst_b = edge_idx_1_1[0], edge_idx_1_1[1]

    cnt_a, cnt_b = _sc_counts(dst_a, dst_b, z1, ones_w)

    def inv_of(cnt):
        cnt = cnt.reshape(NCORES, NCPAD)[:, :N]
        inv = 1.0 / jnp.maximum(cnt[0] + cnt[1], 1.0)
        return inv[:, None]

    invb_a = inv_of(cnt_a)
    invb_b = inv_of(cnt_b)

    keep1 = jax.random.bernoulli(jax.random.key(1), 0.5, (N, D))
    keep2 = jax.random.bernoulli(jax.random.key(2), 0.5, (N, D))
    mask1 = keep1.astype(f32) * 2.0
    mask2 = keep2.astype(f32) * 2.0

    def layer(h, src, dst, invb, Wl, bl, Wr, mask, apply_mask):
        acc = _sc_aggregate(h, src, dst, z2)
        return _tc_layer(h, acc, invb, Wl.T, Wr.T, bl[None, :], mask,
                         apply_mask)

    h = layer(x, src_a, dst_a, invb_a, Wl1, bl1, Wr1, mask1, True)
    h = layer(h, src_b, dst_b, invb_b, Wl2, bl2, Wr2, mask2, True)
    h = layer(h, src_a, dst_a, invb_a, Wl3, bl3, Wr3, mask1, False)
    return h

# --- scband reference (transcript-rebuilt; emitter-appended) ---
"""Pipeline reference for scband-gcn-layer-sage-16509854285892 (READ-ONLY COPY).

The authoritative reference and input builder live on the scoring server;
editing this copy changes nothing except your own understanding.
"""

import jax, jax.numpy as jnp
import numpy as np

N = 10000
D = 128
E = 320000


def _dropout(x, key, p=0.5):
    keep = jax.random.bernoulli(key, 1.0 - p, x.shape)
    return jnp.where(keep, x / (1.0 - p), jnp.zeros_like(x))


def _sage_conv(x, edge_index, Wl, bl, Wr):
    # PyG SAGEConv (aggr='mean', root_weight=True):
    # out = lin_l(mean_{j in N(i)} x_j) + lin_r(x_i); bias lives in lin_l.
    src = edge_index[0]
    dst = edge_index[1]
    n = x.shape[0]
    msgs = jnp.take(x, src, axis=0)
    agg = jax.ops.segment_sum(msgs, dst, num_segments=n)
    cnt = jax.ops.segment_sum(jnp.ones((src.shape[0],), dtype=x.dtype), dst, num_segments=n)
    mean = agg / jnp.maximum(cnt, 1.0)[:, None]
    return mean @ Wl.T + bl + x @ Wr.T


def setup_inputs(seed: int = 0) -> dict:
    key = jax.random.key(seed)
    ks = jax.random.split(key, 16)
    s = 1.0 / np.sqrt(D)
    x = jax.random.normal(ks[0], (N, D), dtype=jnp.float32)
    edge_index = jax.random.randint(ks[1], (2, E), 0, N, dtype=jnp.int32)
    edge_idx_1_1 = jax.random.randint(ks[2], (2, E), 0, N, dtype=jnp.int32)
    Wl1 = jax.random.normal(ks[3], (D, D), dtype=jnp.float32) * s
    bl1 = jax.random.normal(ks[4], (D,), dtype=jnp.float32) * s
    Wr1 = jax.random.normal(ks[5], (D, D), dtype=jnp.float32) * s
    Wl2 = jax.random.normal(ks[6], (D, D), dtype=jnp.float32) * s
    bl2 = jax.random.normal(ks[7], (D,), dtype=jnp.float32) * s
    Wr2 = jax.random.normal(ks[8], (D, D), dtype=jnp.float32) * s
    Wl3 = jax.random.normal(ks[9], (D, D), dtype=jnp.float32) * s
    bl3 = jax.random.normal(ks[10], (D,), dtype=jnp.float32) * s
    Wr3 = jax.random.normal(ks[11], (D, D), dtype=jnp.float32) * s
    return {"x": x, "edge_index": edge_index, "edge_idx_1_1": edge_idx_1_1,
            "Wl1": Wl1, "bl1": bl1, "Wr1": Wr1,
            "Wl2": Wl2, "bl2": bl2, "Wr2": Wr2,
            "Wl3": Wl3, "bl3": bl3, "Wr3": Wr3}


def reference(x, edge_index, edge_idx_1_1, Wl1, bl1, Wr1, Wl2, bl2, Wr2, Wl3, bl3, Wr3):
    k1 = jax.random.key(1)
    k2 = jax.random.key(2)
    h = _sage_conv(x, edge_index, Wl1, bl1, Wr1)
    h = _dropout(h, k1, 0.5)
    h = jax.nn.relu(h)
    h = _sage_conv(h, edge_idx_1_1, Wl2, bl2, Wr2)
    h = _dropout(h, k2, 0.5)
    h = jax.nn.relu(h)
    h = _sage_conv(h, edge_index, Wl3, bl3, Wr3)
    return h

if __name__ == "__main__":
    import jax
    _d = setup_inputs()
    print(jax.jit(kernel)(*tuple(_d.values())))

</pallas_src>

<mosaic_0001>
#map = affine_map<(d0, d1) -> (0, 0)>
#map1 = affine_map<(d0, d1) -> (0)>
#map2 = affine_map<(d0, d1) -> (0, 0, 0)>
module attributes {stable_mosaic.version = 14 : i64} {
  func.func @_sc_agg_body(%arg0: i32, %arg1: i32, %arg2: memref<10000x128xf32, #tpu.memory_space<hbm>>, %arg3: memref<320000xi32, #tpu.memory_space<hbm>>, %arg4: memref<320000xi32, #tpu.memory_space<hbm>>, %arg5: memref<10000x128xf32, #tpu.memory_space<hbm>>, %arg6: memref<2x10000x128xf32, #tpu.memory_space<hbm>>, %arg7: memref<80x128xf32, #tpu.memory_space<vmem>>, %arg8: memref<80x128xf32, #tpu.memory_space<vmem>>, %arg9: memref<80x128xf32, #tpu.memory_space<vmem>>, %arg10: memref<80x128xf32, #tpu.memory_space<vmem>>, %arg11: memref<80xi32, #tpu.memory_space<vmem>>, %arg12: memref<80xi32, #tpu.memory_space<vmem>>, %arg13: memref<80xi32, #tpu.memory_space<vmem>>, %arg14: memref<80xi32, #tpu.memory_space<vmem>>, %arg15: memref<80xi32, #tpu.memory_space<vmem>>, %arg16: memref<80xi32, #tpu.memory_space<vmem>>, %arg17: memref<80xi32, #tpu.memory_space<vmem>>, %arg18: memref<80xi32, #tpu.memory_space<vmem>>, %arg19: memref<10000x128xf32, #tpu.memory_space<vmem_shared>>, %arg20: memref<!tpu.dma_semaphore, #tpu.memory_space<semaphore_mem>>, %arg21: memref<!tpu.dma_semaphore, #tpu.memory_space<semaphore_mem>>, %arg22: memref<!tpu.dma_semaphore, #tpu.memory_space<semaphore_mem>>, %arg23: memref<!tpu.dma_semaphore, #tpu.memory_space<semaphore_mem>>, %arg24: memref<!tpu.dma_semaphore, #tpu.memory_space<semaphore_mem>>, %arg25: memref<!tpu.dma_semaphore, #tpu.memory_space<semaphore_mem>>, %arg26: memref<!tpu.dma_semaphore, #tpu.memory_space<semaphore_mem>>, %arg27: memref<!tpu.dma_semaphore, #tpu.memory_space<semaphore_mem>>, %arg28: memref<!tpu.dma_semaphore, #tpu.memory_space<semaphore_mem>>, %arg29: memref<!tpu.dma_semaphore, #tpu.memory_space<semaphore_mem>>, %arg30: memref<!tpu.dma_semaphore, #tpu.memory_space<semaphore_mem>>, %arg31: memref<!tpu.dma_semaphore, #tpu.memory_space<semaphore_mem>>) attributes {dimension_semantics = [#tpu.dimension_semantics<core_parallel>, #tpu.dimension_semantics<subcore_parallel>], iteration_bounds = array<i64: 2, 16>, scalar_prefetch = 0 : i64, scratch_operands = 25 : i64, tpu.core_type = #tpu.core_type<sc_vector_subcore>, window_params = [{transform_indices = #map}, {transform_indices = #map1}, {transform_indices = #map1}, {transform_indices = #map}, {transform_indices = #map2}]} {
    %mul3A = arith.constant 2 : i32
    %mul3A_0 = arith.muli %arg1, %mul3A : i32
    %add3A = arith.addi %mul3A_0, %arg0 : i32
    %mul3A_1 = arith.constant 624 : i32
    %mul3A_2 = arith.muli %arg1, %mul3A_1 : i32
    %multiple_of3A = tpu.assume_multiple %mul3A_2, 8 : i32
    "tpu.region"() ({
      %run_scoped3A = tpu.sem_alloc : memref<!tpu.dma_semaphore, #tpu.memory_space<semaphore_mem>>
      %dma_start3A_69 = arith.constant 0 : i32
      %dma_start3A_70 = tpu.memref_slice %arg19[%multiple_of3A, %dma_start3A_69] : memref<10000x128xf32, #tpu.memory_space<vmem_shared>> -> memref<624x128xf32, #tpu.memory_space<vmem_shared>>
      %dma_start3A_71 = arith.constant 0 : i32
      %dma_start3A_72 = tpu.memref_slice %arg5[%multiple_of3A, %dma_start3A_71] : memref<10000x128xf32, #tpu.memory_space<hbm>> -> memref<624x128xf32, #tpu.memory_space<hbm>>
      tpu.enqueue_dma source(%dma_start3A_72 : memref<624x128xf32, #tpu.memory_space<hbm>>) target(%dma_start3A_70 : memref<624x128xf32, #tpu.memory_space<vmem_shared>>) target_semaphore(%run_scoped3A : memref<!tpu.dma_semaphore, #tpu.memory_space<semaphore_mem>>)
      %dma_wait3A_73 = arith.constant 0 : i32
      %dma_wait3A_74 = tpu.memref_slice %arg19[%multiple_of3A, %dma_wait3A_73] : memref<10000x128xf32, #tpu.memory_space<vmem_shared>> -> memref<624x128xf32, #tpu.memory_space<vmem_shared>>
      %dma_wait3A_75 = arith.constant 0 : i32
      %dma_wait3A_76 = tpu.memref_slice %arg5[%multiple_of3A, %dma_wait3A_75] : memref<10000x128xf32, #tpu.memory_space<hbm>> -> memref<624x128xf32, #tpu.memory_space<hbm>>
      tpu.wait_dma2 semaphore(%run_scoped3A : memref<!tpu.dma_semaphore, #tpu.memory_space<semaphore_mem>>) src(%dma_wait3A_76 : memref<624x128xf32, #tpu.memory_space<hbm>>) dst(%dma_wait3A_74 : memref<624x128xf32, #tpu.memory_space<vmem_shared>>)
      tpu.yield
    }) : () -> ()
    %eq3A = arith.constant 0 : i32
    %eq3A_3 = arith.cmpi eq, %arg1, %eq3A : i32
    %convert_element_type3A = arith.extui %eq3A_3 : i1 to i32
    %cond3A = arith.constant 0 : i32
    %cond3A_4 = arith.cmpi ne, %convert_element_type3A, %cond3A : i32
    scf.if %cond3A_4 {
      "tpu.region"() ({
        %run_scoped3A = tpu.sem_alloc : memref<!tpu.dma_semaphore, #tpu.memory_space<semaphore_mem>>
        %dma_start3A_69 = arith.constant 9984 : i32
        %dma_start3A_70 = arith.constant 0 : i32
        %dma_start3A_71 = tpu.memref_slice %arg19[%dma_start3A_69, %dma_start3A_70] : memref<10000x128xf32, #tpu.memory_space<vmem_shared>> -> memref<16x128xf32, #tpu.memory_space<vmem_shared>>
        %dma_start3A_72 = arith.constant 9984 : i32
        %dma_start3A_73 = arith.constant 0 : i32
        %dma_start3A_74 = tpu.memref_slice %arg5[%dma_start3A_72, %dma_start3A_73] : memref<10000x128xf32, #tpu.memory_space<hbm>> -> memref<16x128xf32, #tpu.memory_space<hbm>>
        tpu.enqueue_dma source(%dma_start3A_74 : memref<16x128xf32, #tpu.memory_space<hbm>>) target(%dma_start3A_71 : memref<16x128xf32, #tpu.memory_space<vmem_shared>>) target_semaphore(%run_scoped3A : memref<!tpu.dma_semaphore, #tpu.memory_space<semaphore_mem>>)
        %dma_wait3A_75 = arith.constant 9984 : i32
        %dma_wait3A_76 = arith.constant 0 : i32
        %dma_wait3A_77 = tpu.memref_slice %arg19[%dma_wait3A_75, %dma_wait3A_76] : memref<10000x128xf32, #tpu.memory_space<vmem_shared>> -> memref<16x128xf32, #tpu.memory_space<vmem_shared>>
        %dma_wait3A_78 = arith.constant 9984 : i32
        %dma_wait3A_79 = arith.constant 0 : i32
        %dma_wait3A_80 = tpu.memref_slice %arg5[%dma_wait3A_78, %dma_wait3A_79] : memref<10000x128xf32, #tpu.memory_space<hbm>> -> memref<16x128xf32, #tpu.memory_space<hbm>>
        tpu.wait_dma2 semaphore(%run_scoped3A : memref<!tpu.dma_semaphore, #tpu.memory_space<semaphore_mem>>) src(%dma_wait3A_80 : memref<16x128xf32, #tpu.memory_space<hbm>>) dst(%dma_wait3A_77 : memref<16x128xf32, #tpu.memory_space<vmem_shared>>)
        tpu.yield
      }) : () -> ()
    } else {
    }
    %barrier3A = arith.constant 0 : index
    tpu.barrier barrier_id(%barrier3A)
    %mul3A_5 = arith.constant 10000 : i32
    %mul3A_6 = arith.muli %add3A, %mul3A_5 : i32
    %multiple_of3A_7 = tpu.assume_multiple %mul3A_6, 16 : i32
    %multiple_of3A_8 = arith.constant 0 : i32
    %multiple_of3A_9 = tpu.assume_multiple %multiple_of3A_8, 8 : i32
    %add3A_10 = arith.addi %multiple_of3A_7, %multiple_of3A_9 : i32
    %dma_start3A = tpu.memref_slice %arg3[%add3A_10] : memref<320000xi32, #tpu.memory_space<hbm>> -> memref<80xi32, #tpu.memory_space<hbm>>
    %dma_start3A_11 = tpu.memref_slice %arg3[%add3A_10] : memref<320000xi32, #tpu.memory_space<hbm>> -> memref<80xi32, #tpu.memory_space<hbm>>
    tpu.enqueue_dma source(%dma_start3A_11 : memref<80xi32, #tpu.memory_space<hbm>>) target(%arg11 : memref<80xi32, #tpu.memory_space<vmem>>) target_semaphore(%arg28 : memref<!tpu.dma_semaphore, #tpu.memory_space<semaphore_mem>>)
    %multiple_of3A_12 = arith.constant 0 : i32
    %multiple_of3A_13 = tpu.assume_multiple %multiple_of3A_12, 8 : i32
    %add3A_14 = arith.addi %multiple_of3A_7, %multiple_of3A_13 : i32
    %dma_start3A_15 = tpu.memref_slice %arg4[%add3A_14] : memref<320000xi32, #tpu.memory_space<hbm>> -> memref<80xi32, #tpu.memory_space<hbm>>
    %dma_start3A_16 = tpu.memref_slice %arg4[%add3A_14] : memref<320000xi32, #tpu.memory_space<hbm>> -> memref<80xi32, #tpu.memory_space<hbm>>
    tpu.enqueue_dma source(%dma_start3A_16 : memref<80xi32, #tpu.memory_space<hbm>>) target(%arg15 : memref<80xi32, #tpu.memory_space<vmem>>) target_semaphore(%arg28 : memref<!tpu.dma_semaphore, #tpu.memory_space<semaphore_mem>>)
    %multiple_of3A_17 = arith.constant 80 : i32
    %multiple_of3A_18 = tpu.assume_multiple %multiple_of3A_17, 8 : i32
    %add3A_19 = arith.addi %multiple_of3A_7, %multiple_of3A_18 : i32
    %dma_start3A_20 = tpu.memref_slice %arg3[%add3A_19] : memref<320000xi32, #tpu.memory_space<hbm>> -> memref<80xi32, #tpu.memory_space<hbm>>
    %dma_start3A_21 = tpu.memref_slice %arg3[%add3A_19] : memref<320000xi32, #tpu.memory_space<hbm>> -> memref<80xi32, #tpu.memory_space<hbm>>
    tpu.enqueue_dma source(%dma_start3A_21 : memref<80xi32, #tpu.memory_space<hbm>>) target(%arg12 : memref<80xi32, #tpu.memory_space<vmem>>) target_semaphore(%arg29 : memref<!tpu.dma_semaphore, #tpu.memory_space<semaphore_mem>>)
    %multiple_of3A_22 = arith.constant 80 : i32
    %multiple_of3A_23 = tpu.assume_multiple %multiple_of3A_22, 8 : i32
    %add3A_24 = arith.addi %multiple_of3A_7, %multiple_of3A_23 : i32
    %dma_start3A_25 = tpu.memref_slice %arg4[%add3A_24] : memref<320000xi32, #tpu.memory_space<hbm>> -> memref<80xi32, #tpu.memory_space<hbm>>
    %dma_start3A_26 = tpu.memref_slice %arg4[%add3A_24] : memref<320000xi32, #tpu.memory_space<hbm>> -> memref<80xi32, #tpu.memory_space<hbm>>
    tpu.enqueue_dma source(%dma_start3A_26 : memref<80xi32, #tpu.memory_space<hbm>>) target(%arg16 : memref<80xi32, #tpu.memory_space<vmem>>) target_semaphore(%arg29 : memref<!tpu.dma_semaphore, #tpu.memory_space<semaphore_mem>>)
    %multiple_of3A_27 = arith.constant 0 : i32
    %multiple_of3A_28 = tpu.assume_multiple %multiple_of3A_27, 8 : i32
    %add3A_29 = arith.addi %multiple_of3A_7, %multiple_of3A_28 : i32
    %dma_wait3A = tpu.memref_slice %arg3[%add3A_29] : memref<320000xi32, #tpu.memory_space<hbm>> -> memref<80xi32, #tpu.memory_space<hbm>>
    %dma_wait3A_30 = tpu.memref_slice %arg3[%add3A_29] : memref<320000xi32, #tpu.memory_space<hbm>> -> memref<80xi32, #tpu.memory_space<hbm>>
    tpu.wait_dma2 semaphore(%arg28 : memref<!tpu.dma_semaphore, #tpu.memory_space<semaphore_mem>>) src(%dma_wait3A_30 : memref<80xi32, #tpu.memory_space<hbm>>) dst(%arg11 : memref<80xi32, #tpu.memory_space<vmem>>)
    %multiple_of3A_31 = arith.constant 0 : i32
    %multiple_of3A_32 = tpu.assume_multiple %multiple_of3A_31, 8 : i32
    %add3A_33 = arith.addi %multiple_of3A_7, %multiple_of3A_32 : i32
    %dma_wait3A_34 = tpu.memref_slice %arg4[%add3A_33] : memref<320000xi32, #tpu.memory_space<hbm>> -> memref<80xi32, #tpu.memory_space<hbm>>
    %dma_wait3A_35 = tpu.memref_slice %arg4[%add3A_33] : memref<320000xi32, #tpu.memory_space<hbm>> -> memref<80xi32, #tpu.memory_space<hbm>>
    tpu.wait_dma2 semaphore(%arg28 : memref<!tpu.dma_semaphore, #tpu.memory_space<semaphore_mem>>) src(%dma_wait3A_35 : memref<80xi32, #tpu.memory_space<hbm>>) dst(%arg15 : memref<80xi32, #tpu.memory_space<vmem>>)
    %dma_start3A_36 = arith.constant 0 : i32
    %dma_start3A_37 = arith.constant 0 : i32
    %dma_start3A_38 = tpu.memref_slice %arg2[%dma_start3A_36, %dma_start3A_37] : memref<10000x128xf32, #tpu.memory_space<hbm>> -> memref<10000x128xf32, #tpu.memory_space<hbm>>
    tpu.enqueue_indirect_dma source(%dma_start3A_38 : memref<10000x128xf32, #tpu.memory_space<hbm>>) target(%arg7 : memref<80x128xf32, #tpu.memory_space<vmem>>) offsets(%arg11 : memref<80xi32, #tpu.memory_space<vmem>>) semaphore(%arg20 : memref<!tpu.dma_semaphore, #tpu.memory_space<semaphore_mem>>)
    %multiple_of3A_39 = arith.constant 80 : i32
    %multiple_of3A_40 = tpu.assume_multiple %multiple_of3A_39, 8 : i32
    %add3A_41 = arith.addi %multiple_of3A_7, %multiple_of3A_40 : i32
    %dma_wait3A_42 = tpu.memref_slice %arg3[%add3A_41] : memref<320000xi32, #tpu.memory_space<hbm>> -> memref<80xi32, #tpu.memory_space<hbm>>
    %dma_wait3A_43 = tpu.memref_slice %arg3[%add3A_41] : memref<320000xi32, #tpu.memory_space<hbm>> -> memref<80xi32, #tpu.memory_space<hbm>>
    tpu.wait_dma2 semaphore(%arg29 : memref<!tpu.dma_semaphore, #tpu.memory_space<semaphore_mem>>) src(%dma_wait3A_43 : memref<80xi32, #tpu.memory_space<hbm>>) dst(%arg12 : memref<80xi32, #tpu.memory_space<vmem>>)
    %multiple_of3A_44 = arith.constant 80 : i32
    %multiple_of3A_45 = tpu.assume_multiple %multiple_of3A_44, 8 : i32
    %add3A_46 = arith.addi %multiple_of3A_7, %multiple_of3A_45 : i32
    %dma_wait3A_47 = tpu.memref_slice %arg4[%add3A_46] : memref<320000xi32, #tpu.memory_space<hbm>> -> memref<80xi32, #tpu.memory_space<hbm>>
    %dma_wait3A_48 = tpu.memref_slice %arg4[%add3A_46] : memref<320000xi32, #tpu.memory_space<hbm>> -> memref<80xi32, #tpu.memory_space<hbm>>
    tpu.wait_dma2 semaphore(%arg29 : memref<!tpu.dma_semaphore, #tpu.memory_space<semaphore_mem>>) src(%dma_wait3A_48 : memref<80xi32, #tpu.memory_space<hbm>>) dst(%arg16 : memref<80xi32, #tpu.memory_space<vmem>>)
    %dma_start3A_49 = arith.constant 0 : i32
    %dma_start3A_50 = arith.constant 0 : i32
    %dma_start3A_51 = tpu.memref_slice %arg2[%dma_start3A_49, %dma_start3A_50] : memref<10000x128xf32, #tpu.memory_space<hbm>> -> memref<10000x128xf32, #tpu.memory_space<hbm>>
    tpu.enqueue_indirect_dma source(%dma_start3A_51 : memref<10000x128xf32, #tpu.memory_space<hbm>>) target(%arg8 : memref<80x128xf32, #tpu.memory_space<vmem>>) offsets(%arg12 : memref<80xi32, #tpu.memory_space<vmem>>) semaphore(%arg21 : memref<!tpu.dma_semaphore, #tpu.memory_space<semaphore_mem>>)
    %scan3A = arith.constant 0 : i32
    %scan3A_52 = arith.constant 0 : i32
    %scan3A_53 = arith.constant 32 : i32
    %scan3A_54 = arith.addi %scan3A_52, %scan3A_53 : i32
    %scan3A_55 = arith.constant 1 : i32
    scf.for %scan3A_69 = %scan3A_52 to %scan3A_54 step %scan3A_55  : i32 {
      %mul3A_70 = arith.constant 4 : i32
      %mul3A_71 = arith.muli %mul3A_70, %scan3A_69 : i32
      %add3A_72 = arith.constant 0 : i32
      %add3A_73 = arith.addi %mul3A_71, %add3A_72 : i32
      %lt3A = arith.constant 125 : i32
      %lt3A_74 = arith.cmpi slt, %add3A_73, %lt3A : i32
      %convert_element_type3A_75 = arith.extui %lt3A_74 : i1 to i32
      %cond3A_76 = arith.constant 0 : i32
      %cond3A_77 = arith.cmpi ne, %convert_element_type3A_75, %cond3A_76 : i32
      scf.if %cond3A_77 {
        %ge3A = arith.constant 2 : i32
        %ge3A_105 = arith.cmpi sge, %add3A_73, %ge3A : i32
        %convert_element_type3A_106 = arith.extui %ge3A_105 : i1 to i32
        %cond3A_107 = arith.constant 0 : i32
        %cond3A_108 = arith.cmpi ne, %convert_element_type3A_106, %cond3A_107 : i32
        scf.if %cond3A_108 {
          %sub3A = arith.constant 2 : i32
          %sub3A_129 = arith.subi %add3A_73, %sub3A : i32
          %dma_wait3A_130 = arith.constant 0 : i32
          %dma_wait3A_131 = arith.constant 0 : i32
          %dma_wait3A_132 = tpu.memref_slice %arg19[%dma_wait3A_130, %dma_wait3A_131] : memref<10000x128xf32, #tpu.memory_space<vmem_shared>> -> memref<10000x128xf32, #tpu.memory_space<vmem_shared>>
          tpu.wait_indirect_dma semaphore(%arg26 : memref<!tpu.dma_semaphore, #tpu.memory_space<semaphore_mem>>) src(%arg9 : memref<80x128xf32, #tpu.memory_space<vmem>>) dst(%dma_wait3A_132 : memref<10000x128xf32, #tpu.memory_space<vmem_shared>>)
        } else {
        }
        %add3A_109 = arith.constant 2 : i32
        %add3A_110 = arith.addi %add3A_73, %add3A_109 : i32
        %lt3A_111 = arith.constant 125 : i32
        %lt3A_112 = arith.cmpi slt, %add3A_110, %lt3A_111 : i32
        %convert_element_type3A_113 = arith.extui %lt3A_112 : i1 to i32
        %cond3A_114 = arith.constant 0 : i32
        %cond3A_115 = arith.cmpi ne, %convert_element_type3A_113, %cond3A_114 : i32
        scf.if %cond3A_115 {
          %add3A_129 = arith.constant 2 : i32
          %add3A_130 = arith.addi %add3A_73, %add3A_129 : i32
          %mul3A_131 = arith.constant 80 : i32
          %mul3A_132 = arith.muli %add3A_130, %mul3A_131 : i32
          %multiple_of3A_133 = tpu.assume_multiple %mul3A_132, 8 : i32
          %add3A_134 = arith.addi %multiple_of3A_7, %multiple_of3A_133 : i32
          %dma_start3A_135 = tpu.memref_slice %arg3[%add3A_134] : memref<320000xi32, #tpu.memory_space<hbm>> -> memref<80xi32, #tpu.memory_space<hbm>>
          %dma_start3A_136 = tpu.memref_slice %arg3[%add3A_134] : memref<320000xi32, #tpu.memory_space<hbm>> -> memref<80xi32, #tpu.memory_space<hbm>>
          tpu.enqueue_dma source(%dma_start3A_136 : memref<80xi32, #tpu.memory_space<hbm>>) target(%arg13 : memref<80xi32, #tpu.memory_space<vmem>>) target_semaphore(%arg30 : memref<!tpu.dma_semaphore, #tpu.memory_space<semaphore_mem>>)
          %mul3A_137 = arith.constant 80 : i32
          %mul3A_138 = arith.muli %add3A_130, %mul3A_137 : i32
          %multiple_of3A_139 = tpu.assume_multiple %mul3A_138, 8 : i32
          %add3A_140 = arith.addi %multiple_of3A_7, %multiple_of3A_139 : i32
          %dma_start3A_141 = tpu.memref_slice %arg4[%add3A_140] : memref<320000xi32, #tpu.memory_space<hbm>> -> memref<80xi32, #tpu.memory_space<hbm>>
          %dma_start3A_142 = tpu.memref_slice %arg4[%add3A_140] : memref<320000xi32, #tpu.memory_space<hbm>> -> memref<80xi32, #tpu.memory_space<hbm>>
          tpu.enqueue_dma source(%dma_start3A_142 : memref<80xi32, #tpu.memory_space<hbm>>) target(%arg17 : memref<80xi32, #tpu.memory_space<vmem>>) target_semaphore(%arg30 : memref<!tpu.dma_semaphore, #tpu.memory_space<semaphore_mem>>)
        } else {
        }
        %dma_wait3A_116 = arith.constant 0 : i32
        %dma_wait3A_117 = arith.constant 0 : i32
        %dma_wait3A_118 = tpu.memref_slice %arg2[%dma_wait3A_116, %dma_wait3A_117] : memref<10000x128xf32, #tpu.memory_space<hbm>> -> memref<10000x128xf32, #tpu.memory_space<hbm>>
        tpu.wait_indirect_dma semaphore(%arg20 : memref<!tpu.dma_semaphore, #tpu.memory_space<semaphore_mem>>) src(%dma_wait3A_118 : memref<10000x128xf32, #tpu.memory_space<hbm>>) dst(%arg7 : memref<80x128xf32, #tpu.memory_space<vmem>>)
        %dma_start3A_119 = arith.constant 0 : i32
        %dma_start3A_120 = arith.constant 0 : i32
        %dma_start3A_121 = tpu.memref_slice %arg19[%dma_start3A_119, %dma_start3A_120] : memref<10000x128xf32, #tpu.memory_space<vmem_shared>> -> memref<10000x128xf32, #tpu.memory_space<vmem_shared>>
        tpu.enqueue_indirect_dma source(%arg7 : memref<80x128xf32, #tpu.memory_space<vmem>>) target(%dma_start3A_121 : memref<10000x128xf32, #tpu.memory_space<vmem_shared>>) offsets(%arg15 : memref<80xi32, #tpu.memory_space<vmem>>) semaphore(%arg24 : memref<!tpu.dma_semaphore, #tpu.memory_space<semaphore_mem>>) {add = true}
        %add3A_122 = arith.constant 2 : i32
        %add3A_123 = arith.addi %add3A_73, %add3A_122 : i32
        %lt3A_124 = arith.constant 125 : i32
        %lt3A_125 = arith.cmpi slt, %add3A_123, %lt3A_124 : i32
        %convert_element_type3A_126 = arith.extui %lt3A_125 : i1 to i32
        %cond3A_127 = arith.constant 0 : i32
        %cond3A_128 = arith.cmpi ne, %convert_element_type3A_126, %cond3A_127 : i32
        scf.if %cond3A_128 {
          %add3A_129 = arith.constant 2 : i32
          %add3A_130 = arith.addi %add3A_73, %add3A_129 : i32
          %mul3A_131 = arith.constant 80 : i32
          %mul3A_132 = arith.muli %add3A_130, %mul3A_131 : i32
          %multiple_of3A_133 = tpu.assume_multiple %mul3A_132, 8 : i32
          %add3A_134 = arith.addi %multiple_of3A_7, %multiple_of3A_133 : i32
          %dma_wait3A_135 = tpu.memref_slice %arg3[%add3A_134] : memref<320000xi32, #tpu.memory_space<hbm>> -> memref<80xi32, #tpu.memory_space<hbm>>
          %dma_wait3A_136 = tpu.memref_slice %arg3[%add3A_134] : memref<320000xi32, #tpu.memory_space<hbm>> -> memref<80xi32, #tpu.memory_space<hbm>>
          tpu.wait_dma2 semaphore(%arg30 : memref<!tpu.dma_semaphore, #tpu.memory_space<semaphore_mem>>) src(%dma_wait3A_136 : memref<80xi32, #tpu.memory_space<hbm>>) dst(%arg13 : memref<80xi32, #tpu.memory_space<vmem>>)
          %mul3A_137 = arith.constant 80 : i32
          %mul3A_138 = arith.muli %add3A_130, %mul3A_137 : i32
          %multiple_of3A_139 = tpu.assume_multiple %mul3A_138, 8 : i32
          %add3A_140 = arith.addi %multiple_of3A_7, %multiple_of3A_139 : i32
          %dma_wait3A_141 = tpu.memref_slice %arg4[%add3A_140] : memref<320000xi32, #tpu.memory_space<hbm>> -> memref<80xi32, #tpu.memory_space<hbm>>
          %dma_wait3A_142 = tpu.memref_slice %arg4[%add3A_140] : memref<320000xi32, #tpu.memory_space<hbm>> -> memref<80xi32, #tpu.memory_space<hbm>>
          tpu.wait_dma2 semaphore(%arg30 : memref<!tpu.dma_semaphore, #tpu.memory_space<semaphore_mem>>) src(%dma_wait3A_142 : memref<80xi32, #tpu.memory_space<hbm>>) dst(%arg17 : memref<80xi32, #tpu.memory_space<vmem>>)
          %add3A_143 = arith.constant 2 : i32
          %add3A_144 = arith.addi %add3A_73, %add3A_143 : i32
          %dma_start3A_145 = arith.constant 0 : i32
          %dma_start3A_146 = arith.constant 0 : i32
          %dma_start3A_147 = tpu.memref_slice %arg2[%dma_start3A_145, %dma_start3A_146] : memref<10000x128xf32, #tpu.memory_space<hbm>> -> memref<10000x128xf32, #tpu.memory_space<hbm>>
          tpu.enqueue_indirect_dma source(%dma_start3A_147 : memref<10000x128xf32, #tpu.memory_space<hbm>>) target(%arg9 : memref<80x128xf32, #tpu.memory_space<vmem>>) offsets(%arg13 : memref<80xi32, #tpu.memory_space<vmem>>) semaphore(%arg22 : memref<!tpu.dma_semaphore, #tpu.memory_space<semaphore_mem>>)
        } else {
        }
      } else {
      }
      %mul3A_78 = arith.constant 4 : i32
      %mul3A_79 = arith.muli %mul3A_78, %scan3A_69 : i32
      %add3A_80 = arith.constant 1 : i32
      %add3A_81 = arith.addi %mul3A_79, %add3A_80 : i32
      %lt3A_82 = arith.constant 125 : i32
      %lt3A_83 = arith.cmpi slt, %add3A_81, %lt3A_82 : i32
      %convert_element_type3A_84 = arith.extui %lt3A_83 : i1 to i32
      %cond3A_85 = arith.constant 0 : i32
      %cond3A_86 = arith.cmpi ne, %convert_element_type3A_84, %cond3A_85 : i32
      scf.if %cond3A_86 {
        %ge3A = arith.constant 2 : i32
        %ge3A_105 = arith.cmpi sge, %add3A_81, %ge3A : i32
        %convert_element_type3A_106 = arith.extui %ge3A_105 : i1 to i32
        %cond3A_107 = arith.constant 0 : i32
        %cond3A_108 = arith.cmpi ne, %convert_element_type3A_106, %cond3A_107 : i32
        scf.if %cond3A_108 {
          %sub3A = arith.constant 2 : i32
          %sub3A_129 = arith.subi %add3A_81, %sub3A : i32
          %dma_wait3A_130 = arith.constant 0 : i32
          %dma_wait3A_131 = arith.constant 0 : i32
          %dma_wait3A_132 = tpu.memref_slice %arg19[%dma_wait3A_130, %dma_wait3A_131] : memref<10000x128xf32, #tpu.memory_space<vmem_shared>> -> memref<10000x128xf32, #tpu.memory_space<vmem_shared>>
          tpu.wait_indirect_dma semaphore(%arg27 : memref<!tpu.dma_semaphore, #tpu.memory_space<semaphore_mem>>) src(%arg10 : memref<80x128xf32, #tpu.memory_space<vmem>>) dst(%dma_wait3A_132 : memref<10000x128xf32, #tpu.memory_space<vmem_shared>>)
        } else {
        }
        %add3A_109 = arith.constant 2 : i32
        %add3A_110 = arith.addi %add3A_81, %add3A_109 : i32
        %lt3A_111 = arith.constant 125 : i32
        %lt3A_112 = arith.cmpi slt, %add3A_110, %lt3A_111 : i32
        %convert_element_type3A_113 = arith.extui %lt3A_112 : i1 to i32
        %cond3A_114 = arith.constant 0 : i32
        %cond3A_115 = arith.cmpi ne, %convert_element_type3A_113, %cond3A_114 : i32
        scf.if %cond3A_115 {
          %add3A_129 = arith.constant 2 : i32
          %add3A_130 = arith.addi %add3A_81, %add3A_129 : i32
          %mul3A_131 = arith.constant 80 : i32
          %mul3A_132 = arith.muli %add3A_130, %mul3A_131 : i32
          %multiple_of3A_133 = tpu.assume_multiple %mul3A_132, 8 : i32
          %add3A_134 = arith.addi %multiple_of3A_7, %multiple_of3A_133 : i32
          %dma_start3A_135 = tpu.memref_slice %arg3[%add3A_134] : memref<320000xi32, #tpu.memory_space<hbm>> -> memref<80xi32, #tpu.memory_space<hbm>>
          %dma_start3A_136 = tpu.memref_slice %arg3[%add3A_134] : memref<320000xi32, #tpu.memory_space<hbm>> -> memref<80xi32, #tpu.memory_space<hbm>>
          tpu.enqueue_dma source(%dma_start3A_136 : memref<80xi32, #tpu.memory_space<hbm>>) target(%arg14 : memref<80xi32, #tpu.memory_space<vmem>>) target_semaphore(%arg31 : memref<!tpu.dma_semaphore, #tpu.memory_space<semaphore_mem>>)
          %mul3A_137 = arith.constant 80 : i32
          %mul3A_138 = arith.muli %add3A_130, %mul3A_137 : i32
          %multiple_of3A_139 = tpu.assume_multiple %mul3A_138, 8 : i32
          %add3A_140 = arith.addi %multiple_of3A_7, %multiple_of3A_139 : i32
          %dma_start3A_141 = tpu.memref_slice %arg4[%add3A_140] : memref<320000xi32, #tpu.memory_space<hbm>> -> memref<80xi32, #tpu.memory_space<hbm>>
          %dma_start3A_142 = tpu.memref_slice %arg4[%add3A_140] : memref<320000xi32, #tpu.memory_space<hbm>> -> memref<80xi32, #tpu.memory_space<hbm>>
          tpu.enqueue_dma source(%dma_start3A_142 : memref<80xi32, #tpu.memory_space<hbm>>) target(%arg18 : memref<80xi32, #tpu.memory_space<vmem>>) target_semaphore(%arg31 : memref<!tpu.dma_semaphore, #tpu.memory_space<semaphore_mem>>)
        } else {
        }
        %dma_wait3A_116 = arith.constant 0 : i32
        %dma_wait3A_117 = arith.constant 0 : i32
        %dma_wait3A_118 = tpu.memref_slice %arg2[%dma_wait3A_116, %dma_wait3A_117] : memref<10000x128xf32, #tpu.memory_space<hbm>> -> memref<10000x128xf32, #tpu.memory_space<hbm>>
        tpu.wait_indirect_dma semaphore(%arg21 : memref<!tpu.dma_semaphore, #tpu.memory_space<semaphore_mem>>) src(%dma_wait3A_118 : memref<10000x128xf32, #tpu.memory_space<hbm>>) dst(%arg8 : memref<80x128xf32, #tpu.memory_space<vmem>>)
        %dma_start3A_119 = arith.constant 0 : i32
        %dma_start3A_120 = arith.constant 0 : i32
        %dma_start3A_121 = tpu.memref_slice %arg19[%dma_start3A_119, %dma_start3A_120] : memref<10000x128xf32, #tpu.memory_space<vmem_shared>> -> memref<10000x128xf32, #tpu.memory_space<vmem_shared>>
        tpu.enqueue_indirect_dma source(%arg8 : memref<80x128xf32, #tpu.memory_space<vmem>>) target(%dma_start3A_121 : memref<10000x128xf32, #tpu.memory_space<vmem_shared>>) offsets(%arg16 : memref<80xi32, #tpu.memory_space<vmem>>) semaphore(%arg25 : memref<!tpu.dma_semaphore, #tpu.memory_space<semaphore_mem>>) {add = true}
        %add3A_122 = arith.constant 2 : i32
        %add3A_123 = arith.addi %add3A_81, %add3A_122 : i32
        %lt3A_124 = arith.constant 125 : i32
        %lt3A_125 = arith.cmpi slt, %add3A_123, %lt3A_124 : i32
        %convert_element_type3A_126 = arith.extui %lt3A_125 : i1 to i32
        %cond3A_127 = arith.constant 0 : i32
        %cond3A_128 = arith.cmpi ne, %convert_element_type3A_126, %cond3A_127 : i32
        scf.if %cond3A_128 {
          %add3A_129 = arith.constant 2 : i32
          %add3A_130 = arith.addi %add3A_81, %add3A_129 : i32
          %mul3A_131 = arith.constant 80 : i32
          %mul3A_132 = arith.muli %add3A_130, %mul3A_131 : i32
          %multiple_of3A_133 = tpu.assume_multiple %mul3A_132, 8 : i32
          %add3A_134 = arith.addi %multiple_of3A_7, %multiple_of3A_133 : i32
          %dma_wait3A_135 = tpu.memref_slice %arg3[%add3A_134] : memref<320000xi32, #tpu.memory_space<hbm>> -> memref<80xi32, #tpu.memory_space<hbm>>
          %dma_wait3A_136 = tpu.memref_slice %arg3[%add3A_134] : memref<320000xi32, #tpu.memory_space<hbm>> -> memref<80xi32, #tpu.memory_space<hbm>>
          tpu.wait_dma2 semaphore(%arg31 : memref<!tpu.dma_semaphore, #tpu.memory_space<semaphore_mem>>) src(%dma_wait3A_136 : memref<80xi32, #tpu.memory_space<hbm>>) dst(%arg14 : memref<80xi32, #tpu.memory_space<vmem>>)
          %mul3A_137 = arith.constant 80 : i32
          %mul3A_138 = arith.muli %add3A_130, %mul3A_137 : i32
          %multiple_of3A_139 = tpu.assume_multiple %mul3A_138, 8 : i32
          %add3A_140 = arith.addi %multiple_of3A_7, %multiple_of3A_139 : i32
          %dma_wait3A_141 = tpu.memref_slice %arg4[%add3A_140] : memref<320000xi32, #tpu.memory_space<hbm>> -> memref<80xi32, #tpu.memory_space<hbm>>
          %dma_wait3A_142 = tpu.memref_slice %arg4[%add3A_140] : memref<320000xi32, #tpu.memory_space<hbm>> -> memref<80xi32, #tpu.memory_space<hbm>>
          tpu.wait_dma2 semaphore(%arg31 : memref<!tpu.dma_semaphore, #tpu.memory_space<semaphore_mem>>) src(%dma_wait3A_142 : memref<80xi32, #tpu.memory_space<hbm>>) dst(%arg18 : memref<80xi32, #tpu.memory_space<vmem>>)
          %add3A_143 = arith.constant 2 : i32
          %add3A_144 = arith.addi %add3A_81, %add3A_143 : i32
          %dma_start3A_145 = arith.constant 0 : i32
          %dma_start3A_146 = arith.constant 0 : i32
          %dma_start3A_147 = tpu.memref_slice %arg2[%dma_start3A_145, %dma_start3A_146] : memref<10000x128xf32, #tpu.memory_space<hbm>> -> memref<10000x128xf32, #tpu.memory_space<hbm>>
          tpu.enqueue_indirect_dma source(%dma_start3A_147 : memref<10000x128xf32, #tpu.memory_space<hbm>>) target(%arg10 : memref<80x128xf32, #tpu.memory_space<vmem>>) offsets(%arg14 : memref<80xi32, #tpu.memory_space<vmem>>) semaphore(%arg23 : memref<!tpu.dma_semaphore, #tpu.memory_space<semaphore_mem>>)
        } else {
        }
      } else {
      }
      %mul3A_87 = arith.constant 4 : i32
      %mul3A_88 = arith.muli %mul3A_87, %scan3A_69 : i32
      %add3A_89 = arith.constant 2 : i32
      %add3A_90 = arith.addi %mul3A_88, %add3A_89 : i32
      %lt3A_91 = arith.constant 125 : i32
      %lt3A_92 = arith.cmpi slt, %add3A_90, %lt3A_91 : i32
      %convert_element_type3A_93 = arith.extui %lt3A_92 : i1 to i32
      %cond3A_94 = arith.constant 0 : i32
      %cond3A_95 = arith.cmpi ne, %convert_element_type3A_93, %cond3A_94 : i32
      scf.if %cond3A_95 {
        %ge3A = arith.constant 2 : i32
        %ge3A_105 = arith.cmpi sge, %add3A_90, %ge3A : i32
        %convert_element_type3A_106 = arith.extui %ge3A_105 : i1 to i32
        %cond3A_107 = arith.constant 0 : i32
        %cond3A_108 = arith.cmpi ne, %convert_element_type3A_106, %cond3A_107 : i32
        scf.if %cond3A_108 {
          %sub3A = arith.constant 2 : i32
          %sub3A_129 = arith.subi %add3A_90, %sub3A : i32
          %dma_wait3A_130 = arith.constant 0 : i32
          %dma_wait3A_131 = arith.constant 0 : i32
          %dma_wait3A_132 = tpu.memref_slice %arg19[%dma_wait3A_130, %dma_wait3A_131] : memref<10000x128xf32, #tpu.memory_space<vmem_shared>> -> memref<10000x128xf32, #tpu.memory_space<vmem_shared>>
          tpu.wait_indirect_dma semaphore(%arg24 : memref<!tpu.dma_semaphore, #tpu.memory_space<semaphore_mem>>) src(%arg7 : memref<80x128xf32, #tpu.memory_space<vmem>>) dst(%dma_wait3A_132 : memref<10000x128xf32, #tpu.memory_space<vmem_shared>>)
        } else {
        }
        %add3A_109 = arith.constant 2 : i32
        %add3A_110 = arith.addi %add3A_90, %add3A_109 : i32
        %lt3A_111 = arith.constant 125 : i32
        %lt3A_112 = arith.cmpi slt, %add3A_110, %lt3A_111 : i32
        %convert_element_type3A_113 = arith.extui %lt3A_112 : i1 to i32
        %cond3A_114 = arith.constant 0 : i32
        %cond3A_115 = arith.cmpi ne, %convert_element_type3A_113, %cond3A_114 : i32
        scf.if %cond3A_115 {
          %add3A_129 = arith.constant 2 : i32
          %add3A_130 = arith.addi %add3A_90, %add3A_129 : i32
          %mul3A_131 = arith.constant 80 : i32
          %mul3A_132 = arith.muli %add3A_130, %mul3A_131 : i32
          %multiple_of3A_133 = tpu.assume_multiple %mul3A_132, 8 : i32
          %add3A_134 = arith.addi %multiple_of3A_7, %multiple_of3A_133 : i32
          %dma_start3A_135 = tpu.memref_slice %arg3[%add3A_134] : memref<320000xi32, #tpu.memory_space<hbm>> -> memref<80xi32, #tpu.memory_space<hbm>>
          %dma_start3A_136 = tpu.memref_slice %arg3[%add3A_134] : memref<320000xi32, #tpu.memory_space<hbm>> -> memref<80xi32, #tpu.memory_space<hbm>>
          tpu.enqueue_dma source(%dma_start3A_136 : memref<80xi32, #tpu.memory_space<hbm>>) target(%arg11 : memref<80xi32, #tpu.memory_space<vmem>>) target_semaphore(%arg28 : memref<!tpu.dma_semaphore, #tpu.memory_space<semaphore_mem>>)
          %mul3A_137 = arith.constant 80 : i32
          %mul3A_138 = arith.muli %add3A_130, %mul3A_137 : i32
          %multiple_of3A_139 = tpu.assume_multiple %mul3A_138, 8 : i32
          %add3A_140 = arith.addi %multiple_of3A_7, %multiple_of3A_139 : i32
          %dma_start3A_141 = tpu.memref_slice %arg4[%add3A_140] : memref<320000xi32, #tpu.memory_space<hbm>> -> memref<80xi32, #tpu.memory_space<hbm>>
          %dma_start3A_142 = tpu.memref_slice %arg4[%add3A_140] : memref<320000xi32, #tpu.memory_space<hbm>> -> memref<80xi32, #tpu.memory_space<hbm>>
          tpu.enqueue_dma source(%dma_start3A_142 : memref<80xi32, #tpu.memory_space<hbm>>) target(%arg15 : memref<80xi32, #tpu.memory_space<vmem>>) target_semaphore(%arg28 : memref<!tpu.dma_semaphore, #tpu.memory_space<semaphore_mem>>)
        } else {
        }
        %dma_wait3A_116 = arith.constant 0 : i32
        %dma_wait3A_117 = arith.constant 0 : i32
        %dma_wait3A_118 = tpu.memref_slice %arg2[%dma_wait3A_116, %dma_wait3A_117] : memref<10000x128xf32, #tpu.memory_space<hbm>> -> memref<10000x128xf32, #tpu.memory_space<hbm>>
        tpu.wait_indirect_dma semaphore(%arg22 : memref<!tpu.dma_semaphore, #tpu.memory_space<semaphore_mem>>) src(%dma_wait3A_118 : memref<10000x128xf32, #tpu.memory_space<hbm>>) dst(%arg9 : memref<80x128xf32, #tpu.memory_space<vmem>>)
        %dma_start3A_119 = arith.constant 0 : i32
        %dma_start3A_120 = arith.constant 0 : i32
        %dma_start3A_121 = tpu.memref_slice %arg19[%dma_start3A_119, %dma_start3A_120] : memref<10000x128xf32, #tpu.memory_space<vmem_shared>> -> memref<10000x128xf32, #tpu.memory_space<vmem_shared>>
        tpu.enqueue_indirect_dma source(%arg9 : memref<80x128xf32, #tpu.memory_space<vmem>>) target(%dma_start3A_121 : memref<10000x128xf32, #tpu.memory_space<vmem_shared>>) offsets(%arg17 : memref<80xi32, #tpu.memory_space<vmem>>) semaphore(%arg26 : memref<!tpu.dma_semaphore, #tpu.memory_space<semaphore_mem>>) {add = true}
        %add3A_122 = arith.constant 2 : i32
        %add3A_123 = arith.addi %add3A_90, %add3A_122 : i32
        %lt3A_124 = arith.constant 125 : i32
        %lt3A_125 = arith.cmpi slt, %add3A_123, %lt3A_124 : i32
        %convert_element_type3A_126 = arith.extui %lt3A_125 : i1 to i32
        %cond3A_127 = arith.constant 0 : i32
        %cond3A_128 = arith.cmpi ne, %convert_element_type3A_126, %cond3A_127 : i32
        scf.if %cond3A_128 {
          %add3A_129 = arith.constant 2 : i32
          %add3A_130 = arith.addi %add3A_90, %add3A_129 : i32
          %mul3A_131 = arith.constant 80 : i32
          %mul3A_132 = arith.muli %add3A_130, %mul3A_131 : i32
          %multiple_of3A_133 = tpu.assume_multiple %mul3A_132, 8 : i32
          %add3A_134 = arith.addi %multiple_of3A_7, %multiple_of3A_133 : i32
          %dma_wait3A_135 = tpu.memref_slice %arg3[%add3A_134] : memref<320000xi32, #tpu.memory_space<hbm>> -> memref<80xi32, #tpu.memory_space<hbm>>
          %dma_wait3A_136 = tpu.memref_slice %arg3[%add3A_134] : memref<320000xi32, #tpu.memory_space<hbm>> -> memref<80xi32, #tpu.memory_space<hbm>>
          tpu.wait_dma2 semaphore(%arg28 : memref<!tpu.dma_semaphore, #tpu.memory_space<semaphore_mem>>) src(%dma_wait3A_136 : memref<80xi32, #tpu.memory_space<hbm>>) dst(%arg11 : memref<80xi32, #tpu.memory_space<vmem>>)
          %mul3A_137 = arith.constant 80 : i32
          %mul3A_138 = arith.muli %add3A_130, %mul3A_137 : i32
          %multiple_of3A_139 = tpu.assume_multiple %mul3A_138, 8 : i32
          %add3A_140 = arith.addi %multiple_of3A_7, %multiple_of3A_139 : i32
          %dma_wait3A_141 = tpu.memref_slice %arg4[%add3A_140] : memref<320000xi32, #tpu.memory_space<hbm>> -> memref<80xi32, #tpu.memory_space<hbm>>
          %dma_wait3A_142 = tpu.memref_slice %arg4[%add3A_140] : memref<320000xi32, #tpu.memory_space<hbm>> -> memref<80xi32, #tpu.memory_space<hbm>>
          tpu.wait_dma2 semaphore(%arg28 : memref<!tpu.dma_semaphore, #tpu.memory_space<semaphore_mem>>) src(%dma_wait3A_142 : memref<80xi32, #tpu.memory_space<hbm>>) dst(%arg15 : memref<80xi32, #tpu.memory_space<vmem>>)
          %add3A_143 = arith.constant 2 : i32
          %add3A_144 = arith.addi %add3A_90, %add3A_143 : i32
          %dma_start3A_145 = arith.constant 0 : i32
          %dma_start3A_146 = arith.constant 0 : i32
          %dma_start3A_147 = tpu.memref_slice %arg2[%dma_start3A_145, %dma_start3A_146] : memref<10000x128xf32, #tpu.memory_space<hbm>> -> memref<10000x128xf32, #tpu.memory_space<hbm>>
          tpu.enqueue_indirect_dma source(%dma_start3A_147 : memref<10000x128xf32, #tpu.memory_space<hbm>>) target(%arg7 : memref<80x128xf32, #tpu.memory_space<vmem>>) offsets(%arg11 : memref<80xi32, #tpu.memory_space<vmem>>) semaphore(%arg20 : memref<!tpu.dma_semaphore, #tpu.memory_space<semaphore_mem>>)
        } else {
        }
      } else {
      }
      %mul3A_96 = arith.constant 4 : i32
      %mul3A_97 = arith.muli %mul3A_96, %scan3A_69 : i32
      %add3A_98 = arith.constant 3 : i32
      %add3A_99 = arith.addi %mul3A_97, %add3A_98 : i32
      %lt3A_100 = arith.constant 125 : i32
      %lt3A_101 = arith.cmpi slt, %add3A_99, %lt3A_100 : i32
      %convert_element_type3A_102 = arith.extui %lt3A_101 : i1 to i32
      %cond3A_103 = arith.constant 0 : i32
      %cond3A_104 = arith.cmpi ne, %convert_element_type3A_102, %cond3A_103 : i32
      scf.if %cond3A_104 {
        %ge3A = arith.constant 2 : i32
        %ge3A_105 = arith.cmpi sge, %add3A_99, %ge3A : i32
        %convert_element_type3A_106 = arith.extui %ge3A_105 : i1 to i32
        %cond3A_107 = arith.constant 0 : i32
        %cond3A_108 = arith.cmpi ne, %convert_element_type3A_106, %cond3A_107 : i32
        scf.if %cond3A_108 {
          %sub3A = arith.constant 2 : i32
          %sub3A_129 = arith.subi %add3A_99, %sub3A : i32
          %dma_wait3A_130 = arith.constant 0 : i32
          %dma_wait3A_131 = arith.constant 0 : i32
          %dma_wait3A_132 = tpu.memref_slice %arg19[%dma_wait3A_130, %dma_wait3A_131] : memref<10000x128xf32, #tpu.memory_space<vmem_shared>> -> memref<10000x128xf32, #tpu.memory_space<vmem_shared>>
          tpu.wait_indirect_dma semaphore(%arg25 : memref<!tpu.dma_semaphore, #tpu.memory_space<semaphore_mem>>) src(%arg8 : memref<80x128xf32, #tpu.memory_space<vmem>>) dst(%dma_wait3A_132 : memref<10000x128xf32, #tpu.memory_space<vmem_shared>>)
        } else {
        }
        %add3A_109 = arith.constant 2 : i32
        %add3A_110 = arith.addi %add3A_99, %add3A_109 : i32
        %lt3A_111 = arith.constant 125 : i32
        %lt3A_112 = arith.cmpi slt, %add3A_110, %lt3A_111 : i32
        %convert_element_type3A_113 = arith.extui %lt3A_112 : i1 to i32
        %cond3A_114 = arith.constant 0 : i32
        %cond3A_115 = arith.cmpi ne, %convert_element_type3A_113, %cond3A_114 : i32
        scf.if %cond3A_115 {
          %add3A_129 = arith.constant 2 : i32
          %add3A_130 = arith.addi %add3A_99, %add3A_129 : i32
          %mul3A_131 = arith.constant 80 : i32
          %mul3A_132 = arith.muli %add3A_130, %mul3A_131 : i32
          %multiple_of3A_133 = tpu.assume_multiple %mul3A_132, 8 : i32
          %add3A_134 = arith.addi %multiple_of3A_7, %multiple_of3A_133 : i32
          %dma_start3A_135 = tpu.memref_slice %arg3[%add3A_134] : memref<320000xi32, #tpu.memory_space<hbm>> -> memref<80xi32, #tpu.memory_space<hbm>>
          %dma_start3A_136 = tpu.memref_slice %arg3[%add3A_134] : memref<320000xi32, #tpu.memory_space<hbm>> -> memref<80xi32, #tpu.memory_space<hbm>>
          tpu.enqueue_dma source(%dma_start3A_136 : memref<80xi32, #tpu.memory_space<hbm>>) target(%arg12 : memref<80xi32, #tpu.memory_space<vmem>>) target_semaphore(%arg29 : memref<!tpu.dma_semaphore, #tpu.memory_space<semaphore_mem>>)
          %mul3A_137 = arith.constant 80 : i32
          %mul3A_138 = arith.muli %add3A_130, %mul3A_137 : i32
          %multiple_of3A_139 = tpu.assume_multiple %mul3A_138, 8 : i32
          %add3A_140 = arith.addi %multiple_of3A_7, %multiple_of3A_139 : i32
          %dma_start3A_141 = tpu.memref_slice %arg4[%add3A_140] : memref<320000xi32, #tpu.memory_space<hbm>> -> memref<80xi32, #tpu.memory_space<hbm>>
          %dma_start3A_142 = tpu.memref_slice %arg4[%add3A_140] : memref<320000xi32, #tpu.memory_space<hbm>> -> memref<80xi32, #tpu.memory_space<hbm>>
          tpu.enqueue_dma source(%dma_start3A_142 : memref<80xi32, #tpu.memory_space<hbm>>) target(%arg16 : memref<80xi32, #tpu.memory_space<vmem>>) target_semaphore(%arg29 : memref<!tpu.dma_semaphore, #tpu.memory_space<semaphore_mem>>)
        } else {
        }
        %dma_wait3A_116 = arith.constant 0 : i32
        %dma_wait3A_117 = arith.constant 0 : i32
        %dma_wait3A_118 = tpu.memref_slice %arg2[%dma_wait3A_116, %dma_wait3A_117] : memref<10000x128xf32, #tpu.memory_space<hbm>> -> memref<10000x128xf32, #tpu.memory_space<hbm>>
        tpu.wait_indirect_dma semaphore(%arg23 : memref<!tpu.dma_semaphore, #tpu.memory_space<semaphore_mem>>) src(%dma_wait3A_118 : memref<10000x128xf32, #tpu.memory_space<hbm>>) dst(%arg10 : memref<80x128xf32, #tpu.memory_space<vmem>>)
        %dma_start3A_119 = arith.constant 0 : i32
        %dma_start3A_120 = arith.constant 0 : i32
        %dma_start3A_121 = tpu.memref_slice %arg19[%dma_start3A_119, %dma_start3A_120] : memref<10000x128xf32, #tpu.memory_space<vmem_shared>> -> memref<10000x128xf32, #tpu.memory_space<vmem_shared>>
        tpu.enqueue_indirect_dma source(%arg10 : memref<80x128xf32, #tpu.memory_space<vmem>>) target(%dma_start3A_121 : memref<10000x128xf32, #tpu.memory_space<vmem_shared>>) offsets(%arg18 : memref<80xi32, #tpu.memory_space<vmem>>) semaphore(%arg27 : memref<!tpu.dma_semaphore, #tpu.memory_space<semaphore_mem>>) {add = true}
        %add3A_122 = arith.constant 2 : i32
        %add3A_123 = arith.addi %add3A_99, %add3A_122 : i32
        %lt3A_124 = arith.constant 125 : i32
        %lt3A_125 = arith.cmpi slt, %add3A_123, %lt3A_124 : i32
        %convert_element_type3A_126 = arith.extui %lt3A_125 : i1 to i32
        %cond3A_127 = arith.constant 0 : i32
        %cond3A_128 = arith.cmpi ne, %convert_element_type3A_126, %cond3A_127 : i32
        scf.if %cond3A_128 {
          %add3A_129 = arith.constant 2 : i32
          %add3A_130 = arith.addi %add3A_99, %add3A_129 : i32
          %mul3A_131 = arith.constant 80 : i32
          %mul3A_132 = arith.muli %add3A_130, %mul3A_131 : i32
          %multiple_of3A_133 = tpu.assume_multiple %mul3A_132, 8 : i32
          %add3A_134 = arith.addi %multiple_of3A_7, %multiple_of3A_133 : i32
          %dma_wait3A_135 = tpu.memref_slice %arg3[%add3A_134] : memref<320000xi32, #tpu.memory_space<hbm>> -> memref<80xi32, #tpu.memory_space<hbm>>
          %dma_wait3A_136 = tpu.memref_slice %arg3[%add3A_134] : memref<320000xi32, #tpu.memory_space<hbm>> -> memref<80xi32, #tpu.memory_space<hbm>>
          tpu.wait_dma2 semaphore(%arg29 : memref<!tpu.dma_semaphore, #tpu.memory_space<semaphore_mem>>) src(%dma_wait3A_136 : memref<80xi32, #tpu.memory_space<hbm>>) dst(%arg12 : memref<80xi32, #tpu.memory_space<vmem>>)
          %mul3A_137 = arith.constant 80 : i32
          %mul3A_138 = arith.muli %add3A_130, %mul3A_137 : i32
          %multiple_of3A_139 = tpu.assume_multiple %mul3A_138, 8 : i32
          %add3A_140 = arith.addi %multiple_of3A_7, %multiple_of3A_139 : i32
          %dma_wait3A_141 = tpu.memref_slice %arg4[%add3A_140] : memref<320000xi32, #tpu.memory_space<hbm>> -> memref<80xi32, #tpu.memory_space<hbm>>
          %dma_wait3A_142 = tpu.memref_slice %arg4[%add3A_140] : memref<320000xi32, #tpu.memory_space<hbm>> -> memref<80xi32, #tpu.memory_space<hbm>>
          tpu.wait_dma2 semaphore(%arg29 : memref<!tpu.dma_semaphore, #tpu.memory_space<semaphore_mem>>) src(%dma_wait3A_142 : memref<80xi32, #tpu.memory_space<hbm>>) dst(%arg16 : memref<80xi32, #tpu.memory_space<vmem>>)
          %add3A_143 = arith.constant 2 : i32
          %add3A_144 = arith.addi %add3A_99, %add3A_143 : i32
          %dma_start3A_145 = arith.constant 0 : i32
          %dma_start3A_146 = arith.constant 0 : i32
          %dma_start3A_147 = tpu.memref_slice %arg2[%dma_start3A_145, %dma_start3A_146] : memref<10000x128xf32, #tpu.memory_space<hbm>> -> memref<10000x128xf32, #tpu.memory_space<hbm>>
          tpu.enqueue_indirect_dma source(%dma_start3A_147 : memref<10000x128xf32, #tpu.memory_space<hbm>>) target(%arg8 : memref<80x128xf32, #tpu.memory_space<vmem>>) offsets(%arg12 : memref<80xi32, #tpu.memory_space<vmem>>) semaphore(%arg21 : memref<!tpu.dma_semaphore, #tpu.memory_space<semaphore_mem>>)
        } else {
        }
      } else {
      }
    }
    %scan3A_56 = arith.constant 32 : i32
    %dma_wait3A_57 = arith.constant 0 : i32
    %dma_wait3A_58 = arith.constant 0 : i32
    %dma_wait3A_59 = tpu.memref_slice %arg19[%dma_wait3A_57, %dma_wait3A_58] : memref<10000x128xf32, #tpu.memory_space<vmem_shared>> -> memref<10000x128xf32, #tpu.memory_space<vmem_shared>>
    tpu.wait_indirect_dma semaphore(%arg27 : memref<!tpu.dma_semaphore, #tpu.memory_space<semaphore_mem>>) src(%arg10 : memref<80x128xf32, #tpu.memory_space<vmem>>) dst(%dma_wait3A_59 : memref<10000x128xf32, #tpu.memory_space<vmem_shared>>)
    %dma_wait3A_60 = arith.constant 0 : i32
    %dma_wait3A_61 = arith.constant 0 : i32
    %dma_wait3A_62 = tpu.memref_slice %arg19[%dma_wait3A_60, %dma_wait3A_61] : memref<10000x128xf32, #tpu.memory_space<vmem_shared>> -> memref<10000x128xf32, #tpu.memory_space<vmem_shared>>
    tpu.wait_indirect_dma semaphore(%arg24 : memref<!tpu.dma_semaphore, #tpu.memory_space<semaphore_mem>>) src(%arg7 : memref<80x128xf32, #tpu.memory_space<vmem>>) dst(%dma_wait3A_62 : memref<10000x128xf32, #tpu.memory_space<vmem_shared>>)
    %barrier3A_63 = arith.constant 0 : index
    tpu.barrier barrier_id(%barrier3A_63)
    "tpu.region"() ({
      %run_scoped3A = tpu.sem_alloc : memref<!tpu.dma_semaphore, #tpu.memory_space<semaphore_mem>>
      %dma_start3A_69 = arith.constant 0 : i32
      %dma_start3A_70 = tpu.memref_slice %arg6[%arg0, %multiple_of3A, %dma_start3A_69] : memref<2x10000x128xf32, #tpu.memory_space<hbm>> -> memref<1x624x128xf32, #tpu.memory_space<hbm>>
      %dma_start3A_71 = tpu.memref_squeeze %dma_start3A_70 : memref<1x624x128xf32, #tpu.memory_space<hbm>> -> memref<624x128xf32, #tpu.memory_space<hbm>>
      %dma_start3A_72 = arith.constant 0 : i32
      %dma_start3A_73 = tpu.memref_slice %arg19[%multiple_of3A, %dma_start3A_72] : memref<10000x128xf32, #tpu.memory_space<vmem_shared>> -> memref<624x128xf32, #tpu.memory_space<vmem_shared>>
      tpu.enqueue_dma source(%dma_start3A_73 : memref<624x128xf32, #tpu.memory_space<vmem_shared>>) target(%dma_start3A_71 : memref<624x128xf32, #tpu.memory_space<hbm>>) target_semaphore(%run_scoped3A : memref<!tpu.dma_semaphore, #tpu.memory_space<semaphore_mem>>)
      %dma_wait3A_74 = arith.constant 0 : i32
      %dma_wait3A_75 = tpu.memref_slice %arg6[%arg0, %multiple_of3A, %dma_wait3A_74] : memref<2x10000x128xf32, #tpu.memory_space<hbm>> -> memref<1x624x128xf32, #tpu.memory_space<hbm>>
      %dma_wait3A_76 = tpu.memref_squeeze %dma_wait3A_75 : memref<1x624x128xf32, #tpu.memory_space<hbm>> -> memref<624x128xf32, #tpu.memory_space<hbm>>
      %dma_wait3A_77 = arith.constant 0 : i32
      %dma_wait3A_78 = tpu.memref_slice %arg19[%multiple_of3A, %dma_wait3A_77] : memref<10000x128xf32, #tpu.memory_space<vmem_shared>> -> memref<624x128xf32, #tpu.memory_space<vmem_shared>>
      tpu.wait_dma2 semaphore(%run_scoped3A : memref<!tpu.dma_semaphore, #tpu.memory_space<semaphore_mem>>) src(%dma_wait3A_78 : memref<624x128xf32, #tpu.memory_space<vmem_shared>>) dst(%dma_wait3A_76 : memref<624x128xf32, #tpu.memory_space<hbm>>)
      tpu.yield
    }) : () -> ()
    %eq3A_64 = arith.constant 0 : i32
    %eq3A_65 = arith.cmpi eq, %arg1, %eq3A_64 : i32
    %convert_element_type3A_66 = arith.extui %eq3A_65 : i1 to i32
    %cond3A_67 = arith.constant 0 : i32
    %cond3A_68 = arith.cmpi ne, %convert_element_type3A_66, %cond3A_67 : i32
    scf.if %cond3A_68 {
      "tpu.region"() ({
        %run_scoped3A = tpu.sem_alloc : memref<!tpu.dma_semaphore, #tpu.memory_space<semaphore_mem>>
        %dma_start3A_69 = arith.constant 9984 : i32
        %dma_start3A_70 = arith.constant 0 : i32
        %dma_start3A_71 = tpu.memref_slice %arg6[%arg0, %dma_start3A_69, %dma_start3A_70] : memref<2x10000x128xf32, #tpu.memory_space<hbm>> -> memref<1x16x128xf32, #tpu.memory_space<hbm>>
        %dma_start3A_72 = tpu.memref_squeeze %dma_start3A_71 : memref<1x16x128xf32, #tpu.memory_space<hbm>> -> memref<16x128xf32, #tpu.memory_space<hbm>>
        %dma_start3A_73 = arith.constant 9984 : i32
        %dma_start3A_74 = arith.constant 0 : i32
        %dma_start3A_75 = tpu.memref_slice %arg19[%dma_start3A_73, %dma_start3A_74] : memref<10000x128xf32, #tpu.memory_space<vmem_shared>> -> memref<16x128xf32, #tpu.memory_space<vmem_shared>>
        tpu.enqueue_dma source(%dma_start3A_75 : memref<16x128xf32, #tpu.memory_space<vmem_shared>>) target(%dma_start3A_72 : memref<16x128xf32, #tpu.memory_space<hbm>>) target_semaphore(%run_scoped3A : memref<!tpu.dma_semaphore, #tpu.memory_space<semaphore_mem>>)
        %dma_wait3A_76 = arith.constant 9984 : i32
        %dma_wait3A_77 = arith.constant 0 : i32
        %dma_wait3A_78 = tpu.memref_slice %arg6[%arg0, %dma_wait3A_76, %dma_wait3A_77] : memref<2x10000x128xf32, #tpu.memory_space<hbm>> -> memref<1x16x128xf32, #tpu.memory_space<hbm>>
        %dma_wait3A_79 = tpu.memref_squeeze %dma_wait3A_78 : memref<1x16x128xf32, #tpu.memory_space<hbm>> -> memref<16x128xf32, #tpu.memory_space<hbm>>
        %dma_wait3A_80 = arith.constant 9984 : i32
        %dma_wait3A_81 = arith.constant 0 : i32
        %dma_wait3A_82 = tpu.memref_slice %arg19[%dma_wait3A_80, %dma_wait3A_81] : memref<10000x128xf32, #tpu.memory_space<vmem_shared>> -> memref<16x128xf32, #tpu.memory_space<vmem_shared>>
        tpu.wait_dma2 semaphore(%run_scoped3A : memref<!tpu.dma_semaphore, #tpu.memory_space<semaphore_mem>>) src(%dma_wait3A_82 : memref<16x128xf32, #tpu.memory_space<vmem_shared>>) dst(%dma_wait3A_79 : memref<16x128xf32, #tpu.memory_space<hbm>>)
        tpu.yield
      }) : () -> ()
    } else {
    }
    return
  }
}

#map = affine_map<(d0, d1) -> (0, 0)>
#map1 = affine_map<(d0, d1) -> (0)>
#map2 = affine_map<(d0, d1) -> (0, 0, 0)>
module attributes {stable_mosaic.version = 14 : i64} {
  func.func @_sc_agg_body(%arg0: i32, %arg1: i32, %arg2: memref<10000x128xf32, #tpu.memory_space<hbm>>, %arg3: memref<320000xi32, #tpu.memory_space<hbm>>, %arg4: memref<320000xi32, #tpu.memory_space<hbm>>, %arg5: memref<10000x128xf32, #tpu.memory_space<hbm>>, %arg6: memref<2x10000x128xf32, #tpu.memory_space<hbm>>, %arg7: memref<80x128xf32, #tpu.memory_space<vmem>>, %arg8: memref<80x128xf32, #tpu.memory_space<vmem>>, %arg9: memref<80x128xf32, #tpu.memory_space<vmem>>, %arg10: memref<80x128xf32, #tpu.memory_space<vmem>>, %arg11: memref<80xi32, #tpu.memory_space<vmem>>, %arg12: memref<80xi32, #tpu.memory_space<vmem>>, %arg13: memref<80xi32, #tpu.memory_space<vmem>>, %arg14: memref<80xi32, #tpu.memory_space<vmem>>, %arg15: memref<80xi32, #tpu.memory_space<vmem>>, %arg16: memref<80xi32, #tpu.memory_space<vmem>>, %arg17: memref<80xi32, #tpu.memory_space<vmem>>, %arg18: memref<80xi32, #tpu.memory_space<vmem>>, %arg19: memref<10000x128xf32, #tpu.memory_space<vmem_shared>>, %arg20: memref<!tpu.dma_semaphore, #tpu.memory_space<semaphore_mem>>, %arg21: memref<!tpu.dma_semaphore, #tpu.memory_space<semaphore_mem>>, %arg22: memref<!tpu.dma_semaphore, #tpu.memory_space<semaphore_mem>>, %arg23: memref<!tpu.dma_semaphore, #tpu.memory_space<semaphore_mem>>, %arg24: memref<!tpu.dma_semaphore, #tpu.memory_space<semaphore_mem>>, %arg25: memref<!tpu.dma_semaphore, #tpu.memory_space<semaphore_mem>>, %arg26: memref<!tpu.dma_semaphore, #tpu.memory_space<semaphore_mem>>, %arg27: memref<!tpu.dma_semaphore, #tpu.memory_space<semaphore_mem>>, %arg28: memref<!tpu.dma_semaphore, #tpu.memory_space<semaphore_mem>>, %arg29: memref<!tpu.dma_semaphore, #tpu.memory_space<semaphore_mem>>, %arg30: memref<!tpu.dma_semaphore, #tpu.memory_space<semaphore_mem>>, %arg31: memref<!tpu.dma_semaphore, #tpu.memory_space<semaphore_mem>>) attributes {dimension_semantics = [#tpu.dimension_semantics<core_parallel>, #tpu.dimension_semantics<subcore_parallel>], iteration_bounds = array<i64: 2, 16>, scalar_prefetch = 0 : i64, scratch_operands = 25 : i64, tpu.core_type = #tpu.core_type<sc_vector_subcore>, window_params = [{transform_indices = #map}, {transform_indices = #map1}, {transform_indices = #map1}, {transform_indices = #map}, {transform_indices = #map2}]} {
    %mul3A = arith.constant 2 : i32
    %mul3A_0 = arith.muli %arg1, %mul3A : i32
    %add3A = arith.addi %mul3A_0, %arg0 : i32
    %mul3A_1 = arith.constant 624 : i32
    %mul3A_2 = arith.muli %arg1, %mul3A_1 : i32
    %multiple_of3A = tpu.assume_multiple %mul3A_2, 8 : i32
    "tpu.region"() ({
      %run_scoped3A = tpu.sem_alloc : memref<!tpu.dma_semaphore, #tpu.memory_space<semaphore_mem>>
      %dma_start3A_69 = arith.constant 0 : i32
      %dma_start3A_70 = tpu.memref_slice %arg19[%multiple_of3A, %dma_start3A_69] : memref<10000x128xf32, #tpu.memory_space<vmem_shared>> -> memref<624x128xf32, #tpu.memory_space<vmem_shared>>
      %dma_start3A_71 = arith.constant 0 : i32
      %dma_start3A_72 = tpu.memref_slice %arg5[%multiple_of3A, %dma_start3A_71] : memref<10000x128xf32, #tpu.memory_space<hbm>> -> memref<624x128xf32, #tpu.memory_space<hbm>>
      tpu.enqueue_dma source(%dma_start3A_72 : memref<624x128xf32, #tpu.memory_space<hbm>>) target(%dma_start3A_70 : memref<624x128xf32, #tpu.memory_space<vmem_shared>>) target_semaphore(%run_scoped3A : memref<!tpu.dma_semaphore, #tpu.memory_space<semaphore_mem>>)
      %dma_wait3A_73 = arith.constant 0 : i32
      %dma_wait3A_74 = tpu.memref_slice %arg19[%multiple_of3A, %dma_wait3A_73] : memref<10000x128xf32, #tpu.memory_space<vmem_shared>> -> memref<624x128xf32, #tpu.memory_space<vmem_shared>>
      %dma_wait3A_75 = arith.constant 0 : i32
      %dma_wait3A_76 = tpu.memref_slice %arg5[%multiple_of3A, %dma_wait3A_75] : memref<10000x128xf32, #tpu.memory_space<hbm>> -> memref<624x128xf32, #tpu.memory_space<hbm>>
      tpu.wait_dma2 semaphore(%run_scoped3A : memref<!tpu.dma_semaphore, #tpu.memory_space<semaphore_mem>>) src(%dma_wait3A_76 : memref<624x128xf32, #tpu.memory_space<hbm>>) dst(%dma_wait3A_74 : memref<624x128xf32, #tpu.memory_space<vmem_shared>>)
      tpu.yield
    }) : () -> ()
    %eq3A = arith.constant 0 : i32
    %eq3A_3 = arith.cmpi eq, %arg1, %eq3A : i32
    %convert_element_type3A = arith.extui %eq3A_3 : i1 to i32
    %cond3A = arith.constant 0 : i32
    %cond3A_4 = arith.cmpi ne, %convert_element_type3A, %cond3A : i32
    scf.if %cond3A_4 {
      "tpu.region"() ({
        %run_scoped3A = tpu.sem_alloc : memref<!tpu.dma_semaphore, #tpu.memory_space<semaphore_mem>>
        %dma_start3A_69 = arith.constant 9984 : i32
        %dma_start3A_70 = arith.constant 0 : i32
        %dma_start3A_71 = tpu.memref_slice %arg19[%dma_start3A_69, %dma_start3A_70] : memref<10000x128xf32, #tpu.memory_space<vmem_shared>> -> memref<16x128xf32, #tpu.memory_space<vmem_shared>>
        %dma_start3A_72 = arith.constant 9984 : i32
        %dma_start3A_73 = arith.constant 0 : i32
        %dma_start3A_74 = tpu.memref_slice %arg5[%dma_start3A_72, %dma_start3A_73] : memref<10000x128xf32, #tpu.memory_space<hbm>> -> memref<16x128xf32, #tpu.memory_space<hbm>>
        tpu.enqueue_dma source(%dma_start3A_74 : memref<16x128xf32, #tpu.memory_space<hbm>>) target(%dma_start3A_71 : memref<16x128xf32, #tpu.memory_space<vmem_shared>>) target_semaphore(%run_scoped3A : memref<!tpu.dma_semaphore, #tpu.memory_space<semaphore_mem>>)
        %dma_wait3A_75 = arith.constant 9984 : i32
        %dma_wait3A_76 = arith.constant 0 : i32
        %dma_wait3A_77 = tpu.memref_slice %arg19[%dma_wait3A_75, %dma_wait3A_76] : memref<10000x128xf32, #tpu.memory_space<vmem_shared>> -> memref<16x128xf32, #tpu.memory_space<vmem_shared>>
        %dma_wait3A_78 = arith.constant 9984 : i32
        %dma_wait3A_79 = arith.constant 0 : i32
        %dma_wait3A_80 = tpu.memref_slice %arg5[%dma_wait3A_78, %dma_wait3A_79] : memref<10000x128xf32, #tpu.memory_space<hbm>> -> memref<16x128xf32, #tpu.memory_space<hbm>>
        tpu.wait_dma2 semaphore(%run_scoped3A : memref<!tpu.dma_semaphore, #tpu.memory_space<semaphore_mem>>) src(%dma_wait3A_80 : memref<16x128xf32, #tpu.memory_space<hbm>>) dst(%dma_wait3A_77 : memref<16x128xf32, #tpu.memory_space<vmem_shared>>)
        tpu.yield
      }) : () -> ()
    } else {
    }
    %barrier3A = arith.constant 0 : index
    tpu.barrier barrier_id(%barrier3A)
    %mul3A_5 = arith.constant 10000 : i32
    %mul3A_6 = arith.muli %add3A, %mul3A_5 : i32
    %multiple_of3A_7 = tpu.assume_multiple %mul3A_6, 16 : i32
    %multiple_of3A_8 = arith.constant 0 : i32
    %multiple_of3A_9 = tpu.assume_multiple %multiple_of3A_8, 8 : i32
    %add3A_10 = arith.addi %multiple_of3A_7, %multiple_of3A_9 : i32
    %dma_start3A = tpu.memref_slice %arg3[%add3A_10] : memref<320000xi32, #tpu.memory_space<hbm>> -> memref<80xi32, #tpu.memory_space<hbm>>
    %dma_start3A_11 = tpu.memref_slice %arg3[%add3A_10] : memref<320000xi32, #tpu.memory_space<hbm>> -> memref<80xi32, #tpu.memory_space<hbm>>
    tpu.enqueue_dma source(%dma_start3A_11 : memref<80xi32, #tpu.memory_space<hbm>>) target(%arg11 : memref<80xi32, #tpu.memory_space<vmem>>) target_semaphore(%arg28 : memref<!tpu.dma_semaphore, #tpu.memory_space<semaphore_mem>>)
    %multiple_of3A_12 = arith.constant 0 : i32
    %multiple_of3A_13 = tpu.assume_multiple %multiple_of3A_12, 8 : i32
    %add3A_14 = arith.addi %multiple_of3A_7, %multiple_of3A_13 : i32
    %dma_start3A_15 = tpu.memref_slice %arg4[%add3A_14] : memref<320000xi32, #tpu.memory_space<hbm>> -> memref<80xi32, #tpu.memory_space<hbm>>
    %dma_start3A_16 = tpu.memref_slice %arg4[%add3A_14] : memref<320000xi32, #tpu.memory_space<hbm>> -> memref<80xi32, #tpu.memory_space<hbm>>
    tpu.enqueue_dma source(%dma_start3A_16 : memref<80xi32, #tpu.memory_space<hbm>>) target(%arg15 : memref<80xi32, #tpu.memory_space<vmem>>) target_semaphore(%arg28 : memref<!tpu.dma_semaphore, #tpu.memory_space<semaphore_mem>>)
    %multiple_of3A_17 = arith.constant 80 : i32
    %multiple_of3A_18 = tpu.assume_multiple %multiple_of3A_17, 8 : i32
    %add3A_19 = arith.addi %multiple_of3A_7, %multiple_of3A_18 : i32
    %dma_start3A_20 = tpu.memref_slice %arg3[%add3A_19] : memref<320000xi32, #tpu.memory_space<hbm>> -> memref<80xi32, #tpu.memory_space<hbm>>
    %dma_start3A_21 = tpu.memref_slice %arg3[%add3A_19] : memref<320000xi32, #tpu.memory_space<hbm>> -> memref<80xi32, #tpu.memory_space<hbm>>
    tpu.enqueue_dma source(%dma_start3A_21 : memref<80xi32, #tpu.memory_space<hbm>>) target(%arg12 : memref<80xi32, #tpu.memory_space<vmem>>) target_semaphore(%arg29 : memref<!tpu.dma_semaphore, #tpu.memory_space<semaphore_mem>>)
    %multiple_of3A_22 = arith.constant 80 : i32
    %multiple_of3A_23 = tpu.assume_multiple %multiple_of3A_22, 8 : i32
    %add3A_24 = arith.addi %multiple_of3A_7, %multiple_of3A_23 : i32
    %dma_start3A_25 = tpu.memref_slice %arg4[%add3A_24] : memref<320000xi32, #tpu.memory_space<hbm>> -> memref<80xi32, #tpu.memory_space<hbm>>
    %dma_start3A_26 = tpu.memref_slice %arg4[%add3A_24] : memref<320000xi32, #tpu.memory_space<hbm>> -> memref<80xi32, #tpu.memory_space<hbm>>
    tpu.enqueue_dma source(%dma_start3A_26 : memref<80xi32, #tpu.memory_space<hbm>>) target(%arg16 : memref<80xi32, #tpu.memory_space<vmem>>) target_semaphore(%arg29 : memref<!tpu.dma_semaphore, #tpu.memory_space<semaphore_mem>>)
    %multiple_of3A_27 = arith.constant 0 : i32
    %multiple_of3A_28 = tpu.assume_multiple %multiple_of3A_27, 8 : i32
    %add3A_29 = arith.addi %multiple_of3A_7, %multiple_of3A_28 : i32
    %dma_wait3A = tpu.memref_slice %arg3[%add3A_29] : memref<320000xi32, #tpu.memory_space<hbm>> -> memref<80xi32, #tpu.memory_space<hbm>>
    %dma_wait3A_30 = tpu.memref_slice %arg3[%add3A_29] : memref<320000xi32, #tpu.memory_space<hbm>> -> memref<80xi32, #tpu.memory_space<hbm>>
    tpu.wait_dma2 semaphore(%arg28 : memref<!tpu.dma_semaphore, #tpu.memory_space<semaphore_mem>>) src(%dma_wait3A_30 : memref<80xi32, #tpu.memory_space<hbm>>) dst(%arg11 : memref<80xi32, #tpu.memory_space<vmem>>)
    %multiple_of3A_31 = arith.constant 0 : i32
    %multiple_of3A_32 = tpu.assume_multiple %multiple_of3A_31, 8 : i32
    %add3A_33 = arith.addi %multiple_of3A_7, %multiple_of3A_32 : i32
    %dma_wait3A_34 = tpu.memref_slice %arg4[%add3A_33] : memref<320000xi32, #tpu.memory_space<hbm>> -> memref<80xi32, #tpu.memory_space<hbm>>
    %dma_wait3A_35 = tpu.memref_slice %arg4[%add3A_33] : memref<320000xi32, #tpu.memory_space<hbm>> -> memref<80xi32, #tpu.memory_space<hbm>>
    tpu.wait_dma2 semaphore(%arg28 : memref<!tpu.dma_semaphore, #tpu.memory_space<semaphore_mem>>) src(%dma_wait3A_35 : memref<80xi32, #tpu.memory_space<hbm>>) dst(%arg15 : memref<80xi32, #tpu.memory_space<vmem>>)
    %dma_start3A_36 = arith.constant 0 : i32
    %dma_start3A_37 = arith.constant 0 : i32
    %dma_start3A_38 = tpu.memref_slice %arg2[%dma_start3A_36, %dma_start3A_37] : memref<10000x128xf32, #tpu.memory_space<hbm>> -> memref<10000x128xf32, #tpu.memory_space<hbm>>
    tpu.enqueue_indirect_dma source(%dma_start3A_38 : memref<10000x128xf32, #tpu.memory_space<hbm>>) target(%arg7 : memref<80x128xf32, #tpu.memory_space<vmem>>) offsets(%arg11 : memref<80xi32, #tpu.memory_space<vmem>>) semaphore(%arg20 : memref<!tpu.dma_semaphore, #tpu.memory_space<semaphore_mem>>)
    %multiple_of3A_39 = arith.constant 80 : i32
    %multiple_of3A_40 = tpu.assume_multiple %multiple_of3A_39, 8 : i32
    %add3A_41 = arith.addi %multiple_of3A_7, %multiple_of3A_40 : i32
    %dma_wait3A_42 = tpu.memref_slice %arg3[%add3A_41] : memref<320000xi32, #tpu.memory_space<hbm>> -> memref<80xi32, #tpu.memory_space<hbm>>
    %dma_wait3A_43 = tpu.memref_slice %arg3[%add3A_41] : memref<320000xi32, #tpu.memory_space<hbm>> -> memref<80xi32, #tpu.memory_space<hbm>>
    tpu.wait_dma2 semaphore(%arg29 : memref<!tpu.dma_semaphore, #tpu.memory_space<semaphore_mem>>) src(%dma_wait3A_43 : memref<80xi32, #tpu.memory_space<hbm>>) dst(%arg12 : memref<80xi32, #tpu.memory_space<vmem>>)
    %multiple_of3A_44 = arith.constant 80 : i32
    %multiple_of3A_45 = tpu.assume_multiple %multiple_of3A_44, 8 : i32
    %add3A_46 = arith.addi %multiple_of3A_7, %multiple_of3A_45 : i32
    %dma_wait3A_47 = tpu.memref_slice %arg4[%add3A_46] : memref<320000xi32, #tpu.memory_space<hbm>> -> memref<80xi32, #tpu.memory_space<hbm>>
    %dma_wait3A_48 = tpu.memref_slice %arg4[%add3A_46] : memref<320000xi32, #tpu.memory_space<hbm>> -> memref<80xi32, #tpu.memory_space<hbm>>
    tpu.wait_dma2 semaphore(%arg29 : memref<!tpu.dma_semaphore, #tpu.memory_space<semaphore_mem>>) src(%dma_wait3A_48 : memref<80xi32, #tpu.memory_space<hbm>>) dst(%arg16 : memref<80xi32, #tpu.memory_space<vmem>>)
    %dma_start3A_49 = arith.constant 0 : i32
    %dma_start3A_50 = arith.constant 0 : i32
    %dma_start3A_51 = tpu.memref_slice %arg2[%dma_start3A_49, %dma_start3A_50] : memref<10000x128xf32, #tpu.memory_space<hbm>> -> memref<10000x128xf32, #tpu.memory_space<hbm>>
    tpu.enqueue_indirect_dma source(%dma_start3A_51 : memref<10000x128xf32, #tpu.memory_space<hbm>>) target(%arg8 : memref<80x128xf32, #tpu.memory_space<vmem>>) offsets(%arg12 : memref<80xi32, #tpu.memory_space<vmem>>) semaphore(%arg21 : memref<!tpu.dma_semaphore, #tpu.memory_space<semaphore_mem>>)
    %scan3A = arith.constant 0 : i32
    %scan3A_52 = arith.constant 0 : i32
    %scan3A_53 = arith.constant 32 : i32
    %scan3A_54 = arith.addi %scan3A_52, %scan3A_53 : i32
    %scan3A_55 = arith.constant 1 : i32
    scf.for %scan3A_69 = %scan3A_52 to %scan3A_54 step %scan3A_55  : i32 {
      %mul3A_70 = arith.constant 4 : i32
      %mul3A_71 = arith.muli %mul3A_70, %scan3A_69 : i32
      %add3A_72 = arith.constant 0 : i32
      %add3A_73 = arith.addi %mul3A_71, %add3A_72 : i32
      %lt3A = arith.constant 125 : i32
      %lt3A_74 = arith.cmpi slt, %add3A_73, %lt3A : i32
      %convert_element_type3A_75 = arith.extui %lt3A_74 : i1 to i32
      %cond3A_76 = arith.constant 0 : i32
      %cond3A_77 = arith.cmpi ne, %convert_element_type3A_75, %cond3A_76 : i32
      scf.if %cond3A_77 {
        %ge3A = arith.constant 2 : i32
        %ge3A_105 = arith.cmpi sge, %add3A_73, %ge3A : i32
        %convert_element_type3A_106 = arith.extui %ge3A_105 : i1 to i32
        %cond3A_107 = arith.constant 0 : i32
        %cond3A_108 = arith.cmpi ne, %convert_element_type3A_106, %cond3A_107 : i32
        scf.if %cond3A_108 {
          %sub3A = arith.constant 2 : i32
          %sub3A_129 = arith.subi %add3A_73, %sub3A : i32
          %dma_wait3A_130 = arith.constant 0 : i32
          %dma_wait3A_131 = arith.constant 0 : i32
          %dma_wait3A_132 = tpu.memref_slice %arg19[%dma_wait3A_130, %dma_wait3A_131] : memref<10000x128xf32, #tpu.memory_space<vmem_shared>> -> memref<10000x128xf32, #tpu.memory_space<vmem_shared>>
          tpu.wait_indirect_dma semaphore(%arg26 : memref<!tpu.dma_semaphore, #tpu.memory_space<semaphore_mem>>) src(%arg9 : memref<80x128xf32, #tpu.memory_space<vmem>>) dst(%dma_wait3A_132 : memref<10000x128xf32, #tpu.memory_space<vmem_shared>>)
        } else {
        }
        %add3A_109 = arith.constant 2 : i32
        %add3A_110 = arith.addi %add3A_73, %add3A_109 : i32
        %lt3A_111 = arith.constant 125 : i32
        %lt3A_112 = arith.cmpi slt, %add3A_110, %lt3A_111 : i32
        %convert_element_type3A_113 = arith.extui %lt3A_112 : i1 to i32
        %cond3A_114 = arith.constant 0 : i32
        %cond3A_115 = arith.cmpi ne, %convert_element_type3A_113, %cond3A_114 : i32
        scf.if %cond3A_115 {
          %add3A_129 = arith.constant 2 : i32
          %add3A_130 = arith.addi %add3A_73, %add3A_129 : i32
          %mul3A_131 = arith.constant 80 : i32
          %mul3A_132 = arith.muli %add3A_130, %mul3A_131 : i32
          %multiple_of3A_133 = tpu.assume_multiple %mul3A_132, 8 : i32
          %add3A_134 = arith.addi %multiple_of3A_7, %multiple_of3A_133 : i32
          %dma_start3A_135 = tpu.memref_slice %arg3[%add3A_134] : memref<320000xi32, #tpu.memory_space<hbm>> -> memref<80xi32, #tpu.memory_space<hbm>>
          %dma_start3A_136 = tpu.memref_slice %arg3[%add3A_134] : memref<320000xi32, #tpu.memory_space<hbm>> -> memref<80xi32, #tpu.memory_space<hbm>>
          tpu.enqueue_dma source(%dma_start3A_136 : memref<80xi32, #tpu.memory_space<hbm>>) target(%arg13 : memref<80xi32, #tpu.memory_space<vmem>>) target_semaphore(%arg30 : memref<!tpu.dma_semaphore, #tpu.memory_space<semaphore_mem>>)
          %mul3A_137 = arith.constant 80 : i32
          %mul3A_138 = arith.muli %add3A_130, %mul3A_137 : i32
          %multiple_of3A_139 = tpu.assume_multiple %mul3A_138, 8 : i32
          %add3A_140 = arith.addi %multiple_of3A_7, %multiple_of3A_139 : i32
          %dma_start3A_141 = tpu.memref_slice %arg4[%add3A_140] : memref<320000xi32, #tpu.memory_space<hbm>> -> memref<80xi32, #tpu.memory_space<hbm>>
          %dma_start3A_142 = tpu.memref_slice %arg4[%add3A_140] : memref<320000xi32, #tpu.memory_space<hbm>> -> memref<80xi32, #tpu.memory_space<hbm>>
          tpu.enqueue_dma source(%dma_start3A_142 : memref<80xi32, #tpu.memory_space<hbm>>) target(%arg17 : memref<80xi32, #tpu.memory_space<vmem>>) target_semaphore(%arg30 : memref<!tpu.dma_semaphore, #tpu.memory_space<semaphore_mem>>)
        } else {
        }
        %dma_wait3A_116 = arith.constant 0 : i32
        %dma_wait3A_117 = arith.constant 0 : i32
        %dma_wait3A_118 = tpu.memref_slice %arg2[%dma_wait3A_116, %dma_wait3A_117] : memref<10000x128xf32, #tpu.memory_space<hbm>> -> memref<10000x128xf32, #tpu.memory_space<hbm>>
        tpu.wait_indirect_dma semaphore(%arg20 : memref<!tpu.dma_semaphore, #tpu.memory_space<semaphore_mem>>) src(%dma_wait3A_118 : memref<10000x128xf32, #tpu.memory_space<hbm>>) dst(%arg7 : memref<80x128xf32, #tpu.memory_space<vmem>>)
        %dma_start3A_119 = arith.constant 0 : i32
        %dma_start3A_120 = arith.constant 0 : i32
        %dma_start3A_121 = tpu.memref_slice %arg19[%dma_start3A_119, %dma_start3A_120] : memref<10000x128xf32, #tpu.memory_space<vmem_shared>> -> memref<10000x128xf32, #tpu.memory_space<vmem_shared>>
        tpu.enqueue_indirect_dma source(%arg7 : memref<80x128xf32, #tpu.memory_space<vmem>>) target(%dma_start3A_121 : memref<10000x128xf32, #tpu.memory_space<vmem_shared>>) offsets(%arg15 : memref<80xi32, #tpu.memory_space<vmem>>) semaphore(%arg24 : memref<!tpu.dma_semaphore, #tpu.memory_space<semaphore_mem>>) {add = true}
        %add3A_122 = arith.constant 2 : i32
        %add3A_123 = arith.addi %add3A_73, %add3A_122 : i32
        %lt3A_124 = arith.constant 125 : i32
        %lt3A_125 = arith.cmpi slt, %add3A_123, %lt3A_124 : i32
        %convert_element_type3A_126 = arith.extui %lt3A_125 : i1 to i32
        %cond3A_127 = arith.constant 0 : i32
        %cond3A_128 = arith.cmpi ne, %convert_element_type3A_126, %cond3A_127 : i32
        scf.if %cond3A_128 {
          %add3A_129 = arith.constant 2 : i32
          %add3A_130 = arith.addi %add3A_73, %add3A_129 : i32
          %mul3A_131 = arith.constant 80 : i32
          %mul3A_132 = arith.muli %add3A_130, %mul3A_131 : i32
          %multiple_of3A_133 = tpu.assume_multiple %mul3A_132, 8 : i32
          %add3A_134 = arith.addi %multiple_of3A_7, %multiple_of3A_133 : i32
          %dma_wait3A_135 = tpu.memref_slice %arg3[%add3A_134] : memref<320000xi32, #tpu.memory_space<hbm>> -> memref<80xi32, #tpu.memory_space<hbm>>
          %dma_wait3A_136 = tpu.memref_slice %arg3[%add3A_134] : memref<320000xi32, #tpu.memory_space<hbm>> -> memref<80xi32, #tpu.memory_space<hbm>>
          tpu.wait_dma2 semaphore(%arg30 : memref<!tpu.dma_semaphore, #tpu.memory_space<semaphore_mem>>) src(%dma_wait3A_136 : memref<80xi32, #tpu.memory_space<hbm>>) dst(%arg13 : memref<80xi32, #tpu.memory_space<vmem>>)
          %mul3A_137 = arith.constant 80 : i32
          %mul3A_138 = arith.muli %add3A_130, %mul3A_137 : i32
          %multiple_of3A_139 = tpu.assume_multiple %mul3A_138, 8 : i32
          %add3A_140 = arith.addi %multiple_of3A_7, %multiple_of3A_139 : i32
          %dma_wait3A_141 = tpu.memref_slice %arg4[%add3A_140] : memref<320000xi32, #tpu.memory_space<hbm>> -> memref<80xi32, #tpu.memory_space<hbm>>
          %dma_wait3A_142 = tpu.memref_slice %arg4[%add3A_140] : memref<320000xi32, #tpu.memory_space<hbm>> -> memref<80xi32, #tpu.memory_space<hbm>>
          tpu.wait_dma2 semaphore(%arg30 : memref<!tpu.dma_semaphore, #tpu.memory_space<semaphore_mem>>) src(%dma_wait3A_142 : memref<80xi32, #tpu.memory_space<hbm>>) dst(%arg17 : memref<80xi32, #tpu.memory_space<vmem>>)
          %add3A_143 = arith.constant 2 : i32
          %add3A_144 = arith.addi %add3A_73, %add3A_143 : i32
          %dma_start3A_145 = arith.constant 0 : i32
          %dma_start3A_146 = arith.constant 0 : i32
          %dma_start3A_147 = tpu.memref_slice %arg2[%dma_start3A_145, %dma_start3A_146] : memref<10000x128xf32, #tpu.memory_space<hbm>> -> memref<10000x128xf32, #tpu.memory_space<hbm>>
          tpu.enqueue_indirect_dma source(%dma_start3A_147 : memref<10000x128xf32, #tpu.memory_space<hbm>>) target(%arg9 : memref<80x128xf32, #tpu.memory_space<vmem>>) offsets(%arg13 : memref<80xi32, #tpu.memory_space<vmem>>) semaphore(%arg22 : memref<!tpu.dma_semaphore, #tpu.memory_space<semaphore_mem>>)
        } else {
        }
      } else {
      }
      %mul3A_78 = arith.constant 4 : i32
      %mul3A_79 = arith.muli %mul3A_78, %scan3A_69 : i32
      %add3A_80 = arith.constant 1 : i32
      %add3A_81 = arith.addi %mul3A_79, %add3A_80 : i32
      %lt3A_82 = arith.constant 125 : i32
      %lt3A_83 = arith.cmpi slt, %add3A_81, %lt3A_82 : i32
      %convert_element_type3A_84 = arith.extui %lt3A_83 : i1 to i32
      %cond3A_85 = arith.constant 0 : i32
      %cond3A_86 = arith.cmpi ne, %convert_element_type3A_84, %cond3A_85 : i32
      scf.if %cond3A_86 {
        %ge3A = arith.constant 2 : i32
        %ge3A_105 = arith.cmpi sge, %add3A_81, %ge3A : i32
        %convert_element_type3A_106 = arith.extui %ge3A_105 : i1 to i32
        %cond3A_107 = arith.constant 0 : i32
        %cond3A_108 = arith.cmpi ne, %convert_element_type3A_106, %cond3A_107 : i32
        scf.if %cond3A_108 {
          %sub3A = arith.constant 2 : i32
          %sub3A_129 = arith.subi %add3A_81, %sub3A : i32
          %dma_wait3A_130 = arith.constant 0 : i32
          %dma_wait3A_131 = arith.constant 0 : i32
          %dma_wait3A_132 = tpu.memref_slice %arg19[%dma_wait3A_130, %dma_wait3A_131] : memref<10000x128xf32, #tpu.memory_space<vmem_shared>> -> memref<10000x128xf32, #tpu.memory_space<vmem_shared>>
          tpu.wait_indirect_dma semaphore(%arg27 : memref<!tpu.dma_semaphore, #tpu.memory_space<semaphore_mem>>) src(%arg10 : memref<80x128xf32, #tpu.memory_space<vmem>>) dst(%dma_wait3A_132 : memref<10000x128xf32, #tpu.memory_space<vmem_shared>>)
        } else {
        }
        %add3A_109 = arith.constant 2 : i32
        %add3A_110 = arith.addi %add3A_81, %add3A_109 : i32
        %lt3A_111 = arith.constant 125 : i32
        %lt3A_112 = arith.cmpi slt, %add3A_110, %lt3A_111 : i32
        %convert_element_type3A_113 = arith.extui %lt3A_112 : i1 to i32
        %cond3A_114 = arith.constant 0 : i32
        %cond3A_115 = arith.cmpi ne, %convert_element_type3A_113, %cond3A_114 : i32
        scf.if %cond3A_115 {
          %add3A_129 = arith.constant 2 : i32
          %add3A_130 = arith.addi %add3A_81, %add3A_129 : i32
          %mul3A_131 = arith.constant 80 : i32
          %mul3A_132 = arith.muli %add3A_130, %mul3A_131 : i32
          %multiple_of3A_133 = tpu.assume_multiple %mul3A_132, 8 : i32
          %add3A_134 = arith.addi %multiple_of3A_7, %multiple_of3A_133 : i32
          %dma_start3A_135 = tpu.memref_slice %arg3[%add3A_134] : memref<320000xi32, #tpu.memory_space<hbm>> -> memref<80xi32, #tpu.memory_space<hbm>>
          %dma_start3A_136 = tpu.memref_slice %arg3[%add3A_134] : memref<320000xi32, #tpu.memory_space<hbm>> -> memref<80xi32, #tpu.memory_space<hbm>>
          tpu.enqueue_dma source(%dma_start3A_136 : memref<80xi32, #tpu.memory_space<hbm>>) target(%arg14 : memref<80xi32, #tpu.memory_space<vmem>>) target_semaphore(%arg31 : memref<!tpu.dma_semaphore, #tpu.memory_space<semaphore_mem>>)
          %mul3A_137 = arith.constant 80 : i32
          %mul3A_138 = arith.muli %add3A_130, %mul3A_137 : i32
          %multiple_of3A_139 = tpu.assume_multiple %mul3A_138, 8 : i32
          %add3A_140 = arith.addi %multiple_of3A_7, %multiple_of3A_139 : i32
          %dma_start3A_141 = tpu.memref_slice %arg4[%add3A_140] : memref<320000xi32, #tpu.memory_space<hbm>> -> memref<80xi32, #tpu.memory_space<hbm>>
          %dma_start3A_142 = tpu.memref_slice %arg4[%add3A_140] : memref<320000xi32, #tpu.memory_space<hbm>> -> memref<80xi32, #tpu.memory_space<hbm>>
          tpu.enqueue_dma source(%dma_start3A_142 : memref<80xi32, #tpu.memory_space<hbm>>) target(%arg18 : memref<80xi32, #tpu.memory_space<vmem>>) target_semaphore(%arg31 : memref<!tpu.dma_semaphore, #tpu.memory_space<semaphore_mem>>)
        } else {
        }
        %dma_wait3A_116 = arith.constant 0 : i32
        %dma_wait3A_117 = arith.constant 0 : i32
        %dma_wait3A_118 = tpu.memref_slice %arg2[%dma_wait3A_116, %dma_wait3A_117] : memref<10000x128xf32, #tpu.memory_space<hbm>> -> memref<10000x128xf32, #tpu.memory_space<hbm>>
        tpu.wait_indirect_dma semaphore(%arg21 : memref<!tpu.dma_semaphore, #tpu.memory_space<semaphore_mem>>) src(%dma_wait3A_118 : memref<10000x128xf32, #tpu.memory_space<hbm>>) dst(%arg8 : memref<80x128xf32, #tpu.memory_space<vmem>>)
        %dma_start3A_119 = arith.constant 0 : i32
        %dma_start3A_120 = arith.constant 0 : i32
        %dma_start3A_121 = tpu.memref_slice %arg19[%dma_start3A_119, %dma_start3A_120] : memref<10000x128xf32, #tpu.memory_space<vmem_shared>> -> memref<10000x128xf32, #tpu.memory_space<vmem_shared>>
        tpu.enqueue_indirect_dma source(%arg8 : memref<80x128xf32, #tpu.memory_space<vmem>>) target(%dma_start3A_121 : memref<10000x128xf32, #tpu.memory_space<vmem_shared>>) offsets(%arg16 : memref<80xi32, #tpu.memory_space<vmem>>) semaphore(%arg25 : memref<!tpu.dma_semaphore, #tpu.memory_space<semaphore_mem>>) {add = true}
        %add3A_122 = arith.constant 2 : i32
        %add3A_123 = arith.addi %add3A_81, %add3A_122 : i32
        %lt3A_124 = arith.constant 125 : i32
        %lt3A_125 = arith.cmpi slt, %add3A_123, %lt3A_124 : i32
        %convert_element_type3A_126 = arith.extui %lt3A_125 : i1 to i32
        %cond3A_127 = arith.constant 0 : i32
        %cond3A_128 = arith.cmpi ne, %convert_element_type3A_126, %cond3A_127 : i32
        scf.if %cond3A_128 {
          %add3A_129 = arith.constant 2 : i32
          %add3A_130 = arith.addi %add3A_81, %add3A_129 : i32
          %mul3A_131 = arith.constant 80 : i32
          %mul3A_132 = arith.muli %add3A_130, %mul3A_131 : i32
          %multiple_of3A_133 = tpu.assume_multiple %mul3A_132, 8 : i32
          %add3A_134 = arith.addi %multiple_of3A_7, %multiple_of3A_133 : i32
          %dma_wait3A_135 = tpu.memref_slice %arg3[%add3A_134] : memref<320000xi32, #tpu.memory_space<hbm>> -> memref<80xi32, #tpu.memory_space<hbm>>
          %dma_wait3A_136 = tpu.memref_slice %arg3[%add3A_134] : memref<320000xi32, #tpu.memory_space<hbm>> -> memref<80xi32, #tpu.memory_space<hbm>>
          tpu.wait_dma2 semaphore(%arg31 : memref<!tpu.dma_semaphore, #tpu.memory_space<semaphore_mem>>) src(%dma_wait3A_136 : memref<80xi32, #tpu.memory_space<hbm>>) dst(%arg14 : memref<80xi32, #tpu.memory_space<vmem>>)
          %mul3A_137 = arith.constant 80 : i32
          %mul3A_138 = arith.muli %add3A_130, %mul3A_137 : i32
          %multiple_of3A_139 = tpu.assume_multiple %mul3A_138, 8 : i32
          %add3A_140 = arith.addi %multiple_of3A_7, %multiple_of3A_139 : i32
          %dma_wait3A_141 = tpu.memref_slice %arg4[%add3A_140] : memref<320000xi32, #tpu.memory_space<hbm>> -> memref<80xi32, #tpu.memory_space<hbm>>
          %dma_wait3A_142 = tpu.memref_slice %arg4[%add3A_140] : memref<320000xi32, #tpu.memory_space<hbm>> -> memref<80xi32, #tpu.memory_space<hbm>>
          tpu.wait_dma2 semaphore(%arg31 : memref<!tpu.dma_semaphore, #tpu.memory_space<semaphore_mem>>) src(%dma_wait3A_142 : memref<80xi32, #tpu.memory_space<hbm>>) dst(%arg18 : memref<80xi32, #tpu.memory_space<vmem>>)
          %add3A_143 = arith.constant 2 : i32
          %add3A_144 = arith.addi %add3A_81, %add3A_143 : i32
          %dma_start3A_145 = arith.constant 0 : i32
          %dma_start3A_146 = arith.constant 0 : i32
          %dma_start3A_147 = tpu.memref_slice %arg2[%dma_start3A_145, %dma_start3A_146] : memref<10000x128xf32, #tpu.memory_space<hbm>> -> memref<10000x128xf32, #tpu.memory_space<hbm>>
          tpu.enqueue_indirect_dma source(%dma_start3A_147 : memref<10000x128xf32, #tpu.memory_space<hbm>>) target(%arg10 : memref<80x128xf32, #tpu.memory_space<vmem>>) offsets(%arg14 : memref<80xi32, #tpu.memory_space<vmem>>) semaphore(%arg23 : memref<!tpu.dma_semaphore, #tpu.memory_space<semaphore_mem>>)
        } else {
        }
      } else {
      }
      %mul3A_87 = arith.constant 4 : i32
      %mul3A_88 = arith.muli %mul3A_87, %scan3A_69 : i32
      %add3A_89 = arith.constant 2 : i32
      %add3A_90 = arith.addi %mul3A_88, %add3A_89 : i32
      %lt3A_91 = arith.constant 125 : i32
      %lt3A_92 = arith.cmpi slt, %add3A_90, %lt3A_91 : i32
      %convert_element_type3A_93 = arith.extui %lt3A_92 : i1 to i32
      %cond3A_94 = arith.constant 0 : i32
      %cond3A_95 = arith.cmpi ne, %convert_element_type3A_93, %cond3A_94 : i32
      scf.if %cond3A_95 {
        %ge3A = arith.constant 2 : i32
        %ge3A_105 = arith.cmpi sge, %add3A_90, %ge3A : i32
        %convert_element_type3A_106 = arith.extui %ge3A_105 : i1 to i32
        %cond3A_107 = arith.constant 0 : i32
        %cond3A_108 = arith.cmpi ne, %convert_element_type3A_106, %cond3A_107 : i32
        scf.if %cond3A_108 {
          %sub3A = arith.constant 2 : i32
          %sub3A_129 = arith.subi %add3A_90, %sub3A : i32
          %dma_wait3A_130 = arith.constant 0 : i32
          %dma_wait3A_131 = arith.constant 0 : i32
          %dma_wait3A_132 = tpu.memref_slice %arg19[%dma_wait3A_130, %dma_wait3A_131] : memref<10000x128xf32, #tpu.memory_space<vmem_shared>> -> memref<10000x128xf32, #tpu.memory_space<vmem_shared>>
          tpu.wait_indirect_dma semaphore(%arg24 : memref<!tpu.dma_semaphore, #tpu.memory_space<semaphore_mem>>) src(%arg7 : memref<80x128xf32, #tpu.memory_space<vmem>>) dst(%dma_wait3A_132 : memref<10000x128xf32, #tpu.memory_space<vmem_shared>>)
        } else {
        }
        %add3A_109 = arith.constant 2 : i32
        %add3A_110 = arith.addi %add3A_90, %add3A_109 : i32
        %lt3A_111 = arith.constant 125 : i32
        %lt3A_112 = arith.cmpi slt, %add3A_110, %lt3A_111 : i32
        %convert_element_type3A_113 = arith.extui %lt3A_112 : i1 to i32
        %cond3A_114 = arith.constant 0 : i32
        %cond3A_115 = arith.cmpi ne, %convert_element_type3A_113, %cond3A_114 : i32
        scf.if %cond3A_115 {
          %add3A_129 = arith.constant 2 : i32
          %add3A_130 = arith.addi %add3A_90, %add3A_129 : i32
          %mul3A_131 = arith.constant 80 : i32
          %mul3A_132 = arith.muli %add3A_130, %mul3A_131 : i32
          %multiple_of3A_133 = tpu.assume_multiple %mul3A_132, 8 : i32
          %add3A_134 = arith.addi %multiple_of3A_7, %multiple_of3A_133 : i32
          %dma_start3A_135 = tpu.memref_slice %arg3[%add3A_134] : memref<320000xi32, #tpu.memory_space<hbm>> -> memref<80xi32, #tpu.memory_space<hbm>>
          %dma_start3A_136 = tpu.memref_slice %arg3[%add3A_134] : memref<320000xi32, #tpu.memory_space<hbm>> -> memref<80xi32, #tpu.memory_space<hbm>>
          tpu.enqueue_dma source(%dma_start3A_136 : memref<80xi32, #tpu.memory_space<hbm>>) target(%arg11 : memref<80xi32, #tpu.memory_space<vmem>>) target_semaphore(%arg28 : memref<!tpu.dma_semaphore, #tpu.memory_space<semaphore_mem>>)
          %mul3A_137 = arith.constant 80 : i32
          %mul3A_138 = arith.muli %add3A_130, %mul3A_137 : i32
          %multiple_of3A_139 = tpu.assume_multiple %mul3A_138, 8 : i32
          %add3A_140 = arith.addi %multiple_of3A_7, %multiple_of3A_139 : i32
          %dma_start3A_141 = tpu.memref_slice %arg4[%add3A_140] : memref<320000xi32, #tpu.memory_space<hbm>> -> memref<80xi32, #tpu.memory_space<hbm>>
          %dma_start3A_142 = tpu.memref_slice %arg4[%add3A_140] : memref<320000xi32, #tpu.memory_space<hbm>> -> memref<80xi32, #tpu.memory_space<hbm>>
          tpu.enqueue_dma source(%dma_start3A_142 : memref<80xi32, #tpu.memory_space<hbm>>) target(%arg15 : memref<80xi32, #tpu.memory_space<vmem>>) target_semaphore(%arg28 : memref<!tpu.dma_semaphore, #tpu.memory_space<semaphore_mem>>)
        } else {
        }
        %dma_wait3A_116 = arith.constant 0 : i32
        %dma_wait3A_117 = arith.constant 0 : i32
        %dma_wait3A_118 = tpu.memref_slice %arg2[%dma_wait3A_116, %dma_wait3A_117] : memref<10000x128xf32, #tpu.memory_space<hbm>> -> memref<10000x128xf32, #tpu.memory_space<hbm>>
        tpu.wait_indirect_dma semaphore(%arg22 : memref<!tpu.dma_semaphore, #tpu.memory_space<semaphore_mem>>) src(%dma_wait3A_118 : memref<10000x128xf32, #tpu.memory_space<hbm>>) dst(%arg9 : memref<80x128xf32, #tpu.memory_space<vmem>>)
        %dma_start3A_119 = arith.constant 0 : i32
        %dma_start3A_120 = arith.constant 0 : i32
        %dma_start3A_121 = tpu.memref_slice %arg19[%dma_start3A_119, %dma_start3A_120] : memref<10000x128xf32, #tpu.memory_space<vmem_shared>> -> memref<10000x128xf32, #tpu.memory_space<vmem_shared>>
        tpu.enqueue_indirect_dma source(%arg9 : memref<80x128xf32, #tpu.memory_space<vmem>>) target(%dma_start3A_121 : memref<10000x128xf32, #tpu.memory_space<vmem_shared>>) offsets(%arg17 : memref<80xi32, #tpu.memory_space<vmem>>) semaphore(%arg26 : memref<!tpu.dma_semaphore, #tpu.memory_space<semaphore_mem>>) {add = true}
        %add3A_122 = arith.constant 2 : i32
        %add3A_123 = arith.addi %add3A_90, %add3A_122 : i32
        %lt3A_124 = arith.constant 125 : i32
        %lt3A_125 = arith.cmpi slt, %add3A_123, %lt3A_124 : i32
        %convert_element_type3A_126 = arith.extui %lt3A_125 : i1 to i32
        %cond3A_127 = arith.constant 0 : i32
        %cond3A_128 = arith.cmpi ne, %convert_element_type3A_126, %cond3A_127 : i32
        scf.if %cond3A_128 {
          %add3A_129 = arith.constant 2 : i32
          %add3A_130 = arith.addi %add3A_90, %add3A_129 : i32
          %mul3A_131 = arith.constant 80 : i32
          %mul3A_132 = arith.muli %add3A_130, %mul3A_131 : i32
          %multiple_of3A_133 = tpu.assume_multiple %mul3A_132, 8 : i32
          %add3A_134 = arith.addi %multiple_of3A_7, %multiple_of3A_133 : i32
          %dma_wait3A_135 = tpu.memref_slice %arg3[%add3A_134] : memref<320000xi32, #tpu.memory_space<hbm>> -> memref<80xi32, #tpu.memory_space<hbm>>
          %dma_wait3A_136 = tpu.memref_slice %arg3[%add3A_134] : memref<320000xi32, #tpu.memory_space<hbm>> -> memref<80xi32, #tpu.memory_space<hbm>>
          tpu.wait_dma2 semaphore(%arg28 : memref<!tpu.dma_semaphore, #tpu.memory_space<semaphore_mem>>) src(%dma_wait3A_136 : memref<80xi32, #tpu.memory_space<hbm>>) dst(%arg11 : memref<80xi32, #tpu.memory_space<vmem>>)
          %mul3A_137 = arith.constant 80 : i32
          %mul3A_138 = arith.muli %add3A_130, %mul3A_137 : i32
          %multiple_of3A_139 = tpu.assume_multiple %mul3A_138, 8 : i32
          %add3A_140 = arith.addi %multiple_of3A_7, %multiple_of3A_139 : i32
          %dma_wait3A_141 = tpu.memref_slice %arg4[%add3A_140] : memref<320000xi32, #tpu.memory_space<hbm>> -> memref<80xi32, #tpu.memory_space<hbm>>
          %dma_wait3A_142 = tpu.memref_slice %arg4[%add3A_140] : memref<320000xi32, #tpu.memory_space<hbm>> -> memref<80xi32, #tpu.memory_space<hbm>>
          tpu.wait_dma2 semaphore(%arg28 : memref<!tpu.dma_semaphore, #tpu.memory_space<semaphore_mem>>) src(%dma_wait3A_142 : memref<80xi32, #tpu.memory_space<hbm>>) dst(%arg15 : memref<80xi32, #tpu.memory_space<vmem>>)
          %add3A_143 = arith.constant 2 : i32
          %add3A_144 = arith.addi %add3A_90, %add3A_143 : i32
          %dma_start3A_145 = arith.constant 0 : i32
          %dma_start3A_146 = arith.constant 0 : i32
          %dma_start3A_147 = tpu.memref_slice %arg2[%dma_start3A_145, %dma_start3A_146] : memref<10000x128xf32, #tpu.memory_space<hbm>> -> memref<10000x128xf32, #tpu.memory_space<hbm>>
          tpu.enqueue_indirect_dma source(%dma_start3A_147 : memref<10000x128xf32, #tpu.memory_space<hbm>>) target(%arg7 : memref<80x128xf32, #tpu.memory_space<vmem>>) offsets(%arg11 : memref<80xi32, #tpu.memory_space<vmem>>) semaphore(%arg20 : memref<!tpu.dma_semaphore, #tpu.memory_space<semaphore_mem>>)
        } else {
        }
      } else {
      }
      %mul3A_96 = arith.constant 4 : i32
      %mul3A_97 = arith.muli %mul3A_96, %scan3A_69 : i32
      %add3A_98 = arith.constant 3 : i32
      %add3A_99 = arith.addi %mul3A_97, %add3A_98 : i32
      %lt3A_100 = arith.constant 125 : i32
      %lt3A_101 = arith.cmpi slt, %add3A_99, %lt3A_100 : i32
      %convert_element_type3A_102 = arith.extui %lt3A_101 : i1 to i32
      %cond3A_103 = arith.constant 0 : i32
      %cond3A_104 = arith.cmpi ne, %convert_element_type3A_102, %cond3A_103 : i32
      scf.if %cond3A_104 {
        %ge3A = arith.constant 2 : i32
        %ge3A_105 = arith.cmpi sge, %add3A_99, %ge3A : i32
        %convert_element_type3A_106 = arith.extui %ge3A_105 : i1 to i32
        %cond3A_107 = arith.constant 0 : i32
        %cond3A_108 = arith.cmpi ne, %convert_element_type3A_106, %cond3A_107 : i32
        scf.if %cond3A_108 {
          %sub3A = arith.constant 2 : i32
          %sub3A_129 = arith.subi %add3A_99, %sub3A : i32
          %dma_wait3A_130 = arith.constant 0 : i32
          %dma_wait3A_131 = arith.constant 0 : i32
          %dma_wait3A_132 = tpu.memref_slice %arg19[%dma_wait3A_130, %dma_wait3A_131] : memref<10000x128xf32, #tpu.memory_space<vmem_shared>> -> memref<10000x128xf32, #tpu.memory_space<vmem_shared>>
          tpu.wait_indirect_dma semaphore(%arg25 : memref<!tpu.dma_semaphore, #tpu.memory_space<semaphore_mem>>) src(%arg8 : memref<80x128xf32, #tpu.memory_space<vmem>>) dst(%dma_wait3A_132 : memref<10000x128xf32, #tpu.memory_space<vmem_shared>>)
        } else {
        }
        %add3A_109 = arith.constant 2 : i32
        %add3A_110 = arith.addi %add3A_99, %add3A_109 : i32
        %lt3A_111 = arith.constant 125 : i32
        %lt3A_112 = arith.cmpi slt, %add3A_110, %lt3A_111 : i32
        %convert_element_type3A_113 = arith.extui %lt3A_112 : i1 to i32
        %cond3A_114 = arith.constant 0 : i32
        %cond3A_115 = arith.cmpi ne, %convert_element_type3A_113, %cond3A_114 : i32
        scf.if %cond3A_115 {
          %add3A_129 = arith.constant 2 : i32
          %add3A_130 = arith.addi %add3A_99, %add3A_129 : i32
          %mul3A_131 = arith.constant 80 : i32
          %mul3A_132 = arith.muli %add3A_130, %mul3A_131 : i32
          %multiple_of3A_133 = tpu.assume_multiple %mul3A_132, 8 : i32
          %add3A_134 = arith.addi %multiple_of3A_7, %multiple_of3A_133 : i32
          %dma_start3A_135 = tpu.memref_slice %arg3[%add3A_134] : memref<320000xi32, #tpu.memory_space<hbm>> -> memref<80xi32, #tpu.memory_space<hbm>>
          %dma_start3A_136 = tpu.memref_slice %arg3[%add3A_134] : memref<320000xi32, #tpu.memory_space<hbm>> -> memref<80xi32, #tpu.memory_space<hbm>>
          tpu.enqueue_dma source(%dma_start3A_136 : memref<80xi32, #tpu.memory_space<hbm>>) target(%arg12 : memref<80xi32, #tpu.memory_space<vmem>>) target_semaphore(%arg29 : memref<!tpu.dma_semaphore, #tpu.memory_space<semaphore_mem>>)
          %mul3A_137 = arith.constant 80 : i32
          %mul3A_138 = arith.muli %add3A_130, %mul3A_137 : i32
          %multiple_of3A_139 = tpu.assume_multiple %mul3A_138, 8 : i32
          %add3A_140 = arith.addi %multiple_of3A_7, %multiple_of3A_139 : i32
          %dma_start3A_141 = tpu.memref_slice %arg4[%add3A_140] : memref<320000xi32, #tpu.memory_space<hbm>> -> memref<80xi32, #tpu.memory_space<hbm>>
          %dma_start3A_142 = tpu.memref_slice %arg4[%add3A_140] : memref<320000xi32, #tpu.memory_space<hbm>> -> memref<80xi32, #tpu.memory_space<hbm>>
          tpu.enqueue_dma source(%dma_start3A_142 : memref<80xi32, #tpu.memory_space<hbm>>) target(%arg16 : memref<80xi32, #tpu.memory_space<vmem>>) target_semaphore(%arg29 : memref<!tpu.dma_semaphore, #tpu.memory_space<semaphore_mem>>)
        } else {
        }
        %dma_wait3A_116 = arith.constant 0 : i32
        %dma_wait3A_117 = arith.constant 0 : i32
        %dma_wait3A_118 = tpu.memref_slice %arg2[%dma_wait3A_116, %dma_wait3A_117] : memref<10000x128xf32, #tpu.memory_space<hbm>> -> memref<10000x128xf32, #tpu.memory_space<hbm>>
        tpu.wait_indirect_dma semaphore(%arg23 : memref<!tpu.dma_semaphore, #tpu.memory_space<semaphore_mem>>) src(%dma_wait3A_118 : memref<10000x128xf32, #tpu.memory_space<hbm>>) dst(%arg10 : memref<80x128xf32, #tpu.memory_space<vmem>>)
        %dma_start3A_119 = arith.constant 0 : i32
        %dma_start3A_120 = arith.constant 0 : i32
        %dma_start3A_121 = tpu.memref_slice %arg19[%dma_start3A_119, %dma_start3A_120] : memref<10000x128xf32, #tpu.memory_space<vmem_shared>> -> memref<10000x128xf32, #tpu.memory_space<vmem_shared>>
        tpu.enqueue_indirect_dma source(%arg10 : memref<80x128xf32, #tpu.memory_space<vmem>>) target(%dma_start3A_121 : memref<10000x128xf32, #tpu.memory_space<vmem_shared>>) offsets(%arg18 : memref<80xi32, #tpu.memory_space<vmem>>) semaphore(%arg27 : memref<!tpu.dma_semaphore, #tpu.memory_space<semaphore_mem>>) {add = true}
        %add3A_122 = arith.constant 2 : i32
        %add3A_123 = arith.addi %add3A_99, %add3A_122 : i32
        %lt3A_124 = arith.constant 125 : i32
        %lt3A_125 = arith.cmpi slt, %add3A_123, %lt3A_124 : i32
        %convert_element_type3A_126 = arith.extui %lt3A_125 : i1 to i32
        %cond3A_127 = arith.constant 0 : i32
        %cond3A_128 = arith.cmpi ne, %convert_element_type3A_126, %cond3A_127 : i32
        scf.if %cond3A_128 {
          %add3A_129 = arith.constant 2 : i32
          %add3A_130 = arith.addi %add3A_99, %add3A_129 : i32
          %mul3A_131 = arith.constant 80 : i32
          %mul3A_132 = arith.muli %add3A_130, %mul3A_131 : i32
          %multiple_of3A_133 = tpu.assume_multiple %mul3A_132, 8 : i32
          %add3A_134 = arith.addi %multiple_of3A_7, %multiple_of3A_133 : i32
          %dma_wait3A_135 = tpu.memref_slice %arg3[%add3A_134] : memref<320000xi32, #tpu.memory_space<hbm>> -> memref<80xi32, #tpu.memory_space<hbm>>
          %dma_wait3A_136 = tpu.memref_slice %arg3[%add3A_134] : memref<320000xi32, #tpu.memory_space<hbm>> -> memref<80xi32, #tpu.memory_space<hbm>>
          tpu.wait_dma2 semaphore(%arg29 : memref<!tpu.dma_semaphore, #tpu.memory_space<semaphore_mem>>) src(%dma_wait3A_136 : memref<80xi32, #tpu.memory_space<hbm>>) dst(%arg12 : memref<80xi32, #tpu.memory_space<vmem>>)
          %mul3A_137 = arith.constant 80 : i32
          %mul3A_138 = arith.muli %add3A_130, %mul3A_137 : i32
          %multiple_of3A_139 = tpu.assume_multiple %mul3A_138, 8 : i32
          %add3A_140 = arith.addi %multiple_of3A_7, %multiple_of3A_139 : i32
          %dma_wait3A_141 = tpu.memref_slice %arg4[%add3A_140] : memref<320000xi32, #tpu.memory_space<hbm>> -> memref<80xi32, #tpu.memory_space<hbm>>
          %dma_wait3A_142 = tpu.memref_slice %arg4[%add3A_140] : memref<320000xi32, #tpu.memory_space<hbm>> -> memref<80xi32, #tpu.memory_space<hbm>>
          tpu.wait_dma2 semaphore(%arg29 : memref<!tpu.dma_semaphore, #tpu.memory_space<semaphore_mem>>) src(%dma_wait3A_142 : memref<80xi32, #tpu.memory_space<hbm>>) dst(%arg16 : memref<80xi32, #tpu.memory_space<vmem>>)
          %add3A_143 = arith.constant 2 : i32
          %add3A_144 = arith.addi %add3A_99, %add3A_143 : i32
          %dma_start3A_145 = arith.constant 0 : i32
          %dma_start3A_146 = arith.constant 0 : i32
          %dma_start3A_147 = tpu.memref_slice %arg2[%dma_start3A_145, %dma_start3A_146] : memref<10000x128xf32, #tpu.memory_space<hbm>> -> memref<10000x128xf32, #tpu.memory_space<hbm>>
          tpu.enqueue_indirect_dma source(%dma_start3A_147 : memref<10000x128xf32, #tpu.memory_space<hbm>>) target(%arg8 : memref<80x128xf32, #tpu.memory_space<vmem>>) offsets(%arg12 : memref<80xi32, #tpu.memory_space<vmem>>) semaphore(%arg21 : memref<!tpu.dma_semaphore, #tpu.memory_space<semaphore_mem>>)
        } else {
        }
      } else {
      }
    }
    %scan3A_56 = arith.constant 32 : i32
    %dma_wait3A_57 = arith.constant 0 : i32
    %dma_wait3A_58 = arith.constant 0 : i32
    %dma_wait3A_59 = tpu.memref_slice %arg19[%dma_wait3A_57, %dma_wait3A_58] : memref<10000x128xf32, #tpu.memory_space<vmem_shared>> -> memref<10000x128xf32, #tpu.memory_space<vmem_shared>>
    tpu.wait_indirect_dma semaphore(%arg27 : memref<!tpu.dma_semaphore, #tpu.memory_space<semaphore_mem>>) src(%arg10 : memref<80x128xf32, #tpu.memory_space<vmem>>) dst(%dma_wait3A_59 : memref<10000x128xf32, #tpu.memory_space<vmem_shared>>)
    %dma_wait3A_60 = arith.constant 0 : i32
    %dma_wait3A_61 = arith.constant 0 : i32
    %dma_wait3A_62 = tpu.memref_slice %arg19[%dma_wait3A_60, %dma_wait3A_61] : memref<10000x128xf32, #tpu.memory_space<vmem_shared>> -> memref<10000x128xf32, #tpu.memory_space<vmem_shared>>
    tpu.wait_indirect_dma semaphore(%arg24 : memref<!tpu.dma_semaphore, #tpu.memory_space<semaphore_mem>>) src(%arg7 : memref<80x128xf32, #tpu.memory_space<vmem>>) dst(%dma_wait3A_62 : memref<10000x128xf32, #tpu.memory_space<vmem_shared>>)
    %barrier3A_63 = arith.constant 0 : index
    tpu.barrier barrier_id(%barrier3A_63)
    "tpu.region"() ({
      %run_scoped3A = tpu.sem_alloc : memref<!tpu.dma_semaphore, #tpu.memory_space<semaphore_mem>>
      %dma_start3A_69 = arith.constant 0 : i32
      %dma_start3A_70 = tpu.memref_slice %arg6[%arg0, %multiple_of3A, %dma_start3A_69] : memref<2x10000x128xf32, #tpu.memory_space<hbm>> -> memref<1x624x128xf32, #tpu.memory_space<hbm>>
      %dma_start3A_71 = tpu.memref_squeeze %dma_start3A_70 : memref<1x624x128xf32, #tpu.memory_space<hbm>> -> memref<624x128xf32, #tpu.memory_space<hbm>>
      %dma_start3A_72 = arith.constant 0 : i32
      %dma_start3A_73 = tpu.memref_slice %arg19[%multiple_of3A, %dma_start3A_72] : memref<10000x128xf32, #tpu.memory_space<vmem_shared>> -> memref<624x128xf32, #tpu.memory_space<vmem_shared>>
      tpu.enqueue_dma source(%dma_start3A_73 : memref<624x128xf32, #tpu.memory_space<vmem_shared>>) target(%dma_start3A_71 : memref<624x128xf32, #tpu.memory_space<hbm>>) target_semaphore(%run_scoped3A : memref<!tpu.dma_semaphore, #tpu.memory_space<semaphore_mem>>)
      %dma_wait3A_74 = arith.constant 0 : i32
      %dma_wait3A_75 = tpu.memref_slice %arg6[%arg0, %multiple_of3A, %dma_wait3A_74] : memref<2x10000x128xf32, #tpu.memory_space<hbm>> -> memref<1x624x128xf32, #tpu.memory_space<hbm>>
      %dma_wait3A_76 = tpu.memref_squeeze %dma_wait3A_75 : memref<1x624x128xf32, #tpu.memory_space<hbm>> -> memref<624x128xf32, #tpu.memory_space<hbm>>
      %dma_wait3A_77 = arith.constant 0 : i32
      %dma_wait3A_78 = tpu.memref_slice %arg19[%multiple_of3A, %dma_wait3A_77] : memref<10000x128xf32, #tpu.memory_space<vmem_shared>> -> memref<624x128xf32, #tpu.memory_space<vmem_shared>>
      tpu.wait_dma2 semaphore(%run_scoped3A : memref<!tpu.dma_semaphore, #tpu.memory_space<semaphore_mem>>) src(%dma_wait3A_78 : memref<624x128xf32, #tpu.memory_space<vmem_shared>>) dst(%dma_wait3A_76 : memref<624x128xf32, #tpu.memory_space<hbm>>)
      tpu.yield
    }) : () -> ()
    %eq3A_64 = arith.constant 0 : i32
    %eq3A_65 = arith.cmpi eq, %arg1, %eq3A_64 : i32
    %convert_element_type3A_66 = arith.extui %eq3A_65 : i1 to i32
    %cond3A_67 = arith.constant 0 : i32
    %cond3A_68 = arith.cmpi ne, %convert_element_type3A_66, %cond3A_67 : i32
    scf.if %cond3A_68 {
      "tpu.region"() ({
        %run_scoped3A = tpu.sem_alloc : memref<!tpu.dma_semaphore, #tpu.memory_space<semaphore_mem>>
        %dma_start3A_69 = arith.constant 9984 : i32
        %dma_start3A_70 = arith.constant 0 : i32
        %dma_start3A_71 = tpu.memref_slice %arg6[%arg0, %dma_start3A_69, %dma_start3A_70] : memref<2x10000x128xf32, #tpu.memory_space<hbm>> -> memref<1x16x128xf32, #tpu.memory_space<hbm>>
        %dma_start3A_72 = tpu.memref_squeeze %dma_start3A_71 : memref<1x16x128xf32, #tpu.memory_space<hbm>> -> memref<16x128xf32, #tpu.memory_space<hbm>>
        %dma_start3A_73 = arith.constant 9984 : i32
        %dma_start3A_74 = arith.constant 0 : i32
        %dma_start3A_75 = tpu.memref_slice %arg19[%dma_start3A_73, %dma_start3A_74] : memref<10000x128xf32, #tpu.memory_space<vmem_shared>> -> memref<16x128xf32, #tpu.memory_space<vmem_shared>>
        tpu.enqueue_dma source(%dma_start3A_75 : memref<16x128xf32, #tpu.memory_space<vmem_shared>>) target(%dma_start3A_72 : memref<16x128xf32, #tpu.memory_space<hbm>>) target_semaphore(%run_scoped3A : memref<!tpu.dma_semaphore, #tpu.memory_space<semaphore_mem>>)
        %dma_wait3A_76 = arith.constant 9984 : i32
        %dma_wait3A_77 = arith.constant 0 : i32
        %dma_wait3A_78 = tpu.memref_slice %arg6[%arg0, %dma_wait3A_76, %dma_wait3A_77] : memref<2x10000x128xf32, #tpu.memory_space<hbm>> -> memref<1x16x128xf32, #tpu.memory_space<hbm>>
        %dma_wait3A_79 = tpu.memref_squeeze %dma_wait3A_78 : memref<1x16x128xf32, #tpu.memory_space<hbm>> -> memref<16x128xf32, #tpu.memory_space<hbm>>
        %dma_wait3A_80 = arith.constant 9984 : i32
        %dma_wait3A_81 = arith.constant 0 : i32
        %dma_wait3A_82 = tpu.memref_slice %arg19[%dma_wait3A_80, %dma_wait3A_81] : memref<10000x128xf32, #tpu.memory_space<vmem_shared>> -> memref<16x128xf32, #tpu.memory_space<vmem_shared>>
        tpu.wait_dma2 semaphore(%run_scoped3A : memref<!tpu.dma_semaphore, #tpu.memory_space<semaphore_mem>>) src(%dma_wait3A_82 : memref<16x128xf32, #tpu.memory_space<vmem_shared>>) dst(%dma_wait3A_79 : memref<16x128xf32, #tpu.memory_space<hbm>>)
        tpu.yield
      }) : () -> ()
    } else {
    }
    return
  }
}

#map = affine_map<(d0, d1) -> (0, 0)>
#map1 = affine_map<(d0, d1) -> (0)>
#map2 = affine_map<(d0, d1) -> (0, 0, 0)>
module attributes {stable_mosaic.version = 14 : i64} {
  func.func @_sc_agg_body(%arg0: i32, %arg1: i32, %arg2: memref<10000x128xf32, #tpu.memory_space<hbm>>, %arg3: memref<320000xi32, #tpu.memory_space<hbm>>, %arg4: memref<320000xi32, #tpu.memory_space<hbm>>, %arg5: memref<10000x128xf32, #tpu.memory_space<hbm>>, %arg6: memref<2x10000x128xf32, #tpu.memory_space<hbm>>, %arg7: memref<80x128xf32, #tpu.memory_space<vmem>>, %arg8: memref<80x128xf32, #tpu.memory_space<vmem>>, %arg9: memref<80x128xf32, #tpu.memory_space<vmem>>, %arg10: memref<80x128xf32, #tpu.memory_space<vmem>>, %arg11: memref<80xi32, #tpu.memory_space<vmem>>, %arg12: memref<80xi32, #tpu.memory_space<vmem>>, %arg13: memref<80xi32, #tpu.memory_space<vmem>>, %arg14: memref<80xi32, #tpu.memory_space<vmem>>, %arg15: memref<80xi32, #tpu.memory_space<vmem>>, %arg16: memref<80xi32, #tpu.memory_space<vmem>>, %arg17: memref<80xi32, #tpu.memory_space<vmem>>, %arg18: memref<80xi32, #tpu.memory_space<vmem>>, %arg19: memref<10000x128xf32, #tpu.memory_space<vmem_shared>>, %arg20: memref<!tpu.dma_semaphore, #tpu.memory_space<semaphore_mem>>, %arg21: memref<!tpu.dma_semaphore, #tpu.memory_space<semaphore_mem>>, %arg22: memref<!tpu.dma_semaphore, #tpu.memory_space<semaphore_mem>>, %arg23: memref<!tpu.dma_semaphore, #tpu.memory_space<semaphore_mem>>, %arg24: memref<!tpu.dma_semaphore, #tpu.memory_space<semaphore_mem>>, %arg25: memref<!tpu.dma_semaphore, #tpu.memory_space<semaphore_mem>>, %arg26: memref<!tpu.dma_semaphore, #tpu.memory_space<semaphore_mem>>, %arg27: memref<!tpu.dma_semaphore, #tpu.memory_space<semaphore_mem>>, %arg28: memref<!tpu.dma_semaphore, #tpu.memory_space<semaphore_mem>>, %arg29: memref<!tpu.dma_semaphore, #tpu.memory_space<semaphore_mem>>, %arg30: memref<!tpu.dma_semaphore, #tpu.memory_space<semaphore_mem>>, %arg31: memref<!tpu.dma_semaphore, #tpu.memory_space<semaphore_mem>>) attributes {dimension_semantics = [#tpu.dimension_semantics<core_parallel>, #tpu.dimension_semantics<subcore_parallel>], iteration_bounds = array<i64: 2, 16>, scalar_prefetch = 0 : i64, scratch_operands = 25 : i64, tpu.core_type = #tpu.core_type<sc_vector_subcore>, window_params = [{transform_indices = #map}, {transform_indices = #map1}, {transform_indices = #map1}, {transform_indices = #map}, {transform_indices = #map2}]} {
    %mul3A = arith.constant 2 : i32
    %mul3A_0 = arith.muli %arg1, %mul3A : i32
    %add3A = arith.addi %mul3A_0, %arg0 : i32
    %mul3A_1 = arith.constant 624 : i32
    %mul3A_2 = arith.muli %arg1, %mul3A_1 : i32
    %multiple_of3A = tpu.assume_multiple %mul3A_2, 8 : i32
    "tpu.region"() ({
      %run_scoped3A = tpu.sem_alloc : memref<!tpu.dma_semaphore, #tpu.memory_space<semaphore_mem>>
      %dma_start3A_69 = arith.constant 0 : i32
      %dma_start3A_70 = tpu.memref_slice %arg19[%multiple_of3A, %dma_start3A_69] : memref<10000x128xf32, #tpu.memory_space<vmem_shared>> -> memref<624x128xf32, #tpu.memory_space<vmem_shared>>
      %dma_start3A_71 = arith.constant 0 : i32
      %dma_start3A_72 = tpu.memref_slice %arg5[%multiple_of3A, %dma_start3A_71] : memref<10000x128xf32, #tpu.memory_space<hbm>> -> memref<624x128xf32, #tpu.memory_space<hbm>>
      tpu.enqueue_dma source(%dma_start3A_72 : memref<624x128xf32, #tpu.memory_space<hbm>>) target(%dma_start3A_70 : memref<624x128xf32, #tpu.memory_space<vmem_shared>>) target_semaphore(%run_scoped3A : memref<!tpu.dma_semaphore, #tpu.memory_space<semaphore_mem>>)
      %dma_wait3A_73 = arith.constant 0 : i32
      %dma_wait3A_74 = tpu.memref_slice %arg19[%multiple_of3A, %dma_wait3A_73] : memref<10000x128xf32, #tpu.memory_space<vmem_shared>> -> memref<624x128xf32, #tpu.memory_space<vmem_shared>>
      %dma_wait3A_75 = arith.constant 0 : i32
      %dma_wait3A_76 = tpu.memref_slice %arg5[%multiple_of3A, %dma_wait3A_75] : memref<10000x128xf32, #tpu.memory_space<hbm>> -> memref<624x128xf32, #tpu.memory_space<hbm>>
      tpu.wait_dma2 semaphore(%run_scoped3A : memref<!tpu.dma_semaphore, #tpu.memory_space<semaphore_mem>>) src(%dma_wait3A_76 : memref<624x128xf32, #tpu.memory_space<hbm>>) dst(%dma_wait3A_74 : memref<624x128xf32, #tpu.memory_space<vmem_shared>>)
      tpu.yield
    }) : () -> ()
    %eq3A = arith.constant 0 : i32
    %eq3A_3 = arith.cmpi eq, %arg1, %eq3A : i32
    %convert_element_type3A = arith.extui %eq3A_3 : i1 to i32
    %cond3A = arith.constant 0 : i32
    %cond3A_4 = arith.cmpi ne, %convert_element_type3A, %cond3A : i32
    scf.if %cond3A_4 {
      "tpu.region"() ({
        %run_scoped3A = tpu.sem_alloc : memref<!tpu.dma_semaphore, #tpu.memory_space<semaphore_mem>>
        %dma_start3A_69 = arith.constant 9984 : i32
        %dma_start3A_70 = arith.constant 0 : i32
        %dma_start3A_71 = tpu.memref_slice %arg19[%dma_start3A_69, %dma_start3A_70] : memref<10000x128xf32, #tpu.memory_space<vmem_shared>> -> memref<16x128xf32, #tpu.memory_space<vmem_shared>>
        %dma_start3A_72 = arith.constant 9984 : i32
        %dma_start3A_73 = arith.constant 0 : i32
        %dma_start3A_74 = tpu.memref_slice %arg5[%dma_start3A_72, %dma_start3A_73] : memref<10000x128xf32, #tpu.memory_space<hbm>> -> memref<16x128xf32, #tpu.memory_space<hbm>>
        tpu.enqueue_dma source(%dma_start3A_74 : memref<16x128xf32, #tpu.memory_space<hbm>>) target(%dma_start3A_71 : memref<16x128xf32, #tpu.memory_space<vmem_shared>>) target_semaphore(%run_scoped3A : memref<!tpu.dma_semaphore, #tpu.memory_space<semaphore_mem>>)
        %dma_wait3A_75 = arith.constant 9984 : i32
        %dma_wait3A_76 = arith.constant 0 : i32
        %dma_wait3A_77 = tpu.memref_slice %arg19[%dma_wait3A_75, %dma_wait3A_76] : memref<10000x128xf32, #tpu.memory_space<vmem_shared>> -> memref<16x128xf32, #tpu.memory_space<vmem_shared>>
        %dma_wait3A_78 = arith.constant 9984 : i32
        %dma_wait3A_79 = arith.constant 0 : i32
        %dma_wait3A_80 = tpu.memref_slice %arg5[%dma_wait3A_78, %dma_wait3A_79] : memref<10000x128xf32, #tpu.memory_space<hbm>> -> memref<16x128xf32, #tpu.memory_space<hbm>>
        tpu.wait_dma2 semaphore(%run_scoped3A : memref<!tpu.dma_semaphore, #tpu.memory_space<semaphore_mem>>) src(%dma_wait3A_80 : memref<16x128xf32, #tpu.memory_space<hbm>>) dst(%dma_wait3A_77 : memref<16x128xf32, #tpu.memory_space<vmem_shared>>)
        tpu.yield
      }) : () -> ()
    } else {
    }
    %barrier3A = arith.constant 0 : index
    tpu.barrier barrier_id(%barrier3A)
    %mul3A_5 = arith.constant 10000 : i32
    %mul3A_6 = arith.muli %add3A, %mul3A_5 : i32
    %multiple_of3A_7 = tpu.assume_multiple %mul3A_6, 16 : i32
    %multiple_of3A_8 = arith.constant 0 : i32
    %multiple_of3A_9 = tpu.assume_multiple %multiple_of3A_8, 8 : i32
    %add3A_10 = arith.addi %multiple_of3A_7, %multiple_of3A_9 : i32
    %dma_start3A = tpu.memref_slice %arg3[%add3A_10] : memref<320000xi32, #tpu.memory_space<hbm>> -> memref<80xi32, #tpu.memory_space<hbm>>
    %dma_start3A_11 = tpu.memref_slice %arg3[%add3A_10] : memref<320000xi32, #tpu.memory_space<hbm>> -> memref<80xi32, #tpu.memory_space<hbm>>
    tpu.enqueue_dma source(%dma_start3A_11 : memref<80xi32, #tpu.memory_space<hbm>>) target(%arg11 : memref<80xi32, #tpu.memory_space<vmem>>) target_semaphore(%arg28 : memref<!tpu.dma_semaphore, #tpu.memory_space<semaphore_mem>>)
    %multiple_of3A_12 = arith.constant 0 : i32
    %multiple_of3A_13 = tpu.assume_multiple %multiple_of3A_12, 8 : i32
    %add3A_14 = arith.addi %multiple_of3A_7, %multiple_of3A_13 : i32
    %dma_start3A_15 = tpu.memref_slice %arg4[%add3A_14] : memref<320000xi32, #tpu.memory_space<hbm>> -> memref<80xi32, #tpu.memory_space<hbm>>
    %dma_start3A_16 = tpu.memref_slice %arg4[%add3A_14] : memref<320000xi32, #tpu.memory_space<hbm>> -> memref<80xi32, #tpu.memory_space<hbm>>
    tpu.enqueue_dma source(%dma_start3A_16 : memref<80xi32, #tpu.memory_space<hbm>>) target(%arg15 : memref<80xi32, #tpu.memory_space<vmem>>) target_semaphore(%arg28 : memref<!tpu.dma_semaphore, #tpu.memory_space<semaphore_mem>>)
    %multiple_of3A_17 = arith.constant 80 : i32
    %multiple_of3A_18 = tpu.assume_multiple %multiple_of3A_17, 8 : i32
    %add3A_19 = arith.addi %multiple_of3A_7, %multiple_of3A_18 : i32
    %dma_start3A_20 = tpu.memref_slice %arg3[%add3A_19] : memref<320000xi32, #tpu.memory_space<hbm>> -> memref<80xi32, #tpu.memory_space<hbm>>
    %dma_start3A_21 = tpu.memref_slice %arg3[%add3A_19] : memref<320000xi32, #tpu.memory_space<hbm>> -> memref<80xi32, #tpu.memory_space<hbm>>
    tpu.enqueue_dma source(%dma_start3A_21 : memref<80xi32, #tpu.memory_space<hbm>>) target(%arg12 : memref<80xi32, #tpu.memory_space<vmem>>) target_semaphore(%arg29 : memref<!tpu.dma_semaphore, #tpu.memory_space<semaphore_mem>>)
    %multiple_of3A_22 = arith.constant 80 : i32
    %multiple_of3A_23 = tpu.assume_multiple %multiple_of3A_22, 8 : i32
    %add3A_24 = arith.addi %multiple_of3A_7, %multiple_of3A_23 : i32
    %dma_start3A_25 = tpu.memref_slice %arg4[%add3A_24] : memref<320000xi32, #tpu.memory_space<hbm>> -> memref<80xi32, #tpu.memory_space<hbm>>
    %dma_start3A_26 = tpu.memref_slice %arg4[%add3A_24] : memref<320000xi32, #tpu.memory_space<hbm>> -> memref<80xi32, #tpu.memory_space<hbm>>
    tpu.enqueue_dma source(%dma_start3A_26 : memref<80xi32, #tpu.memory_space<hbm>>) target(%arg16 : memref<80xi32, #tpu.memory_space<vmem>>) target_semaphore(%arg29 : memref<!tpu.dma_semaphore, #tpu.memory_space<semaphore_mem>>)
    %multiple_of3A_27 = arith.constant 0 : i32
    %multiple_of3A_28 = tpu.assume_multiple %multiple_of3A_27, 8 : i32
    %add3A_29 = arith.addi %multiple_of3A_7, %multiple_of3A_28 : i32
    %dma_wait3A = tpu.memref_slice %arg3[%add3A_29] : memref<320000xi32, #tpu.memory_space<hbm>> -> memref<80xi32, #tpu.memory_space<hbm>>
    %dma_wait3A_30 = tpu.memref_slice %arg3[%add3A_29] : memref<320000xi32, #tpu.memory_space<hbm>> -> memref<80xi32, #tpu.memory_space<hbm>>
    tpu.wait_dma2 semaphore(%arg28 : memref<!tpu.dma_semaphore, #tpu.memory_space<semaphore_mem>>) src(%dma_wait3A_30 : memref<80xi32, #tpu.memory_space<hbm>>) dst(%arg11 : memref<80xi32, #tpu.memory_space<vmem>>)
    %multiple_of3A_31 = arith.constant 0 : i32
    %multiple_of3A_32 = tpu.assume_multiple %multiple_of3A_31, 8 : i32
    %add3A_33 = arith.addi %multiple_of3A_7, %multiple_of3A_32 : i32
    %dma_wait3A_34 = tpu.memref_slice %arg4[%add3A_33] : memref<320000xi32, #tpu.memory_space<hbm>> -> memref<80xi32, #tpu.memory_space<hbm>>
    %dma_wait3A_35 = tpu.memref_slice %arg4[%add3A_33] : memref<320000xi32, #tpu.memory_space<hbm>> -> memref<80xi32, #tpu.memory_space<hbm>>
    tpu.wait_dma2 semaphore(%arg28 : memref<!tpu.dma_semaphore, #tpu.memory_space<semaphore_mem>>) src(%dma_wait3A_35 : memref<80xi32, #tpu.memory_space<hbm>>) dst(%arg15 : memref<80xi32, #tpu.memory_space<vmem>>)
    %dma_start3A_36 = arith.constant 0 : i32
    %dma_start3A_37 = arith.constant 0 : i32
    %dma_start3A_38 = tpu.memref_slice %arg2[%dma_start3A_36, %dma_start3A_37] : memref<10000x128xf32, #tpu.memory_space<hbm>> -> memref<10000x128xf32, #tpu.memory_space<hbm>>
    tpu.enqueue_indirect_dma source(%dma_start3A_38 : memref<10000x128xf32, #tpu.memory_space<hbm>>) target(%arg7 : memref<80x128xf32, #tpu.memory_space<vmem>>) offsets(%arg11 : memref<80xi32, #tpu.memory_space<vmem>>) semaphore(%arg20 : memref<!tpu.dma_semaphore, #tpu.memory_space<semaphore_mem>>)
    %multiple_of3A_39 = arith.constant 80 : i32
    %multiple_of3A_40 = tpu.assume_multiple %multiple_of3A_39, 8 : i32
    %add3A_41 = arith.addi %multiple_of3A_7, %multiple_of3A_40 : i32
    %dma_wait3A_42 = tpu.memref_slice %arg3[%add3A_41] : memref<320000xi32, #tpu.memory_space<hbm>> -> memref<80xi32, #tpu.memory_space<hbm>>
    %dma_wait3A_43 = tpu.memref_slice %arg3[%add3A_41] : memref<320000xi32, #tpu.memory_space<hbm>> -> memref<80xi32, #tpu.memory_space<hbm>>
    tpu.wait_dma2 semaphore(%arg29 : memref<!tpu.dma_semaphore, #tpu.memory_space<semaphore_mem>>) src(%dma_wait3A_43 : memref<80xi32, #tpu.memory_space<hbm>>) dst(%arg12 : memref<80xi32, #tpu.memory_space<vmem>>)
    %multiple_of3A_44 = arith.constant 80 : i32
    %multiple_of3A_45 = tpu.assume_multiple %multiple_of3A_44, 8 : i32
    %add3A_46 = arith.addi %multiple_of3A_7, %multiple_of3A_45 : i32
    %dma_wait3A_47 = tpu.memref_slice %arg4[%add3A_46] : memref<320000xi32, #tpu.memory_space<hbm>> -> memref<80xi32, #tpu.memory_space<hbm>>
    %dma_wait3A_48 = tpu.memref_slice %arg4[%add3A_46] : memref<320000xi32, #tpu.memory_space<hbm>> -> memref<80xi32, #tpu.memory_space<hbm>>
    tpu.wait_dma2 semaphore(%arg29 : memref<!tpu.dma_semaphore, #tpu.memory_space<semaphore_mem>>) src(%dma_wait3A_48 : memref<80xi32, #tpu.memory_space<hbm>>) dst(%arg16 : memref<80xi32, #tpu.memory_space<vmem>>)
    %dma_start3A_49 = arith.constant 0 : i32
    %dma_start3A_50 = arith.constant 0 : i32
    %dma_start3A_51 = tpu.memref_slice %arg2[%dma_start3A_49, %dma_start3A_50] : memref<10000x128xf32, #tpu.memory_space<hbm>> -> memref<10000x128xf32, #tpu.memory_space<hbm>>
    tpu.enqueue_indirect_dma source(%dma_start3A_51 : memref<10000x128xf32, #tpu.memory_space<hbm>>) target(%arg8 : memref<80x128xf32, #tpu.memory_space<vmem>>) offsets(%arg12 : memref<80xi32, #tpu.memory_space<vmem>>) semaphore(%arg21 : memref<!tpu.dma_semaphore, #tpu.memory_space<semaphore_mem>>)
    %scan3A = arith.constant 0 : i32
    %scan3A_52 = arith.constant 0 : i32
    %scan3A_53 = arith.constant 32 : i32
    %scan3A_54 = arith.addi %scan3A_52, %scan3A_53 : i32
    %scan3A_55 = arith.constant 1 : i32
    scf.for %scan3A_69 = %scan3A_52 to %scan3A_54 step %scan3A_55  : i32 {
      %mul3A_70 = arith.constant 4 : i32
      %mul3A_71 = arith.muli %mul3A_70, %scan3A_69 : i32
      %add3A_72 = arith.constant 0 : i32
      %add3A_73 = arith.addi %mul3A_71, %add3A_72 : i32
      %lt3A = arith.constant 125 : i32
      %lt3A_74 = arith.cmpi slt, %add3A_73, %lt3A : i32
      %convert_element_type3A_75 = arith.extui %lt3A_74 : i1 to i32
      %cond3A_76 = arith.constant 0 : i32
      %cond3A_77 = arith.cmpi ne, %convert_element_type3A_75, %cond3A_76 : i32
      scf.if %cond3A_77 {
        %ge3A = arith.constant 2 : i32
        %ge3A_105 = arith.cmpi sge, %add3A_73, %ge3A : i32
        %convert_element_type3A_106 = arith.extui %ge3A_105 : i1 to i32
        %cond3A_107 = arith.constant 0 : i32
        %cond3A_108 = arith.cmpi ne, %convert_element_type3A_106, %cond3A_107 : i32
        scf.if %cond3A_108 {
          %sub3A = arith.constant 2 : i32
          %sub3A_129 = arith.subi %add3A_73, %sub3A : i32
          %dma_wait3A_130 = arith.constant 0 : i32
          %dma_wait3A_131 = arith.constant 0 : i32
          %dma_wait3A_132 = tpu.memref_slice %arg19[%dma_wait3A_130, %dma_wait3A_131] : memref<10000x128xf32, #tpu.memory_space<vmem_shared>> -> memref<10000x128xf32, #tpu.memory_space<vmem_shared>>
          tpu.wait_indirect_dma semaphore(%arg26 : memref<!tpu.dma_semaphore, #tpu.memory_space<semaphore_mem>>) src(%arg9 : memref<80x128xf32, #tpu.memory_space<vmem>>) dst(%dma_wait3A_132 : memref<10000x128xf32, #tpu.memory_space<vmem_shared>>)
        } else {
        }
        %add3A_109 = arith.constant 2 : i32
        %add3A_110 = arith.addi %add3A_73, %add3A_109 : i32
        %lt3A_111 = arith.constant 125 : i32
        %lt3A_112 = arith.cmpi slt, %add3A_110, %lt3A_111 : i32
        %convert_element_type3A_113 = arith.extui %lt3A_112 : i1 to i32
        %cond3A_114 = arith.constant 0 : i32
        %cond3A_115 = arith.cmpi ne, %convert_element_type3A_113, %cond3A_114 : i32
        scf.if %cond3A_115 {
          %add3A_129 = arith.constant 2 : i32
          %add3A_130 = arith.addi %add3A_73, %add3A_129 : i32
          %mul3A_131 = arith.constant 80 : i32
          %mul3A_132 = arith.muli %add3A_130, %mul3A_131 : i32
          %multiple_of3A_133 = tpu.assume_multiple %mul3A_132, 8 : i32
          %add3A_134 = arith.addi %multiple_of3A_7, %multiple_of3A_133 : i32
          %dma_start3A_135 = tpu.memref_slice %arg3[%add3A_134] : memref<320000xi32, #tpu.memory_space<hbm>> -> memref<80xi32, #tpu.memory_space<hbm>>
          %dma_start3A_136 = tpu.memref_slice %arg3[%add3A_134] : memref<320000xi32, #tpu.memory_space<hbm>> -> memref<80xi32, #tpu.memory_space<hbm>>
          tpu.enqueue_dma source(%dma_start3A_136 : memref<80xi32, #tpu.memory_space<hbm>>) target(%arg13 : memref<80xi32, #tpu.memory_space<vmem>>) target_semaphore(%arg30 : memref<!tpu.dma_semaphore, #tpu.memory_space<semaphore_mem>>)
          %mul3A_137 = arith.constant 80 : i32
          %mul3A_138 = arith.muli %add3A_130, %mul3A_137 : i32
          %multiple_of3A_139 = tpu.assume_multiple %mul3A_138, 8 : i32
          %add3A_140 = arith.addi %multiple_of3A_7, %multiple_of3A_139 : i32
          %dma_start3A_141 = tpu.memref_slice %arg4[%add3A_140] : memref<320000xi32, #tpu.memory_space<hbm>> -> memref<80xi32, #tpu.memory_space<hbm>>
          %dma_start3A_142 = tpu.memref_slice %arg4[%add3A_140] : memref<320000xi32, #tpu.memory_space<hbm>> -> memref<80xi32, #tpu.memory_space<hbm>>
          tpu.enqueue_dma source(%dma_start3A_142 : memref<80xi32, #tpu.memory_space<hbm>>) target(%arg17 : memref<80xi32, #tpu.memory_space<vmem>>) target_semaphore(%arg30 : memref<!tpu.dma_semaphore, #tpu.memory_space<semaphore_mem>>)
        } else {
        }
        %dma_wait3A_116 = arith.constant 0 : i32
        %dma_wait3A_117 = arith.constant 0 : i32
        %dma_wait3A_118 = tpu.memref_slice %arg2[%dma_wait3A_116, %dma_wait3A_117] : memref<10000x128xf32, #tpu.memory_space<hbm>> -> memref<10000x128xf32, #tpu.memory_space<hbm>>
        tpu.wait_indirect_dma semaphore(%arg20 : memref<!tpu.dma_semaphore, #tpu.memory_space<semaphore_mem>>) src(%dma_wait3A_118 : memref<10000x128xf32, #tpu.memory_space<hbm>>) dst(%arg7 : memref<80x128xf32, #tpu.memory_space<vmem>>)
        %dma_start3A_119 = arith.constant 0 : i32
        %dma_start3A_120 = arith.constant 0 : i32
        %dma_start3A_121 = tpu.memref_slice %arg19[%dma_start3A_119, %dma_start3A_120] : memref<10000x128xf32, #tpu.memory_space<vmem_shared>> -> memref<10000x128xf32, #tpu.memory_space<vmem_shared>>
        tpu.enqueue_indirect_dma source(%arg7 : memref<80x128xf32, #tpu.memory_space<vmem>>) target(%dma_start3A_121 : memref<10000x128xf32, #tpu.memory_space<vmem_shared>>) offsets(%arg15 : memref<80xi32, #tpu.memory_space<vmem>>) semaphore(%arg24 : memref<!tpu.dma_semaphore, #tpu.memory_space<semaphore_mem>>) {add = true}
        %add3A_122 = arith.constant 2 : i32
        %add3A_123 = arith.addi %add3A_73, %add3A_122 : i32
        %lt3A_124 = arith.constant 125 : i32
        %lt3A_125 = arith.cmpi slt, %add3A_123, %lt3A_124 : i32
        %convert_element_type3A_126 = arith.extui %lt3A_125 : i1 to i32
        %cond3A_127 = arith.constant 0 : i32
        %cond3A_128 = arith.cmpi ne, %convert_element_type3A_126, %cond3A_127 : i32
        scf.if %cond3A_128 {
          %add3A_129 = arith.constant 2 : i32
          %add3A_130 = arith.addi %add3A_73, %add3A_129 : i32
          %mul3A_131 = arith.constant 80 : i32
          %mul3A_132 = arith.muli %add3A_130, %mul3A_131 : i32
          %multiple_of3A_133 = tpu.assume_multiple %mul3A_132, 8 : i32
          %add3A_134 = arith.addi %multiple_of3A_7, %multiple_of3A_133 : i32
          %dma_wait3A_135 = tpu.memref_slice %arg3[%add3A_134] : memref<320000xi32, #tpu.memory_space<hbm>> -> memref<80xi32, #tpu.memory_space<hbm>>
          %dma_wait3A_136 = tpu.memref_slice %arg3[%add3A_134] : memref<320000xi32, #tpu.memory_space<hbm>> -> memref<80xi32, #tpu.memory_space<hbm>>
          tpu.wait_dma2 semaphore(%arg30 : memref<!tpu.dma_semaphore, #tpu.memory_space<semaphore_mem>>) src(%dma_wait3A_136 : memref<80xi32, #tpu.memory_space<hbm>>) dst(%arg13 : memref<80xi32, #tpu.memory_space<vmem>>)
          %mul3A_137 = arith.constant 80 : i32
          %mul3A_138 = arith.muli %add3A_130, %mul3A_137 : i32
          %multiple_of3A_139 = tpu.assume_multiple %mul3A_138, 8 : i32
          %add3A_140 = arith.addi %multiple_of3A_7, %multiple_of3A_139 : i32
          %dma_wait3A_141 = tpu.memref_slice %arg4[%add3A_140] : memref<320000xi32, #tpu.memory_space<hbm>> -> memref<80xi32, #tpu.memory_space<hbm>>
          %dma_wait3A_142 = tpu.memref_slice %arg4[%add3A_140] : memref<320000xi32, #tpu.memory_space<hbm>> -> memref<80xi32, #tpu.memory_space<hbm>>
          tpu.wait_dma2 semaphore(%arg30 : memref<!tpu.dma_semaphore, #tpu.memory_space<semaphore_mem>>) src(%dma_wait3A_142 : memref<80xi32, #tpu.memory_space<hbm>>) dst(%arg17 : memref<80xi32, #tpu.memory_space<vmem>>)
          %add3A_143 = arith.constant 2 : i32
          %add3A_144 = arith.addi %add3A_73, %add3A_143 : i32
          %dma_start3A_145 = arith.constant 0 : i32
          %dma_start3A_146 = arith.constant 0 : i32
          %dma_start3A_147 = tpu.memref_slice %arg2[%dma_start3A_145, %dma_start3A_146] : memref<10000x128xf32, #tpu.memory_space<hbm>> -> memref<10000x128xf32, #tpu.memory_space<hbm>>
          tpu.enqueue_indirect_dma source(%dma_start3A_147 : memref<10000x128xf32, #tpu.memory_space<hbm>>) target(%arg9 : memref<80x128xf32, #tpu.memory_space<vmem>>) offsets(%arg13 : memref<80xi32, #tpu.memory_space<vmem>>) semaphore(%arg22 : memref<!tpu.dma_semaphore, #tpu.memory_space<semaphore_mem>>)
        } else {
        }
      } else {
      }
      %mul3A_78 = arith.constant 4 : i32
      %mul3A_79 = arith.muli %mul3A_78, %scan3A_69 : i32
      %add3A_80 = arith.constant 1 : i32
      %add3A_81 = arith.addi %mul3A_79, %add3A_80 : i32
      %lt3A_82 = arith.constant 125 : i32
      %lt3A_83 = arith.cmpi slt, %add3A_81, %lt3A_82 : i32
      %convert_element_type3A_84 = arith.extui %lt3A_83 : i1 to i32
      %cond3A_85 = arith.constant 0 : i32
      %cond3A_86 = arith.cmpi ne, %convert_element_type3A_84, %cond3A_85 : i32
      scf.if %cond3A_86 {
        %ge3A = arith.constant 2 : i32
        %ge3A_105 = arith.cmpi sge, %add3A_81, %ge3A : i32
        %convert_element_type3A_106 = arith.extui %ge3A_105 : i1 to i32
        %cond3A_107 = arith.constant 0 : i32
        %cond3A_108 = arith.cmpi ne, %convert_element_type3A_106, %cond3A_107 : i32
        scf.if %cond3A_108 {
          %sub3A = arith.constant 2 : i32
          %sub3A_129 = arith.subi %add3A_81, %sub3A : i32
          %dma_wait3A_130 = arith.constant 0 : i32
          %dma_wait3A_131 = arith.constant 0 : i32
          %dma_wait3A_132 = tpu.memref_slice %arg19[%dma_wait3A_130, %dma_wait3A_131] : memref<10000x128xf32, #tpu.memory_space<vmem_shared>> -> memref<10000x128xf32, #tpu.memory_space<vmem_shared>>
          tpu.wait_indirect_dma semaphore(%arg27 : memref<!tpu.dma_semaphore, #tpu.memory_space<semaphore_mem>>) src(%arg10 : memref<80x128xf32, #tpu.memory_space<vmem>>) dst(%dma_wait3A_132 : memref<10000x128xf32, #tpu.memory_space<vmem_shared>>)
        } else {
        }
        %add3A_109 = arith.constant 2 : i32
        %add3A_110 = arith.addi %add3A_81, %add3A_109 : i32
        %lt3A_111 = arith.constant 125 : i32
        %lt3A_112 = arith.cmpi slt, %add3A_110, %lt3A_111 : i32
        %convert_element_type3A_113 = arith.extui %lt3A_112 : i1 to i32
        %cond3A_114 = arith.constant 0 : i32
        %cond3A_115 = arith.cmpi ne, %convert_element_type3A_113, %cond3A_114 : i32
        scf.if %cond3A_115 {
          %add3A_129 = arith.constant 2 : i32
          %add3A_130 = arith.addi %add3A_81, %add3A_129 : i32
          %mul3A_131 = arith.constant 80 : i32
          %mul3A_132 = arith.muli %add3A_130, %mul3A_131 : i32
          %multiple_of3A_133 = tpu.assume_multiple %mul3A_132, 8 : i32
          %add3A_134 = arith.addi %multiple_of3A_7, %multiple_of3A_133 : i32
          %dma_start3A_135 = tpu.memref_slice %arg3[%add3A_134] : memref<320000xi32, #tpu.memory_space<hbm>> -> memref<80xi32, #tpu.memory_space<hbm>>
          %dma_start3A_136 = tpu.memref_slice %arg3[%add3A_134] : memref<320000xi32, #tpu.memory_space<hbm>> -> memref<80xi32, #tpu.memory_space<hbm>>
          tpu.enqueue_dma source(%dma_start3A_136 : memref<80xi32, #tpu.memory_space<hbm>>) target(%arg14 : memref<80xi32, #tpu.memory_space<vmem>>) target_semaphore(%arg31 : memref<!tpu.dma_semaphore, #tpu.memory_space<semaphore_mem>>)
          %mul3A_137 = arith.constant 80 : i32
          %mul3A_138 = arith.muli %add3A_130, %mul3A_137 : i32
          %multiple_of3A_139 = tpu.assume_multiple %mul3A_138, 8 : i32
          %add3A_140 = arith.addi %multiple_of3A_7, %multiple_of3A_139 : i32
          %dma_start3A_141 = tpu.memref_slice %arg4[%add3A_140] : memref<320000xi32, #tpu.memory_space<hbm>> -> memref<80xi32, #tpu.memory_space<hbm>>
          %dma_start3A_142 = tpu.memref_slice %arg4[%add3A_140] : memref<320000xi32, #tpu.memory_space<hbm>> -> memref<80xi32, #tpu.memory_space<hbm>>
          tpu.enqueue_dma source(%dma_start3A_142 : memref<80xi32, #tpu.memory_space<hbm>>) target(%arg18 : memref<80xi32, #tpu.memory_space<vmem>>) target_semaphore(%arg31 : memref<!tpu.dma_semaphore, #tpu.memory_space<semaphore_mem>>)
        } else {
        }
        %dma_wait3A_116 = arith.constant 0 : i32
        %dma_wait3A_117 = arith.constant 0 : i32
        %dma_wait3A_118 = tpu.memref_slice %arg2[%dma_wait3A_116, %dma_wait3A_117] : memref<10000x128xf32, #tpu.memory_space<hbm>> -> memref<10000x128xf32, #tpu.memory_space<hbm>>
        tpu.wait_indirect_dma semaphore(%arg21 : memref<!tpu.dma_semaphore, #tpu.memory_space<semaphore_mem>>) src(%dma_wait3A_118 : memref<10000x128xf32, #tpu.memory_space<hbm>>) dst(%arg8 : memref<80x128xf32, #tpu.memory_space<vmem>>)
        %dma_start3A_119 = arith.constant 0 : i32
        %dma_start3A_120 = arith.constant 0 : i32
        %dma_start3A_121 = tpu.memref_slice %arg19[%dma_start3A_119, %dma_start3A_120] : memref<10000x128xf32, #tpu.memory_space<vmem_shared>> -> memref<10000x128xf32, #tpu.memory_space<vmem_shared>>
        tpu.enqueue_indirect_dma source(%arg8 : memref<80x128xf32, #tpu.memory_space<vmem>>) target(%dma_start3A_121 : memref<10000x128xf32, #tpu.memory_space<vmem_shared>>) offsets(%arg16 : memref<80xi32, #tpu.memory_space<vmem>>) semaphore(%arg25 : memref<!tpu.dma_semaphore, #tpu.memory_space<semaphore_mem>>) {add = true}
        %add3A_122 = arith.constant 2 : i32
        %add3A_123 = arith.addi %add3A_81, %add3A_122 : i32
        %lt3A_124 = arith.constant 125 : i32
        %lt3A_125 = arith.cmpi slt, %add3A_123, %lt3A_124 : i32
        %convert_element_type3A_126 = arith.extui %lt3A_125 : i1 to i32
        %cond3A_127 = arith.constant 0 : i32
        %cond3A_128 = arith.cmpi ne, %convert_element_type3A_126, %cond3A_127 : i32
        scf.if %cond3A_128 {
          %add3A_129 = arith.constant 2 : i32
          %add3A_130 = arith.addi %add3A_81, %add3A_129 : i32
          %mul3A_131 = arith.constant 80 : i32
          %mul3A_132 = arith.muli %add3A_130, %mul3A_131 : i32
          %multiple_of3A_133 = tpu.assume_multiple %mul3A_132, 8 : i32
          %add3A_134 = arith.addi %multiple_of3A_7, %multiple_of3A_133 : i32
          %dma_wait3A_135 = tpu.memref_slice %arg3[%add3A_134] : memref<320000xi32, #tpu.memory_space<hbm>> -> memref<80xi32, #tpu.memory_space<hbm>>
          %dma_wait3A_136 = tpu.memref_slice %arg3[%add3A_134] : memref<320000xi32, #tpu.memory_space<hbm>> -> memref<80xi32, #tpu.memory_space<hbm>>
          tpu.wait_dma2 semaphore(%arg31 : memref<!tpu.dma_semaphore, #tpu.memory_space<semaphore_mem>>) src(%dma_wait3A_136 : memref<80xi32, #tpu.memory_space<hbm>>) dst(%arg14 : memref<80xi32, #tpu.memory_space<vmem>>)
          %mul3A_137 = arith.constant 80 : i32
          %mul3A_138 = arith.muli %add3A_130, %mul3A_137 : i32
          %multiple_of3A_139 = tpu.assume_multiple %mul3A_138, 8 : i32
          %add3A_140 = arith.addi %multiple_of3A_7, %multiple_of3A_139 : i32
          %dma_wait3A_141 = tpu.memref_slice %arg4[%add3A_140] : memref<320000xi32, #tpu.memory_space<hbm>> -> memref<80xi32, #tpu.memory_space<hbm>>
          %dma_wait3A_142 = tpu.memref_slice %arg4[%add3A_140] : memref<320000xi32, #tpu.memory_space<hbm>> -> memref<80xi32, #tpu.memory_space<hbm>>
          tpu.wait_dma2 semaphore(%arg31 : memref<!tpu.dma_semaphore, #tpu.memory_space<semaphore_mem>>) src(%dma_wait3A_142 : memref<80xi32, #tpu.memory_space<hbm>>) dst(%arg18 : memref<80xi32, #tpu.memory_space<vmem>>)
          %add3A_143 = arith.constant 2 : i32
          %add3A_144 = arith.addi %add3A_81, %add3A_143 : i32
          %dma_start3A_145 = arith.constant 0 : i32
          %dma_start3A_146 = arith.constant 0 : i32
          %dma_start3A_147 = tpu.memref_slice %arg2[%dma_start3A_145, %dma_start3A_146] : memref<10000x128xf32, #tpu.memory_space<hbm>> -> memref<10000x128xf32, #tpu.memory_space<hbm>>
          tpu.enqueue_indirect_dma source(%dma_start3A_147 : memref<10000x128xf32, #tpu.memory_space<hbm>>) target(%arg10 : memref<80x128xf32, #tpu.memory_space<vmem>>) offsets(%arg14 : memref<80xi32, #tpu.memory_space<vmem>>) semaphore(%arg23 : memref<!tpu.dma_semaphore, #tpu.memory_space<semaphore_mem>>)
        } else {
        }
      } else {
      }
      %mul3A_87 = arith.constant 4 : i32
      %mul3A_88 = arith.muli %mul3A_87, %scan3A_69 : i32
      %add3A_89 = arith.constant 2 : i32
      %add3A_90 = arith.addi %mul3A_88, %add3A_89 : i32
      %lt3A_91 = arith.constant 125 : i32
      %lt3A_92 = arith.cmpi slt, %add3A_90, %lt3A_91 : i32
      %convert_element_type3A_93 = arith.extui %lt3A_92 : i1 to i32
      %cond3A_94 = arith.constant 0 : i32
      %cond3A_95 = arith.cmpi ne, %convert_element_type3A_93, %cond3A_94 : i32
      scf.if %cond3A_95 {
        %ge3A = arith.constant 2 : i32
        %ge3A_105 = arith.cmpi sge, %add3A_90, %ge3A : i32
        %convert_element_type3A_106 = arith.extui %ge3A_105 : i1 to i32
        %cond3A_107 = arith.constant 0 : i32
        %cond3A_108 = arith.cmpi ne, %convert_element_type3A_106, %cond3A_107 : i32
        scf.if %cond3A_108 {
          %sub3A = arith.constant 2 : i32
          %sub3A_129 = arith.subi %add3A_90, %sub3A : i32
          %dma_wait3A_130 = arith.constant 0 : i32
          %dma_wait3A_131 = arith.constant 0 : i32
          %dma_wait3A_132 = tpu.memref_slice %arg19[%dma_wait3A_130, %dma_wait3A_131] : memref<10000x128xf32, #tpu.memory_space<vmem_shared>> -> memref<10000x128xf32, #tpu.memory_space<vmem_shared>>
          tpu.wait_indirect_dma semaphore(%arg24 : memref<!tpu.dma_semaphore, #tpu.memory_space<semaphore_mem>>) src(%arg7 : memref<80x128xf32, #tpu.memory_space<vmem>>) dst(%dma_wait3A_132 : memref<10000x128xf32, #tpu.memory_space<vmem_shared>>)
        } else {
        }
        %add3A_109 = arith.constant 2 : i32
        %add3A_110 = arith.addi %add3A_90, %add3A_109 : i32
        %lt3A_111 = arith.constant 125 : i32
        %lt3A_112 = arith.cmpi slt, %add3A_110, %lt3A_111 : i32
        %convert_element_type3A_113 = arith.extui %lt3A_112 : i1 to i32
        %cond3A_114 = arith.constant 0 : i32
        %cond3A_115 = arith.cmpi ne, %convert_element_type3A_113, %cond3A_114 : i32
        scf.if %cond3A_115 {
          %add3A_129 = arith.constant 2 : i32
          %add3A_130 = arith.addi %add3A_90, %add3A_129 : i32
          %mul3A_131 = arith.constant 80 : i32
          %mul3A_132 = arith.muli %add3A_130, %mul3A_131 : i32
          %multiple_of3A_133 = tpu.assume_multiple %mul3A_132, 8 : i32
          %add3A_134 = arith.addi %multiple_of3A_7, %multiple_of3A_133 : i32
          %dma_start3A_135 = tpu.memref_slice %arg3[%add3A_134] : memref<320000xi32, #tpu.memory_space<hbm>> -> memref<80xi32, #tpu.memory_space<hbm>>
          %dma_start3A_136 = tpu.memref_slice %arg3[%add3A_134] : memref<320000xi32, #tpu.memory_space<hbm>> -> memref<80xi32, #tpu.memory_space<hbm>>
          tpu.enqueue_dma source(%dma_start3A_136 : memref<80xi32, #tpu.memory_space<hbm>>) target(%arg11 : memref<80xi32, #tpu.memory_space<vmem>>) target_semaphore(%arg28 : memref<!tpu.dma_semaphore, #tpu.memory_space<semaphore_mem>>)
          %mul3A_137 = arith.constant 80 : i32
          %mul3A_138 = arith.muli %add3A_130, %mul3A_137 : i32
          %multiple_of3A_139 = tpu.assume_multiple %mul3A_138, 8 : i32
          %add3A_140 = arith.addi %multiple_of3A_7, %multiple_of3A_139 : i32
          %dma_start3A_141 = tpu.memref_slice %arg4[%add3A_140] : memref<320000xi32, #tpu.memory_space<hbm>> -> memref<80xi32, #tpu.memory_space<hbm>>
          %dma_start3A_142 = tpu.memref_slice %arg4[%add3A_140] : memref<320000xi32, #tpu.memory_space<hbm>> -> memref<80xi32, #tpu.memory_space<hbm>>
          tpu.enqueue_dma source(%dma_start3A_142 : memref<80xi32, #tpu.memory_space<hbm>>) target(%arg15 : memref<80xi32, #tpu.memory_space<vmem>>) target_semaphore(%arg28 : memref<!tpu.dma_semaphore, #tpu.memory_space<semaphore_mem>>)
        } else {
        }
        %dma_wait3A_116 = arith.constant 0 : i32
        %dma_wait3A_117 = arith.constant 0 : i32
        %dma_wait3A_118 = tpu.memref_slice %arg2[%dma_wait3A_116, %dma_wait3A_117] : memref<10000x128xf32, #tpu.memory_space<hbm>> -> memref<10000x128xf32, #tpu.memory_space<hbm>>
        tpu.wait_indirect_dma semaphore(%arg22 : memref<!tpu.dma_semaphore, #tpu.memory_space<semaphore_mem>>) src(%dma_wait3A_118 : memref<10000x128xf32, #tpu.memory_space<hbm>>) dst(%arg9 : memref<80x128xf32, #tpu.memory_space<vmem>>)
        %dma_start3A_119 = arith.constant 0 : i32
        %dma_start3A_120 = arith.constant 0 : i32
        %dma_start3A_121 = tpu.memref_slice %arg19[%dma_start3A_119, %dma_start3A_120] : memref<10000x128xf32, #tpu.memory_space<vmem_shared>> -> memref<10000x128xf32, #tpu.memory_space<vmem_shared>>
        tpu.enqueue_indirect_dma source(%arg9 : memref<80x128xf32, #tpu.memory_space<vmem>>) target(%dma_start3A_121 : memref<10000x128xf32, #tpu.memory_space<vmem_shared>>) offsets(%arg17 : memref<80xi32, #tpu.memory_space<vmem>>) semaphore(%arg26 : memref<!tpu.dma_semaphore, #tpu.memory_space<semaphore_mem>>) {add = true}
        %add3A_122 = arith.constant 2 : i32
        %add3A_123 = arith.addi %add3A_90, %add3A_122 : i32
        %lt3A_124 = arith.constant 125 : i32
        %lt3A_125 = arith.cmpi slt, %add3A_123, %lt3A_124 : i32
        %convert_element_type3A_126 = arith.extui %lt3A_125 : i1 to i32
        %cond3A_127 = arith.constant 0 : i32
        %cond3A_128 = arith.cmpi ne, %convert_element_type3A_126, %cond3A_127 : i32
        scf.if %cond3A_128 {
          %add3A_129 = arith.constant 2 : i32
          %add3A_130 = arith.addi %add3A_90, %add3A_129 : i32
          %mul3A_131 = arith.constant 80 : i32
          %mul3A_132 = arith.muli %add3A_130, %mul3A_131 : i32
          %multiple_of3A_133 = tpu.assume_multiple %mul3A_132, 8 : i32
          %add3A_134 = arith.addi %multiple_of3A_7, %multiple_of3A_133 : i32
          %dma_wait3A_135 = tpu.memref_slice %arg3[%add3A_134] : memref<320000xi32, #tpu.memory_space<hbm>> -> memref<80xi32, #tpu.memory_space<hbm>>
          %dma_wait3A_136 = tpu.memref_slice %arg3[%add3A_134] : memref<320000xi32, #tpu.memory_space<hbm>> -> memref<80xi32, #tpu.memory_space<hbm>>
          tpu.wait_dma2 semaphore(%arg28 : memref<!tpu.dma_semaphore, #tpu.memory_space<semaphore_mem>>) src(%dma_wait3A_136 : memref<80xi32, #tpu.memory_space<hbm>>) dst(%arg11 : memref<80xi32, #tpu.memory_space<vmem>>)
          %mul3A_137 = arith.constant 80 : i32
          %mul3A_138 = arith.muli %add3A_130, %mul3A_137 : i32
          %multiple_of3A_139 = tpu.assume_multiple %mul3A_138, 8 : i32
          %add3A_140 = arith.addi %multiple_of3A_7, %multiple_of3A_139 : i32
          %dma_wait3A_141 = tpu.memref_slice %arg4[%add3A_140] : memref<320000xi32, #tpu.memory_space<hbm>> -> memref<80xi32, #tpu.memory_space<hbm>>
          %dma_wait3A_142 = tpu.memref_slice %arg4[%add3A_140] : memref<320000xi32, #tpu.memory_space<hbm>> -> memref<80xi32, #tpu.memory_space<hbm>>
          tpu.wait_dma2 semaphore(%arg28 : memref<!tpu.dma_semaphore, #tpu.memory_space<semaphore_mem>>) src(%dma_wait3A_142 : memref<80xi32, #tpu.memory_space<hbm>>) dst(%arg15 : memref<80xi32, #tpu.memory_space<vmem>>)
          %add3A_143 = arith.constant 2 : i32
          %add3A_144 = arith.addi %add3A_90, %add3A_143 : i32
          %dma_start3A_145 = arith.constant 0 : i32
          %dma_start3A_146 = arith.constant 0 : i32
          %dma_start3A_147 = tpu.memref_slice %arg2[%dma_start3A_145, %dma_start3A_146] : memref<10000x128xf32, #tpu.memory_space<hbm>> -> memref<10000x128xf32, #tpu.memory_space<hbm>>
          tpu.enqueue_indirect_dma source(%dma_start3A_147 : memref<10000x128xf32, #tpu.memory_space<hbm>>) target(%arg7 : memref<80x128xf32, #tpu.memory_space<vmem>>) offsets(%arg11 : memref<80xi32, #tpu.memory_space<vmem>>) semaphore(%arg20 : memref<!tpu.dma_semaphore, #tpu.memory_space<semaphore_mem>>)
        } else {
        }
      } else {
      }
      %mul3A_96 = arith.constant 4 : i32
      %mul3A_97 = arith.muli %mul3A_96, %scan3A_69 : i32
      %add3A_98 = arith.constant 3 : i32
      %add3A_99 = arith.addi %mul3A_97, %add3A_98 : i32
      %lt3A_100 = arith.constant 125 : i32
      %lt3A_101 = arith.cmpi slt, %add3A_99, %lt3A_100 : i32
      %convert_element_type3A_102 = arith.extui %lt3A_101 : i1 to i32
      %cond3A_103 = arith.constant 0 : i32
      %cond3A_104 = arith.cmpi ne, %convert_element_type3A_102, %cond3A_103 : i32
      scf.if %cond3A_104 {
        %ge3A = arith.constant 2 : i32
        %ge3A_105 = arith.cmpi sge, %add3A_99, %ge3A : i32
        %convert_element_type3A_106 = arith.extui %ge3A_105 : i1 to i32
        %cond3A_107 = arith.constant 0 : i32
        %cond3A_108 = arith.cmpi ne, %convert_element_type3A_106, %cond3A_107 : i32
        scf.if %cond3A_108 {
          %sub3A = arith.constant 2 : i32
          %sub3A_129 = arith.subi %add3A_99, %sub3A : i32
          %dma_wait3A_130 = arith.constant 0 : i32
          %dma_wait3A_131 = arith.constant 0 : i32
          %dma_wait3A_132 = tpu.memref_slice %arg19[%dma_wait3A_130, %dma_wait3A_131] : memref<10000x128xf32, #tpu.memory_space<vmem_shared>> -> memref<10000x128xf32, #tpu.memory_space<vmem_shared>>
          tpu.wait_indirect_dma semaphore(%arg25 : memref<!tpu.dma_semaphore, #tpu.memory_space<semaphore_mem>>) src(%arg8 : memref<80x128xf32, #tpu.memory_space<vmem>>) dst(%dma_wait3A_132 : memref<10000x128xf32, #tpu.memory_space<vmem_shared>>)
        } else {
        }
        %add3A_109 = arith.constant 2 : i32
        %add3A_110 = arith.addi %add3A_99, %add3A_109 : i32
        %lt3A_111 = arith.constant 125 : i32
        %lt3A_112 = arith.cmpi slt, %add3A_110, %lt3A_111 : i32
        %convert_element_type3A_113 = arith.extui %lt3A_112 : i1 to i32
        %cond3A_114 = arith.constant 0 : i32
        %cond3A_115 = arith.cmpi ne, %convert_element_type3A_113, %cond3A_114 : i32
        scf.if %cond3A_115 {
          %add3A_129 = arith.constant 2 : i32
          %add3A_130 = arith.addi %add3A_99, %add3A_129 : i32
          %mul3A_131 = arith.constant 80 : i32
          %mul3A_132 = arith.muli %add3A_130, %mul3A_131 : i32
          %multiple_of3A_133 = tpu.assume_multiple %mul3A_132, 8 : i32
          %add3A_134 = arith.addi %multiple_of3A_7, %multiple_of3A_133 : i32
          %dma_start3A_135 = tpu.memref_slice %arg3[%add3A_134] : memref<320000xi32, #tpu.memory_space<hbm>> -> memref<80xi32, #tpu.memory_space<hbm>>
          %dma_start3A_136 = tpu.memref_slice %arg3[%add3A_134] : memref<320000xi32, #tpu.memory_space<hbm>> -> memref<80xi32, #tpu.memory_space<hbm>>
          tpu.enqueue_dma source(%dma_start3A_136 : memref<80xi32, #tpu.memory_space<hbm>>) target(%arg12 : memref<80xi32, #tpu.memory_space<vmem>>) target_semaphore(%arg29 : memref<!tpu.dma_semaphore, #tpu.memory_space<semaphore_mem>>)
          %mul3A_137 = arith.constant 80 : i32
          %mul3A_138 = arith.muli %add3A_130, %mul3A_137 : i32
          %multiple_of3A_139 = tpu.assume_multiple %mul3A_138, 8 : i32
          %add3A_140 = arith.addi %multiple_of3A_7, %multiple_of3A_139 : i32
          %dma_start3A_141 = tpu.memref_slice %arg4[%add3A_140] : memref<320000xi32, #tpu.memory_space<hbm>> -> memref<80xi32, #tpu.memory_space<hbm>>
          %dma_start3A_142 = tpu.memref_slice %arg4[%add3A_140] : memref<320000xi32, #tpu.memory_space<hbm>> -> memref<80xi32, #tpu.memory_space<hbm>>
          tpu.enqueue_dma source(%dma_start3A_142 : memref<80xi32, #tpu.memory_space<hbm>>) target(%arg16 : memref<80xi32, #tpu.memory_space<vmem>>) target_semaphore(%arg29 : memref<!tpu.dma_semaphore, #tpu.memory_space<semaphore_mem>>)
        } else {
        }
        %dma_wait3A_116 = arith.constant 0 : i32
        %dma_wait3A_117 = arith.constant 0 : i32
        %dma_wait3A_118 = tpu.memref_slice %arg2[%dma_wait3A_116, %dma_wait3A_117] : memref<10000x128xf32, #tpu.memory_space<hbm>> -> memref<10000x128xf32, #tpu.memory_space<hbm>>
        tpu.wait_indirect_dma semaphore(%arg23 : memref<!tpu.dma_semaphore, #tpu.memory_space<semaphore_mem>>) src(%dma_wait3A_118 : memref<10000x128xf32, #tpu.memory_space<hbm>>) dst(%arg10 : memref<80x128xf32, #tpu.memory_space<vmem>>)
        %dma_start3A_119 = arith.constant 0 : i32
        %dma_start3A_120 = arith.constant 0 : i32
        %dma_start3A_121 = tpu.memref_slice %arg19[%dma_start3A_119, %dma_start3A_120] : memref<10000x128xf32, #tpu.memory_space<vmem_shared>> -> memref<10000x128xf32, #tpu.memory_space<vmem_shared>>
        tpu.enqueue_indirect_dma source(%arg10 : memref<80x128xf32, #tpu.memory_space<vmem>>) target(%dma_start3A_121 : memref<10000x128xf32, #tpu.memory_space<vmem_shared>>) offsets(%arg18 : memref<80xi32, #tpu.memory_space<vmem>>) semaphore(%arg27 : memref<!tpu.dma_semaphore, #tpu.memory_space<semaphore_mem>>) {add = true}
        %add3A_122 = arith.constant 2 : i32
        %add3A_123 = arith.addi %add3A_99, %add3A_122 : i32
        %lt3A_124 = arith.constant 125 : i32
        %lt3A_125 = arith.cmpi slt, %add3A_123, %lt3A_124 : i32
        %convert_element_type3A_126 = arith.extui %lt3A_125 : i1 to i32
        %cond3A_127 = arith.constant 0 : i32
        %cond3A_128 = arith.cmpi ne, %convert_element_type3A_126, %cond3A_127 : i32
        scf.if %cond3A_128 {
          %add3A_129 = arith.constant 2 : i32
          %add3A_130 = arith.addi %add3A_99, %add3A_129 : i32
          %mul3A_131 = arith.constant 80 : i32
          %mul3A_132 = arith.muli %add3A_130, %mul3A_131 : i32
          %multiple_of3A_133 = tpu.assume_multiple %mul3A_132, 8 : i32
          %add3A_134 = arith.addi %multiple_of3A_7, %multiple_of3A_133 : i32
          %dma_wait3A_135 = tpu.memref_slice %arg3[%add3A_134] : memref<320000xi32, #tpu.memory_space<hbm>> -> memref<80xi32, #tpu.memory_space<hbm>>
          %dma_wait3A_136 = tpu.memref_slice %arg3[%add3A_134] : memref<320000xi32, #tpu.memory_space<hbm>> -> memref<80xi32, #tpu.memory_space<hbm>>
          tpu.wait_dma2 semaphore(%arg29 : memref<!tpu.dma_semaphore, #tpu.memory_space<semaphore_mem>>) src(%dma_wait3A_136 : memref<80xi32, #tpu.memory_space<hbm>>) dst(%arg12 : memref<80xi32, #tpu.memory_space<vmem>>)
          %mul3A_137 = arith.constant 80 : i32
          %mul3A_138 = arith.muli %add3A_130, %mul3A_137 : i32
          %multiple_of3A_139 = tpu.assume_multiple %mul3A_138, 8 : i32
          %add3A_140 = arith.addi %multiple_of3A_7, %multiple_of3A_139 : i32
          %dma_wait3A_141 = tpu.memref_slice %arg4[%add3A_140] : memref<320000xi32, #tpu.memory_space<hbm>> -> memref<80xi32, #tpu.memory_space<hbm>>
          %dma_wait3A_142 = tpu.memref_slice %arg4[%add3A_140] : memref<320000xi32, #tpu.memory_space<hbm>> -> memref<80xi32, #tpu.memory_space<hbm>>
          tpu.wait_dma2 semaphore(%arg29 : memref<!tpu.dma_semaphore, #tpu.memory_space<semaphore_mem>>) src(%dma_wait3A_142 : memref<80xi32, #tpu.memory_space<hbm>>) dst(%arg16 : memref<80xi32, #tpu.memory_space<vmem>>)
          %add3A_143 = arith.constant 2 : i32
          %add3A_144 = arith.addi %add3A_99, %add3A_143 : i32
          %dma_start3A_145 = arith.constant 0 : i32
          %dma_start3A_146 = arith.constant 0 : i32
          %dma_start3A_147 = tpu.memref_slice %arg2[%dma_start3A_145, %dma_start3A_146] : memref<10000x128xf32, #tpu.memory_space<hbm>> -> memref<10000x128xf32, #tpu.memory_space<hbm>>
          tpu.enqueue_indirect_dma source(%dma_start3A_147 : memref<10000x128xf32, #tpu.memory_space<hbm>>) target(%arg8 : memref<80x128xf32, #tpu.memory_space<vmem>>) offsets(%arg12 : memref<80xi32, #tpu.memory_space<vmem>>) semaphore(%arg21 : memref<!tpu.dma_semaphore, #tpu.memory_space<semaphore_mem>>)
        } else {
        }
      } else {
      }
    }
    %scan3A_56 = arith.constant 32 : i32
    %dma_wait3A_57 = arith.constant 0 : i32
    %dma_wait3A_58 = arith.constant 0 : i32
    %dma_wait3A_59 = tpu.memref_slice %arg19[%dma_wait3A_57, %dma_wait3A_58] : memref<10000x128xf32, #tpu.memory_space<vmem_shared>> -> memref<10000x128xf32, #tpu.memory_space<vmem_shared>>
    tpu.wait_indirect_dma semaphore(%arg27 : memref<!tpu.dma_semaphore, #tpu.memory_space<semaphore_mem>>) src(%arg10 : memref<80x128xf32, #tpu.memory_space<vmem>>) dst(%dma_wait3A_59 : memref<10000x128xf32, #tpu.memory_space<vmem_shared>>)
    %dma_wait3A_60 = arith.constant 0 : i32
    %dma_wait3A_61 = arith.constant 0 : i32
    %dma_wait3A_62 = tpu.memref_slice %arg19[%dma_wait3A_60, %dma_wait3A_61] : memref<10000x128xf32, #tpu.memory_space<vmem_shared>> -> memref<10000x128xf32, #tpu.memory_space<vmem_shared>>
    tpu.wait_indirect_dma semaphore(%arg24 : memref<!tpu.dma_semaphore, #tpu.memory_space<semaphore_mem>>) src(%arg7 : memref<80x128xf32, #tpu.memory_space<vmem>>) dst(%dma_wait3A_62 : memref<10000x128xf32, #tpu.memory_space<vmem_shared>>)
    %barrier3A_63 = arith.constant 0 : index
    tpu.barrier barrier_id(%barrier3A_63)
    "tpu.region"() ({
      %run_scoped3A = tpu.sem_alloc : memref<!tpu.dma_semaphore, #tpu.memory_space<semaphore_mem>>
      %dma_start3A_69 = arith.constant 0 : i32
      %dma_start3A_70 = tpu.memref_slice %arg6[%arg0, %multiple_of3A, %dma_start3A_69] : memref<2x10000x128xf32, #tpu.memory_space<hbm>> -> memref<1x624x128xf32, #tpu.memory_space<hbm>>
      %dma_start3A_71 = tpu.memref_squeeze %dma_start3A_70 : memref<1x624x128xf32, #tpu.memory_space<hbm>> -> memref<624x128xf32, #tpu.memory_space<hbm>>
      %dma_start3A_72 = arith.constant 0 : i32
      %dma_start3A_73 = tpu.memref_slice %arg19[%multiple_of3A, %dma_start3A_72] : memref<10000x128xf32, #tpu.memory_space<vmem_shared>> -> memref<624x128xf32, #tpu.memory_space<vmem_shared>>
      tpu.enqueue_dma source(%dma_start3A_73 : memref<624x128xf32, #tpu.memory_space<vmem_shared>>) target(%dma_start3A_71 : memref<624x128xf32, #tpu.memory_space<hbm>>) target_semaphore(%run_scoped3A : memref<!tpu.dma_semaphore, #tpu.memory_space<semaphore_mem>>)
      %dma_wait3A_74 = arith.constant 0 : i32
      %dma_wait3A_75 = tpu.memref_slice %arg6[%arg0, %multiple_of3A, %dma_wait3A_74] : memref<2x10000x128xf32, #tpu.memory_space<hbm>> -> memref<1x624x128xf32, #tpu.memory_space<hbm>>
      %dma_wait3A_76 = tpu.memref_squeeze %dma_wait3A_75 : memref<1x624x128xf32, #tpu.memory_space<hbm>> -> memref<624x128xf32, #tpu.memory_space<hbm>>
      %dma_wait3A_77 = arith.constant 0 : i32
      %dma_wait3A_78 = tpu.memref_slice %arg19[%multiple_of3A, %dma_wait3A_77] : memref<10000x128xf32, #tpu.memory_space<vmem_shared>> -> memref<624x128xf32, #tpu.memory_space<vmem_shared>>
      tpu.wait_dma2 semaphore(%run_scoped3A : memref<!tpu.dma_semaphore, #tpu.memory_space<semaphore_mem>>) src(%dma_wait3A_78 : memref<624x128xf32, #tpu.memory_space<vmem_shared>>) dst(%dma_wait3A_76 : memref<624x128xf32, #tpu.memory_space<hbm>>)
      tpu.yield
    }) : () -> ()
    %eq3A_64 = arith.constant 0 : i32
    %eq3A_65 = arith.cmpi eq, %arg1, %eq3A_64 : i32
    %convert_element_type3A_66 = arith.extui %eq3A_65 : i1 to i32
    %cond3A_67 = arith.constant 0 : i32
    %cond3A_68 = arith.cmpi ne, %convert_element_type3A_66, %cond3A_67 : i32
    scf.if %cond3A_68 {
      "tpu.region"() ({
        %run_scoped3A = tpu.sem_alloc : memref<!tpu.dma_semaphore, #tpu.memory_space<semaphore_mem>>
        %dma_start3A_69 = arith.constant 9984 : i32
        %dma_start3A_70 = arith.constant 0 : i32
        %dma_start3A_71 = tpu.memref_slice %arg6[%arg0, %dma_start3A_69, %dma_start3A_70] : memref<2x10000x128xf32, #tpu.memory_space<hbm>> -> memref<1x16x128xf32, #tpu.memory_space<hbm>>
        %dma_start3A_72 = tpu.memref_squeeze %dma_start3A_71 : memref<1x16x128xf32, #tpu.memory_space<hbm>> -> memref<16x128xf32, #tpu.memory_space<hbm>>
        %dma_start3A_73 = arith.constant 9984 : i32
        %dma_start3A_74 = arith.constant 0 : i32
        %dma_start3A_75 = tpu.memref_slice %arg19[%dma_start3A_73, %dma_start3A_74] : memref<10000x128xf32, #tpu.memory_space<vmem_shared>> -> memref<16x128xf32, #tpu.memory_space<vmem_shared>>
        tpu.enqueue_dma source(%dma_start3A_75 : memref<16x128xf32, #tpu.memory_space<vmem_shared>>) target(%dma_start3A_72 : memref<16x128xf32, #tpu.memory_space<hbm>>) target_semaphore(%run_scoped3A : memref<!tpu.dma_semaphore, #tpu.memory_space<semaphore_mem>>)
        %dma_wait3A_76 = arith.constant 9984 : i32
        %dma_wait3A_77 = arith.constant 0 : i32
        %dma_wait3A_78 = tpu.memref_slice %arg6[%arg0, %dma_wait3A_76, %dma_wait3A_77] : memref<2x10000x128xf32, #tpu.memory_space<hbm>> -> memref<1x16x128xf32, #tpu.memory_space<hbm>>
        %dma_wait3A_79 = tpu.memref_squeeze %dma_wait3A_78 : memref<1x16x128xf32, #tpu.memory_space<hbm>> -> memref<16x128xf32, #tpu.memory_space<hbm>>
        %dma_wait3A_80 = arith.constant 9984 : i32
        %dma_wait3A_81 = arith.constant 0 : i32
        %dma_wait3A_82 = tpu.memref_slice %arg19[%dma_wait3A_80, %dma_wait3A_81] : memref<10000x128xf32, #tpu.memory_space<vmem_shared>> -> memref<16x128xf32, #tpu.memory_space<vmem_shared>>
        tpu.wait_dma2 semaphore(%run_scoped3A : memref<!tpu.dma_semaphore, #tpu.memory_space<semaphore_mem>>) src(%dma_wait3A_82 : memref<16x128xf32, #tpu.memory_space<vmem_shared>>) dst(%dma_wait3A_79 : memref<16x128xf32, #tpu.memory_space<hbm>>)
        tpu.yield
      }) : () -> ()
    } else {
    }
    return
  }
}

#map = affine_map<(d0, d1) -> (0)>
module attributes {stable_mosaic.version = 14 : i64} {
  func.func @_sc_cnt_body(%arg0: i32, %arg1: i32, %arg2: memref<320000xi32, #tpu.memory_space<hbm>>, %arg3: memref<320000xi32, #tpu.memory_space<hbm>>, %arg4: memref<10240xf32, #tpu.memory_space<hbm>>, %arg5: memref<2000xf32, #tpu.memory_space<hbm>>, %arg6: memref<20480xf32, #tpu.memory_space<hbm>>, %arg7: memref<20480xf32, #tpu.memory_space<hbm>>, %arg8: memref<2000xi32, #tpu.memory_space<vmem>>, %arg9: memref<2000xi32, #tpu.memory_space<vmem>>, %arg10: memref<2000xf32, #tpu.memory_space<vmem>>, %arg11: memref<10240xf32, #tpu.memory_space<vmem_shared>>, %arg12: memref<10240xf32, #tpu.memory_space<vmem_shared>>, %arg13: memref<!tpu.dma_semaphore, #tpu.memory_space<semaphore_mem>>, %arg14: memref<!tpu.dma_semaphore, #tpu.memory_space<semaphore_mem>>, %arg15: memref<!tpu.dma_semaphore, #tpu.memory_space<semaphore_mem>>, %arg16: memref<!tpu.dma_semaphore, #tpu.memory_space<semaphore_mem>>) attributes {dimension_semantics = [#tpu.dimension_semantics<core_parallel>, #tpu.dimension_semantics<subcore_parallel>], iteration_bounds = array<i64: 2, 16>, scalar_prefetch = 0 : i64, scratch_operands = 9 : i64, tpu.core_type = #tpu.core_type<sc_vector_subcore>, window_params = [{transform_indices = #map}, {transform_indices = #map}, {transform_indices = #map}, {transform_indices = #map}, {transform_indices = #map}, {transform_indices = #map}]} {
    %mul3A = arith.constant 2 : i32
    %mul3A_0 = arith.muli %arg1, %mul3A : i32
    %add3A = arith.addi %mul3A_0, %arg0 : i32
    %mul3A_1 = arith.constant 640 : i32
    %mul3A_2 = arith.muli %arg1, %mul3A_1 : i32
    %multiple_of3A = tpu.assume_multiple %mul3A_2, 128 : i32
    "tpu.region"() ({
      %run_scoped3A = tpu.sem_alloc : memref<!tpu.dma_semaphore, #tpu.memory_space<semaphore_mem>>
      %dma_start3A_42 = tpu.memref_slice %arg11[%multiple_of3A] : memref<10240xf32, #tpu.memory_space<vmem_shared>> -> memref<640xf32, #tpu.memory_space<vmem_shared>>
      %dma_start3A_43 = tpu.memref_slice %arg4[%multiple_of3A] : memref<10240xf32, #tpu.memory_space<hbm>> -> memref<640xf32, #tpu.memory_space<hbm>>
      tpu.enqueue_dma source(%dma_start3A_43 : memref<640xf32, #tpu.memory_space<hbm>>) target(%dma_start3A_42 : memref<640xf32, #tpu.memory_space<vmem_shared>>) target_semaphore(%run_scoped3A : memref<!tpu.dma_semaphore, #tpu.memory_space<semaphore_mem>>)
      %dma_wait3A = tpu.memref_slice %arg11[%multiple_of3A] : memref<10240xf32, #tpu.memory_space<vmem_shared>> -> memref<640xf32, #tpu.memory_space<vmem_shared>>
      %dma_wait3A_44 = tpu.memref_slice %arg4[%multiple_of3A] : memref<10240xf32, #tpu.memory_space<hbm>> -> memref<640xf32, #tpu.memory_space<hbm>>
      tpu.wait_dma2 semaphore(%run_scoped3A : memref<!tpu.dma_semaphore, #tpu.memory_space<semaphore_mem>>) src(%dma_wait3A_44 : memref<640xf32, #tpu.memory_space<hbm>>) dst(%dma_wait3A : memref<640xf32, #tpu.memory_space<vmem_shared>>)
      tpu.yield
    }) : () -> ()
    "tpu.region"() ({
      %run_scoped3A = tpu.sem_alloc : memref<!tpu.dma_semaphore, #tpu.memory_space<semaphore_mem>>
      %dma_start3A_42 = tpu.memref_slice %arg12[%multiple_of3A] : memref<10240xf32, #tpu.memory_space<vmem_shared>> -> memref<640xf32, #tpu.memory_space<vmem_shared>>
      %dma_start3A_43 = tpu.memref_slice %arg4[%multiple_of3A] : memref<10240xf32, #tpu.memory_space<hbm>> -> memref<640xf32, #tpu.memory_space<hbm>>
      tpu.enqueue_dma source(%dma_start3A_43 : memref<640xf32, #tpu.memory_space<hbm>>) target(%dma_start3A_42 : memref<640xf32, #tpu.memory_space<vmem_shared>>) target_semaphore(%run_scoped3A : memref<!tpu.dma_semaphore, #tpu.memory_space<semaphore_mem>>)
      %dma_wait3A = tpu.memref_slice %arg12[%multiple_of3A] : memref<10240xf32, #tpu.memory_space<vmem_shared>> -> memref<640xf32, #tpu.memory_space<vmem_shared>>
      %dma_wait3A_44 = tpu.memref_slice %arg4[%multiple_of3A] : memref<10240xf32, #tpu.memory_space<hbm>> -> memref<640xf32, #tpu.memory_space<hbm>>
      tpu.wait_dma2 semaphore(%run_scoped3A : memref<!tpu.dma_semaphore, #tpu.memory_space<semaphore_mem>>) src(%dma_wait3A_44 : memref<640xf32, #tpu.memory_space<hbm>>) dst(%dma_wait3A : memref<640xf32, #tpu.memory_space<vmem_shared>>)
      tpu.yield
    }) : () -> ()
    "tpu.region"() ({
      %run_scoped3A = tpu.sem_alloc : memref<!tpu.dma_semaphore, #tpu.memory_space<semaphore_mem>>
      tpu.enqueue_dma source(%arg5 : memref<2000xf32, #tpu.memory_space<hbm>>) target(%arg10 : memref<2000xf32, #tpu.memory_space<vmem>>) target_semaphore(%run_scoped3A : memref<!tpu.dma_semaphore, #tpu.memory_space<semaphore_mem>>)
      tpu.wait_dma2 semaphore(%run_scoped3A : memref<!tpu.dma_semaphore, #tpu.memory_space<semaphore_mem>>) src(%arg5 : memref<2000xf32, #tpu.memory_space<hbm>>) dst(%arg10 : memref<2000xf32, #tpu.memory_space<vmem>>)
      tpu.yield
    }) : () -> ()
    %barrier3A = arith.constant 0 : index
    tpu.barrier barrier_id(%barrier3A)
    %mul3A_3 = arith.constant 10000 : i32
    %mul3A_4 = arith.muli %add3A, %mul3A_3 : i32
    %multiple_of3A_5 = tpu.assume_multiple %mul3A_4, 16 : i32
    %multiple_of3A_6 = arith.constant 0 : i32
    %multiple_of3A_7 = tpu.assume_multiple %multiple_of3A_6, 16 : i32
    %add3A_8 = arith.addi %multiple_of3A_5, %multiple_of3A_7 : i32
    %dma_start3A = tpu.memref_slice %arg2[%add3A_8] : memref<320000xi32, #tpu.memory_space<hbm>> -> memref<2000xi32, #tpu.memory_space<hbm>>
    %dma_start3A_9 = tpu.memref_slice %arg2[%add3A_8] : memref<320000xi32, #tpu.memory_space<hbm>> -> memref<2000xi32, #tpu.memory_space<hbm>>
    tpu.enqueue_dma source(%dma_start3A_9 : memref<2000xi32, #tpu.memory_space<hbm>>) target(%arg8 : memref<2000xi32, #tpu.memory_space<vmem>>) target_semaphore(%arg13 : memref<!tpu.dma_semaphore, #tpu.memory_space<semaphore_mem>>)
    %multiple_of3A_10 = arith.constant 2000 : i32
    %multiple_of3A_11 = tpu.assume_multiple %multiple_of3A_10, 16 : i32
    %add3A_12 = arith.addi %multiple_of3A_5, %multiple_of3A_11 : i32
    %dma_start3A_13 = tpu.memref_slice %arg2[%add3A_12] : memref<320000xi32, #tpu.memory_space<hbm>> -> memref<2000xi32, #tpu.memory_space<hbm>>
    %dma_start3A_14 = tpu.memref_slice %arg2[%add3A_12] : memref<320000xi32, #tpu.memory_space<hbm>> -> memref<2000xi32, #tpu.memory_space<hbm>>
    tpu.enqueue_dma source(%dma_start3A_14 : memref<2000xi32, #tpu.memory_space<hbm>>) target(%arg9 : memref<2000xi32, #tpu.memory_space<vmem>>) target_semaphore(%arg14 : memref<!tpu.dma_semaphore, #tpu.memory_space<semaphore_mem>>)
    %scan3A = arith.constant 0 : i32
    %scan3A_15 = arith.constant 0 : i32
    %scan3A_16 = arith.constant 3 : i32
    %scan3A_17 = arith.addi %scan3A_15, %scan3A_16 : i32
    %scan3A_18 = arith.constant 1 : i32
    scf.for %scan3A_42 = %scan3A_15 to %scan3A_17 step %scan3A_18  : i32 {
      %mul3A_43 = arith.constant 2 : i32
      %mul3A_44 = arith.muli %mul3A_43, %scan3A_42 : i32
      %add3A_45 = arith.constant 0 : i32
      %add3A_46 = arith.addi %mul3A_44, %add3A_45 : i32
      %lt3A = arith.constant 5 : i32
      %lt3A_47 = arith.cmpi slt, %add3A_46, %lt3A : i32
      %convert_element_type3A = arith.extui %lt3A_47 : i1 to i32
      %cond3A = arith.constant 0 : i32
      %cond3A_48 = arith.cmpi ne, %convert_element_type3A, %cond3A : i32
      scf.if %cond3A_48 {
        %mul3A_58 = arith.constant 2000 : i32
        %mul3A_59 = arith.muli %add3A_46, %mul3A_58 : i32
        %multiple_of3A_60 = tpu.assume_multiple %mul3A_59, 16 : i32
        %add3A_61 = arith.addi %multiple_of3A_5, %multiple_of3A_60 : i32
        %dma_wait3A = tpu.memref_slice %arg2[%add3A_61] : memref<320000xi32, #tpu.memory_space<hbm>> -> memref<2000xi32, #tpu.memory_space<hbm>>
        %dma_wait3A_62 = tpu.memref_slice %arg2[%add3A_61] : memref<320000xi32, #tpu.memory_space<hbm>> -> memref<2000xi32, #tpu.memory_space<hbm>>
        tpu.wait_dma2 semaphore(%arg13 : memref<!tpu.dma_semaphore, #tpu.memory_space<semaphore_mem>>) src(%dma_wait3A_62 : memref<2000xi32, #tpu.memory_space<hbm>>) dst(%arg8 : memref<2000xi32, #tpu.memory_space<vmem>>)
        %dma_start3A_63 = arith.constant 0 : i32
        %dma_start3A_64 = tpu.memref_slice %arg11[%dma_start3A_63] : memref<10240xf32, #tpu.memory_space<vmem_shared>> -> memref<10240xf32, #tpu.memory_space<vmem_shared>>
        tpu.enqueue_indirect_dma source(%arg10 : memref<2000xf32, #tpu.memory_space<vmem>>) target(%dma_start3A_64 : memref<10240xf32, #tpu.memory_space<vmem_shared>>) offsets(%arg8 : memref<2000xi32, #tpu.memory_space<vmem>>) semaphore(%arg15 : memref<!tpu.dma_semaphore, #tpu.memory_space<semaphore_mem>>) {add = true}
        %dma_wait3A_65 = arith.constant 0 : i32
        %dma_wait3A_66 = tpu.memref_slice %arg11[%dma_wait3A_65] : memref<10240xf32, #tpu.memory_space<vmem_shared>> -> memref<10240xf32, #tpu.memory_space<vmem_shared>>
        tpu.wait_indirect_dma semaphore(%arg15 : memref<!tpu.dma_semaphore, #tpu.memory_space<semaphore_mem>>) src(%arg10 : memref<2000xf32, #tpu.memory_space<vmem>>) dst(%dma_wait3A_66 : memref<10240xf32, #tpu.memory_space<vmem_shared>>)
        %add3A_67 = arith.constant 2 : i32
        %add3A_68 = arith.addi %add3A_46, %add3A_67 : i32
        %lt3A_69 = arith.constant 5 : i32
        %lt3A_70 = arith.cmpi slt, %add3A_68, %lt3A_69 : i32
        %convert_element_type3A_71 = arith.extui %lt3A_70 : i1 to i32
        %cond3A_72 = arith.constant 0 : i32
        %cond3A_73 = arith.cmpi ne, %convert_element_type3A_71, %cond3A_72 : i32
        scf.if %cond3A_73 {
          %add3A_74 = arith.constant 2 : i32
          %add3A_75 = arith.addi %add3A_46, %add3A_74 : i32
          %mul3A_76 = arith.constant 2000 : i32
          %mul3A_77 = arith.muli %add3A_75, %mul3A_76 : i32
          %multiple_of3A_78 = tpu.assume_multiple %mul3A_77, 16 : i32
          %add3A_79 = arith.addi %multiple_of3A_5, %multiple_of3A_78 : i32
          %dma_start3A_80 = tpu.memref_slice %arg2[%add3A_79] : memref<320000xi32, #tpu.memory_space<hbm>> -> memref<2000xi32, #tpu.memory_space<hbm>>
          %dma_start3A_81 = tpu.memref_slice %arg2[%add3A_79] : memref<320000xi32, #tpu.memory_space<hbm>> -> memref<2000xi32, #tpu.memory_space<hbm>>
          tpu.enqueue_dma source(%dma_start3A_81 : memref<2000xi32, #tpu.memory_space<hbm>>) target(%arg8 : memref<2000xi32, #tpu.memory_space<vmem>>) target_semaphore(%arg13 : memref<!tpu.dma_semaphore, #tpu.memory_space<semaphore_mem>>)
        } else {
        }
      } else {
      }
      %mul3A_49 = arith.constant 2 : i32
      %mul3A_50 = arith.muli %mul3A_49, %scan3A_42 : i32
      %add3A_51 = arith.constant 1 : i32
      %add3A_52 = arith.addi %mul3A_50, %add3A_51 : i32
      %lt3A_53 = arith.constant 5 : i32
      %lt3A_54 = arith.cmpi slt, %add3A_52, %lt3A_53 : i32
      %convert_element_type3A_55 = arith.extui %lt3A_54 : i1 to i32
      %cond3A_56 = arith.constant 0 : i32
      %cond3A_57 = arith.cmpi ne, %convert_element_type3A_55, %cond3A_56 : i32
      scf.if %cond3A_57 {
        %mul3A_58 = arith.constant 2000 : i32
        %mul3A_59 = arith.muli %add3A_52, %mul3A_58 : i32
        %multiple_of3A_60 = tpu.assume_multiple %mul3A_59, 16 : i32
        %add3A_61 = arith.addi %multiple_of3A_5, %multiple_of3A_60 : i32
        %dma_wait3A = tpu.memref_slice %arg2[%add3A_61] : memref<320000xi32, #tpu.memory_space<hbm>> -> memref<2000xi32, #tpu.memory_space<hbm>>
        %dma_wait3A_62 = tpu.memref_slice %arg2[%add3A_61] : memref<320000xi32, #tpu.memory_space<hbm>> -> memref<2000xi32, #tpu.memory_space<hbm>>
        tpu.wait_dma2 semaphore(%arg14 : memref<!tpu.dma_semaphore, #tpu.memory_space<semaphore_mem>>) src(%dma_wait3A_62 : memref<2000xi32, #tpu.memory_space<hbm>>) dst(%arg9 : memref<2000xi32, #tpu.memory_space<vmem>>)
        %dma_start3A_63 = arith.constant 0 : i32
        %dma_start3A_64 = tpu.memref_slice %arg11[%dma_start3A_63] : memref<10240xf32, #tpu.memory_space<vmem_shared>> -> memref<10240xf32, #tpu.memory_space<vmem_shared>>
        tpu.enqueue_indirect_dma source(%arg10 : memref<2000xf32, #tpu.memory_space<vmem>>) target(%dma_start3A_64 : memref<10240xf32, #tpu.memory_space<vmem_shared>>) offsets(%arg9 : memref<2000xi32, #tpu.memory_space<vmem>>) semaphore(%arg16 : memref<!tpu.dma_semaphore, #tpu.memory_space<semaphore_mem>>) {add = true}
        %dma_wait3A_65 = arith.constant 0 : i32
        %dma_wait3A_66 = tpu.memref_slice %arg11[%dma_wait3A_65] : memref<10240xf32, #tpu.memory_space<vmem_shared>> -> memref<10240xf32, #tpu.memory_space<vmem_shared>>
        tpu.wait_indirect_dma semaphore(%arg16 : memref<!tpu.dma_semaphore, #tpu.memory_space<semaphore_mem>>) src(%arg10 : memref<2000xf32, #tpu.memory_space<vmem>>) dst(%dma_wait3A_66 : memref<10240xf32, #tpu.memory_space<vmem_shared>>)
        %add3A_67 = arith.constant 2 : i32
        %add3A_68 = arith.addi %add3A_52, %add3A_67 : i32
        %lt3A_69 = arith.constant 5 : i32
        %lt3A_70 = arith.cmpi slt, %add3A_68, %lt3A_69 : i32
        %convert_element_type3A_71 = arith.extui %lt3A_70 : i1 to i32
        %cond3A_72 = arith.constant 0 : i32
        %cond3A_73 = arith.cmpi ne, %convert_element_type3A_71, %cond3A_72 : i32
        scf.if %cond3A_73 {
          %add3A_74 = arith.constant 2 : i32
          %add3A_75 = arith.addi %add3A_52, %add3A_74 : i32
          %mul3A_76 = arith.constant 2000 : i32
          %mul3A_77 = arith.muli %add3A_75, %mul3A_76 : i32
          %multiple_of3A_78 = tpu.assume_multiple %mul3A_77, 16 : i32
          %add3A_79 = arith.addi %multiple_of3A_5, %multiple_of3A_78 : i32
          %dma_start3A_80 = tpu.memref_slice %arg2[%add3A_79] : memref<320000xi32, #tpu.memory_space<hbm>> -> memref<2000xi32, #tpu.memory_space<hbm>>
          %dma_start3A_81 = tpu.memref_slice %arg2[%add3A_79] : memref<320000xi32, #tpu.memory_space<hbm>> -> memref<2000xi32, #tpu.memory_space<hbm>>
          tpu.enqueue_dma source(%dma_start3A_81 : memref<2000xi32, #tpu.memory_space<hbm>>) target(%arg9 : memref<2000xi32, #tpu.memory_space<vmem>>) target_semaphore(%arg14 : memref<!tpu.dma_semaphore, #tpu.memory_space<semaphore_mem>>)
        } else {
        }
      } else {
      }
    }
    %scan3A_19 = arith.constant 3 : i32
    %multiple_of3A_20 = arith.constant 0 : i32
    %multiple_of3A_21 = tpu.assume_multiple %multiple_of3A_20, 16 : i32
    %add3A_22 = arith.addi %multiple_of3A_5, %multiple_of3A_21 : i32
    %dma_start3A_23 = tpu.memref_slice %arg3[%add3A_22] : memref<320000xi32, #tpu.memory_space<hbm>> -> memref<2000xi32, #tpu.memory_space<hbm>>
    %dma_start3A_24 = tpu.memref_slice %arg3[%add3A_22] : memref<320000xi32, #tpu.memory_space<hbm>> -> memref<2000xi32, #tpu.memory_space<hbm>>
    tpu.enqueue_dma source(%dma_start3A_24 : memref<2000xi32, #tpu.memory_space<hbm>>) target(%arg8 : memref<2000xi32, #tpu.memory_space<vmem>>) target_semaphore(%arg13 : memref<!tpu.dma_semaphore, #tpu.memory_space<semaphore_mem>>)
    %multiple_of3A_25 = arith.constant 2000 : i32
    %multiple_of3A_26 = tpu.assume_multiple %multiple_of3A_25, 16 : i32
    %add3A_27 = arith.addi %multiple_of3A_5, %multiple_of3A_26 : i32
    %dma_start3A_28 = tpu.memref_slice %arg3[%add3A_27] : memref<320000xi32, #tpu.memory_space<hbm>> -> memref<2000xi32, #tpu.memory_space<hbm>>
    %dma_start3A_29 = tpu.memref_slice %arg3[%add3A_27] : memref<320000xi32, #tpu.memory_space<hbm>> -> memref<2000xi32, #tpu.memory_space<hbm>>
    tpu.enqueue_dma source(%dma_start3A_29 : memref<2000xi32, #tpu.memory_space<hbm>>) target(%arg9 : memref<2000xi32, #tpu.memory_space<vmem>>) target_semaphore(%arg14 : memref<!tpu.dma_semaphore, #tpu.memory_space<semaphore_mem>>)
    %scan3A_30 = arith.constant 0 : i32
    %scan3A_31 = arith.constant 0 : i32
    %scan3A_32 = arith.constant 3 : i32
    %scan3A_33 = arith.addi %scan3A_31, %scan3A_32 : i32
    %scan3A_34 = arith.constant 1 : i32
    scf.for %scan3A_42 = %scan3A_31 to %scan3A_33 step %scan3A_34  : i32 {
      %mul3A_43 = arith.constant 2 : i32
      %mul3A_44 = arith.muli %mul3A_43, %scan3A_42 : i32
      %add3A_45 = arith.constant 0 : i32
      %add3A_46 = arith.addi %mul3A_44, %add3A_45 : i32
      %lt3A = arith.constant 5 : i32
      %lt3A_47 = arith.cmpi slt, %add3A_46, %lt3A : i32
      %convert_element_type3A = arith.extui %lt3A_47 : i1 to i32
      %cond3A = arith.constant 0 : i32
      %cond3A_48 = arith.cmpi ne, %convert_element_type3A, %cond3A : i32
      scf.if %cond3A_48 {
        %mul3A_58 = arith.constant 2000 : i32
        %mul3A_59 = arith.muli %add3A_46, %mul3A_58 : i32
        %multiple_of3A_60 = tpu.assume_multiple %mul3A_59, 16 : i32
        %add3A_61 = arith.addi %multiple_of3A_5, %multiple_of3A_60 : i32
        %dma_wait3A = tpu.memref_slice %arg3[%add3A_61] : memref<320000xi32, #tpu.memory_space<hbm>> -> memref<2000xi32, #tpu.memory_space<hbm>>
        %dma_wait3A_62 = tpu.memref_slice %arg3[%add3A_61] : memref<320000xi32, #tpu.memory_space<hbm>> -> memref<2000xi32, #tpu.memory_space<hbm>>
        tpu.wait_dma2 semaphore(%arg13 : memref<!tpu.dma_semaphore, #tpu.memory_space<semaphore_mem>>) src(%dma_wait3A_62 : memref<2000xi32, #tpu.memory_space<hbm>>) dst(%arg8 : memref<2000xi32, #tpu.memory_space<vmem>>)
        %dma_start3A_63 = arith.constant 0 : i32
        %dma_start3A_64 = tpu.memref_slice %arg12[%dma_start3A_63] : memref<10240xf32, #tpu.memory_space<vmem_shared>> -> memref<10240xf32, #tpu.memory_space<vmem_shared>>
        tpu.enqueue_indirect_dma source(%arg10 : memref<2000xf32, #tpu.memory_space<vmem>>) target(%dma_start3A_64 : memref<10240xf32, #tpu.memory_space<vmem_shared>>) offsets(%arg8 : memref<2000xi32, #tpu.memory_space<vmem>>) semaphore(%arg15 : memref<!tpu.dma_semaphore, #tpu.memory_space<semaphore_mem>>) {add = true}
        %dma_wait3A_65 = arith.constant 0 : i32
        %dma_wait3A_66 = tpu.memref_slice %arg12[%dma_wait3A_65] : memref<10240xf32, #tpu.memory_space<vmem_shared>> -> memref<10240xf32, #tpu.memory_space<vmem_shared>>
        tpu.wait_indirect_dma semaphore(%arg15 : memref<!tpu.dma_semaphore, #tpu.memory_space<semaphore_mem>>) src(%arg10 : memref<2000xf32, #tpu.memory_space<vmem>>) dst(%dma_wait3A_66 : memref<10240xf32, #tpu.memory_space<vmem_shared>>)
        %add3A_67 = arith.constant 2 : i32
        %add3A_68 = arith.addi %add3A_46, %add3A_67 : i32
        %lt3A_69 = arith.constant 5 : i32
        %lt3A_70 = arith.cmpi slt, %add3A_68, %lt3A_69 : i32
        %convert_element_type3A_71 = arith.extui %lt3A_70 : i1 to i32
        %cond3A_72 = arith.constant 0 : i32
        %cond3A_73 = arith.cmpi ne, %convert_element_type3A_71, %cond3A_72 : i32
        scf.if %cond3A_73 {
          %add3A_74 = arith.constant 2 : i32
          %add3A_75 = arith.addi %add3A_46, %add3A_74 : i32
          %mul3A_76 = arith.constant 2000 : i32
          %mul3A_77 = arith.muli %add3A_75, %mul3A_76 : i32
          %multiple_of3A_78 = tpu.assume_multiple %mul3A_77, 16 : i32
          %add3A_79 = arith.addi %multiple_of3A_5, %multiple_of3A_78 : i32
          %dma_start3A_80 = tpu.memref_slice %arg3[%add3A_79] : memref<320000xi32, #tpu.memory_space<hbm>> -> memref<2000xi32, #tpu.memory_space<hbm>>
          %dma_start3A_81 = tpu.memref_slice %arg3[%add3A_79] : memref<320000xi32, #tpu.memory_space<hbm>> -> memref<2000xi32, #tpu.memory_space<hbm>>
          tpu.enqueue_dma source(%dma_start3A_81 : memref<2000xi32, #tpu.memory_space<hbm>>) target(%arg8 : memref<2000xi32, #tpu.memory_space<vmem>>) target_semaphore(%arg13 : memref<!tpu.dma_semaphore, #tpu.memory_space<semaphore_mem>>)
        } else {
        }
      } else {
      }
      %mul3A_49 = arith.constant 2 : i32
      %mul3A_50 = arith.muli %mul3A_49, %scan3A_42 : i32
      %add3A_51 = arith.constant 1 : i32
      %add3A_52 = arith.addi %mul3A_50, %add3A_51 : i32
      %lt3A_53 = arith.constant 5 : i32
      %lt3A_54 = arith.cmpi slt, %add3A_52, %lt3A_53 : i32
      %convert_element_type3A_55 = arith.extui %lt3A_54 : i1 to i32
      %cond3A_56 = arith.constant 0 : i32
      %cond3A_57 = arith.cmpi ne, %convert_element_type3A_55, %cond3A_56 : i32
      scf.if %cond3A_57 {
        %mul3A_58 = arith.constant 2000 : i32
        %mul3A_59 = arith.muli %add3A_52, %mul3A_58 : i32
        %multiple_of3A_60 = tpu.assume_multiple %mul3A_59, 16 : i32
        %add3A_61 = arith.addi %multiple_of3A_5, %multiple_of3A_60 : i32
        %dma_wait3A = tpu.memref_slice %arg3[%add3A_61] : memref<320000xi32, #tpu.memory_space<hbm>> -> memref<2000xi32, #tpu.memory_space<hbm>>
        %dma_wait3A_62 = tpu.memref_slice %arg3[%add3A_61] : memref<320000xi32, #tpu.memory_space<hbm>> -> memref<2000xi32, #tpu.memory_space<hbm>>
        tpu.wait_dma2 semaphore(%arg14 : memref<!tpu.dma_semaphore, #tpu.memory_space<semaphore_mem>>) src(%dma_wait3A_62 : memref<2000xi32, #tpu.memory_space<hbm>>) dst(%arg9 : memref<2000xi32, #tpu.memory_space<vmem>>)
        %dma_start3A_63 = arith.constant 0 : i32
        %dma_start3A_64 = tpu.memref_slice %arg12[%dma_start3A_63] : memref<10240xf32, #tpu.memory_space<vmem_shared>> -> memref<10240xf32, #tpu.memory_space<vmem_shared>>
        tpu.enqueue_indirect_dma source(%arg10 : memref<2000xf32, #tpu.memory_space<vmem>>) target(%dma_start3A_64 : memref<10240xf32, #tpu.memory_space<vmem_shared>>) offsets(%arg9 : memref<2000xi32, #tpu.memory_space<vmem>>) semaphore(%arg16 : memref<!tpu.dma_semaphore, #tpu.memory_space<semaphore_mem>>) {add = true}
        %dma_wait3A_65 = arith.constant 0 : i32
        %dma_wait3A_66 = tpu.memref_slice %arg12[%dma_wait3A_65] : memref<10240xf32, #tpu.memory_space<vmem_shared>> -> memref<10240xf32, #tpu.memory_space<vmem_shared>>
        tpu.wait_indirect_dma semaphore(%arg16 : memref<!tpu.dma_semaphore, #tpu.memory_space<semaphore_mem>>) src(%arg10 : memref<2000xf32, #tpu.memory_space<vmem>>) dst(%dma_wait3A_66 : memref<10240xf32, #tpu.memory_space<vmem_shared>>)
        %add3A_67 = arith.constant 2 : i32
        %add3A_68 = arith.addi %add3A_52, %add3A_67 : i32
        %lt3A_69 = arith.constant 5 : i32
        %lt3A_70 = arith.cmpi slt, %add3A_68, %lt3A_69 : i32
        %convert_element_type3A_71 = arith.extui %lt3A_70 : i1 to i32
        %cond3A_72 = arith.constant 0 : i32
        %cond3A_73 = arith.cmpi ne, %convert_element_type3A_71, %cond3A_72 : i32
        scf.if %cond3A_73 {
          %add3A_74 = arith.constant 2 : i32
          %add3A_75 = arith.addi %add3A_52, %add3A_74 : i32
          %mul3A_76 = arith.constant 2000 : i32
          %mul3A_77 = arith.muli %add3A_75, %mul3A_76 : i32
          %multiple_of3A_78 = tpu.assume_multiple %mul3A_77, 16 : i32
          %add3A_79 = arith.addi %multiple_of3A_5, %multiple_of3A_78 : i32
          %dma_start3A_80 = tpu.memref_slice %arg3[%add3A_79] : memref<320000xi32, #tpu.memory_space<hbm>> -> memref<2000xi32, #tpu.memory_space<hbm>>
          %dma_start3A_81 = tpu.memref_slice %arg3[%add3A_79] : memref<320000xi32, #tpu.memory_space<hbm>> -> memref<2000xi32, #tpu.memory_space<hbm>>
          tpu.enqueue_dma source(%dma_start3A_81 : memref<2000xi32, #tpu.memory_space<hbm>>) target(%arg9 : memref<2000xi32, #tpu.memory_space<vmem>>) target_semaphore(%arg14 : memref<!tpu.dma_semaphore, #tpu.memory_space<semaphore_mem>>)
        } else {
        }
      } else {
      }
    }
    %scan3A_35 = arith.constant 3 : i32
    %barrier3A_36 = arith.constant 0 : index
    tpu.barrier barrier_id(%barrier3A_36)
    %mul3A_37 = arith.constant 10240 : i32
    %mul3A_38 = arith.muli %arg0, %mul3A_37 : i32
    %multiple_of3A_39 = tpu.assume_multiple %mul3A_38, 128 : i32
    %add3A_40 = arith.addi %multiple_of3A_39, %multiple_of3A : i32
    "tpu.region"() ({
      %run_scoped3A = tpu.sem_alloc : memref<!tpu.dma_semaphore, #tpu.memory_space<semaphore_mem>>
      %dma_start3A_42 = tpu.memref_slice %arg6[%add3A_40] : memref<20480xf32, #tpu.memory_space<hbm>> -> memref<640xf32, #tpu.memory_space<hbm>>
      %dma_start3A_43 = tpu.memref_slice %arg11[%multiple_of3A] : memref<10240xf32, #tpu.memory_space<vmem_shared>> -> memref<640xf32, #tpu.memory_space<vmem_shared>>
      tpu.enqueue_dma source(%dma_start3A_43 : memref<640xf32, #tpu.memory_space<vmem_shared>>) target(%dma_start3A_42 : memref<640xf32, #tpu.memory_space<hbm>>) target_semaphore(%run_scoped3A : memref<!tpu.dma_semaphore, #tpu.memory_space<semaphore_mem>>)
      %dma_wait3A = tpu.memref_slice %arg6[%add3A_40] : memref<20480xf32, #tpu.memory_space<hbm>> -> memref<640xf32, #tpu.memory_space<hbm>>
      %dma_wait3A_44 = tpu.memref_slice %arg11[%multiple_of3A] : memref<10240xf32, #tpu.memory_space<vmem_shared>> -> memref<640xf32, #tpu.memory_space<vmem_shared>>
      tpu.wait_dma2 semaphore(%run_scoped3A : memref<!tpu.dma_semaphore, #tpu.memory_space<semaphore_mem>>) src(%dma_wait3A_44 : memref<640xf32, #tpu.memory_space<vmem_shared>>) dst(%dma_wait3A : memref<640xf32, #tpu.memory_space<hbm>>)
      tpu.yield
    }) : () -> ()
    %add3A_41 = arith.addi %multiple_of3A_39, %multiple_of3A : i32
    "tpu.region"() ({
      %run_scoped3A = tpu.sem_alloc : memref<!tpu.dma_semaphore, #tpu.memory_space<semaphore_mem>>
      %dma_start3A_42 = tpu.memref_slice %arg7[%add3A_41] : memref<20480xf32, #tpu.memory_space<hbm>> -> memref<640xf32, #tpu.memory_space<hbm>>
      %dma_start3A_43 = tpu.memref_slice %arg12[%multiple_of3A] : memref<10240xf32, #tpu.memory_space<vmem_shared>> -> memref<640xf32, #tpu.memory_space<vmem_shared>>
      tpu.enqueue_dma source(%dma_start3A_43 : memref<640xf32, #tpu.memory_space<vmem_shared>>) target(%dma_start3A_42 : memref<640xf32, #tpu.memory_space<hbm>>) target_semaphore(%run_scoped3A : memref<!tpu.dma_semaphore, #tpu.memory_space<semaphore_mem>>)
      %dma_wait3A = tpu.memref_slice %arg7[%add3A_41] : memref<20480xf32, #tpu.memory_space<hbm>> -> memref<640xf32, #tpu.memory_space<hbm>>
      %dma_wait3A_44 = tpu.memref_slice %arg12[%multiple_of3A] : memref<10240xf32, #tpu.memory_space<vmem_shared>> -> memref<640xf32, #tpu.memory_space<vmem_shared>>
      tpu.wait_dma2 semaphore(%run_scoped3A : memref<!tpu.dma_semaphore, #tpu.memory_space<semaphore_mem>>) src(%dma_wait3A_44 : memref<640xf32, #tpu.memory_space<vmem_shared>>) dst(%dma_wait3A : memref<640xf32, #tpu.memory_space<hbm>>)
      tpu.yield
    }) : () -> ()
    return
  }
}

module attributes {stable_mosaic.version = 14 : i64} {
  func.func @_tc_body(%arg0: i32, %arg1: memref<2000x128xf32, #tpu.memory_space<vmem>>, %arg2: memref<2x2000x128xf32, #tpu.memory_space<vmem>>, %arg3: memref<2000x1xf32, #tpu.memory_space<vmem>>, %arg4: memref<128x128xf32, #tpu.memory_space<vmem>>, %arg5: memref<128x128xf32, #tpu.memory_space<vmem>>, %arg6: memref<1x128xf32, #tpu.memory_space<vmem>>, %arg7: memref<2000x128xf32, #tpu.memory_space<vmem>>, %arg8: memref<2000x128xf32, #tpu.memory_space<vmem>>) attributes {dimension_semantics = [#tpu.dimension_semantics<arbitrary>], iteration_bounds = array<i64: 5>, scalar_prefetch = 0 : i64, scratch_operands = 0 : i64, tpu.core_type = #tpu.core_type<tc>, window_params = [{transform_indices = @transform_0, window_bounds = array<i64: 2000, 128>}, {transform_indices = @transform_1, window_bounds = array<i64: 2, 2000, 128>}, {transform_indices = @transform_2, window_bounds = array<i64: 2000, 1>}, {pipeline_mode = #tpu.pipeline_mode<synchronous>, transform_indices = @transform_3, window_bounds = array<i64: 128, 128>}, {pipeline_mode = #tpu.pipeline_mode<synchronous>, transform_indices = @transform_4, window_bounds = array<i64: 128, 128>}, {pipeline_mode = #tpu.pipeline_mode<synchronous>, transform_indices = @transform_5, window_bounds = array<i64: 1, 128>}, {transform_indices = @transform_6, window_bounds = array<i64: 2000, 128>}, {transform_indices = @transform_7, window_bounds = array<i64: 2000, 128>}]} {
    %get3A = arith.constant 0 : index
    %get3A_0 = arith.constant 0 : index
    %get3A_1 = arith.constant 0 : index
    %get3A_2 = vector.load %arg2[%get3A, %get3A_0, %get3A_1] : memref<2x2000x128xf32, #tpu.memory_space<vmem>>, vector<1x2000x128xf32>
    %get3A_3 = vector.shape_cast %get3A_2 : vector<1x2000x128xf32> to vector<2000x128xf32>
    %get3A_4 = arith.constant 1 : index
    %get3A_5 = arith.constant 0 : index
    %get3A_6 = arith.constant 0 : index
    %get3A_7 = vector.load %arg2[%get3A_4, %get3A_5, %get3A_6] : memref<2x2000x128xf32, #tpu.memory_space<vmem>>, vector<1x2000x128xf32>
    %get3A_8 = vector.shape_cast %get3A_7 : vector<1x2000x128xf32> to vector<2000x128xf32>
    %add3A = arith.addf %get3A_3, %get3A_8 : vector<2000x128xf32>
    %get3A_9 = arith.constant 0 : index
    %get3A_10 = arith.constant 0 : index
    %get3A_11 = vector.load %arg3[%get3A_9, %get3A_10] : memref<2000x1xf32, #tpu.memory_space<vmem>>, vector<2000x1xf32>
    %mul3A = vector.broadcast %get3A_11 : vector<2000x1xf32> to vector<2000x128xf32>
    %mul3A_12 = arith.mulf %add3A, %mul3A : vector<2000x128xf32>
    %get3A_13 = arith.constant 0 : index
    %get3A_14 = arith.constant 0 : index
    %get3A_15 = vector.load %arg4[%get3A_13, %get3A_14] : memref<128x128xf32, #tpu.memory_space<vmem>>, vector<128x128xf32>
    %dot_general3A = arith.constant dense<0.000000e+00> : vector<2000x128xf32>
    %dot_general3A_16 = tpu.matmul %mul3A_12, %get3A_15, %dot_general3A {dimension_numbers = #tpu.dot_dimension_numbers<[1], [0], [0], [1], [0, 0, 1, 1], [], []>, transpose_lhs_hint = false} : vector<2000x128xf32>, vector<128x128xf32>, vector<2000x128xf32> -> vector<2000x128xf32>
    %get3A_17 = arith.constant 0 : index
    %get3A_18 = arith.constant 0 : index
    %get3A_19 = vector.load %arg1[%get3A_17, %get3A_18] : memref<2000x128xf32, #tpu.memory_space<vmem>>, vector<2000x128xf32>
    %get3A_20 = arith.constant 0 : index
    %get3A_21 = arith.constant 0 : index
    %get3A_22 = vector.load %arg5[%get3A_20, %get3A_21] : memref<128x128xf32, #tpu.memory_space<vmem>>, vector<128x128xf32>
    %dot_general3A_23 = arith.constant dense<0.000000e+00> : vector<2000x128xf32>
    %dot_general3A_24 = tpu.matmul %get3A_19, %get3A_22, %dot_general3A_23 {dimension_numbers = #tpu.dot_dimension_numbers<[1], [0], [0], [1], [0, 0, 1, 1], [], []>, transpose_lhs_hint = false} : vector<2000x128xf32>, vector<128x128xf32>, vector<2000x128xf32> -> vector<2000x128xf32>
    %add3A_25 = arith.addf %dot_general3A_16, %dot_general3A_24 : vector<2000x128xf32>
    %get3A_26 = arith.constant 0 : index
    %get3A_27 = arith.constant 0 : index
    %get3A_28 = vector.load %arg6[%get3A_26, %get3A_27] : memref<1x128xf32, #tpu.memory_space<vmem>>, vector<1x128xf32>
    %add3A_29 = vector.broadcast %get3A_28 : vector<1x128xf32> to vector<2000x128xf32>
    %add3A_30 = arith.addf %add3A_25, %add3A_29 : vector<2000x128xf32>
    %get3A_31 = arith.constant 0 : index
    %get3A_32 = arith.constant 0 : index
    %get3A_33 = vector.load %arg7[%get3A_31, %get3A_32] : memref<2000x128xf32, #tpu.memory_space<vmem>>, vector<2000x128xf32>
    %mul3A_34 = arith.mulf %add3A_30, %get3A_33 : vector<2000x128xf32>
    %max3A = arith.constant 0.000000e+00 : f32
    %max3A_35 = vector.broadcast %max3A : f32 to vector<2000x128xf32>
    %max3A_36 = arith.maximumf %mul3A_34, %max3A_35 : vector<2000x128xf32>
    %swap3A = arith.constant 0 : index
    %swap3A_37 = arith.constant 0 : index
    %swap3A_38 = vector.load %arg8[%swap3A, %swap3A_37] : memref<2000x128xf32, #tpu.memory_space<vmem>>, vector<2000x128xf32>
    tpu.vector_store %arg8[%swap3A, %swap3A_37], %max3A_36 {strides = array<i32>} : memref<2000x128xf32, #tpu.memory_space<vmem>>, vector<2000x128xf32>,
    return
  }
  func.func @transform_0(%arg0: i32) -> (i32, i32) {
    %c0_i32 = arith.constant 0 : i32
    %c0_i32_0 = arith.constant 0 : i32
    return %arg0, %c0_i32 : i32, i32
  }
  func.func @transform_1(%arg0: i32) -> (i32, i32, i32) {
    %c0_i32 = arith.constant 0 : i32
    %c0_i32_0 = arith.constant 0 : i32
    %c0_i32_1 = arith.constant 0 : i32
    return %c0_i32, %arg0, %c0_i32_0 : i32, i32, i32
  }
  func.func @transform_2(%arg0: i32) -> (i32, i32) {
    %c0_i32 = arith.constant 0 : i32
    %c0_i32_0 = arith.constant 0 : i32
    return %arg0, %c0_i32 : i32, i32
  }
  func.func @transform_3(%arg0: i32) -> (i32, i32) {
    %c0_i32 = arith.constant 0 : i32
    %c0_i32_0 = arith.constant 0 : i32
    %c0_i32_1 = arith.constant 0 : i32
    return %c0_i32, %c0_i32_0 : i32, i32
  }
  func.func @transform_4(%arg0: i32) -> (i32, i32) {
    %c0_i32 = arith.constant 0 : i32
    %c0_i32_0 = arith.constant 0 : i32
    %c0_i32_1 = arith.constant 0 : i32
    return %c0_i32, %c0_i32_0 : i32, i32
  }
  func.func @transform_5(%arg0: i32) -> (i32, i32) {
    %c0_i32 = arith.constant 0 : i32
    %c0_i32_0 = arith.constant 0 : i32
    %c0_i32_1 = arith.constant 0 : i32
    return %c0_i32, %c0_i32_0 : i32, i32
  }
  func.func @transform_6(%arg0: i32) -> (i32, i32) {
    %c0_i32 = arith.constant 0 : i32
    %c0_i32_0 = arith.constant 0 : i32
    return %arg0, %c0_i32 : i32, i32
  }
  func.func @transform_7(%arg0: i32) -> (i32, i32) {
    %c0_i32 = arith.constant 0 : i32
    %c0_i32_0 = arith.constant 0 : i32
    return %arg0, %c0_i32 : i32, i32
  }
}

module attributes {stable_mosaic.version = 14 : i64} {
  func.func @_tc_body(%arg0: i32, %arg1: memref<2000x128xf32, #tpu.memory_space<vmem>>, %arg2: memref<2x2000x128xf32, #tpu.memory_space<vmem>>, %arg3: memref<2000x1xf32, #tpu.memory_space<vmem>>, %arg4: memref<128x128xf32, #tpu.memory_space<vmem>>, %arg5: memref<128x128xf32, #tpu.memory_space<vmem>>, %arg6: memref<1x128xf32, #tpu.memory_space<vmem>>, %arg7: memref<2000x128xf32, #tpu.memory_space<vmem>>, %arg8: memref<2000x128xf32, #tpu.memory_space<vmem>>) attributes {dimension_semantics = [#tpu.dimension_semantics<arbitrary>], iteration_bounds = array<i64: 5>, scalar_prefetch = 0 : i64, scratch_operands = 0 : i64, tpu.core_type = #tpu.core_type<tc>, window_params = [{transform_indices = @transform_0, window_bounds = array<i64: 2000, 128>}, {transform_indices = @transform_1, window_bounds = array<i64: 2, 2000, 128>}, {transform_indices = @transform_2, window_bounds = array<i64: 2000, 1>}, {pipeline_mode = #tpu.pipeline_mode<synchronous>, transform_indices = @transform_3, window_bounds = array<i64: 128, 128>}, {pipeline_mode = #tpu.pipeline_mode<synchronous>, transform_indices = @transform_4, window_bounds = array<i64: 128, 128>}, {pipeline_mode = #tpu.pipeline_mode<synchronous>, transform_indices = @transform_5, window_bounds = array<i64: 1, 128>}, {transform_indices = @transform_6, window_bounds = array<i64: 2000, 128>}, {transform_indices = @transform_7, window_bounds = array<i64: 2000, 128>}]} {
    %get3A = arith.constant 0 : index
    %get3A_0 = arith.constant 0 : index
    %get3A_1 = arith.constant 0 : index
    %get3A_2 = vector.load %arg2[%get3A, %get3A_0, %get3A_1] : memref<2x2000x128xf32, #tpu.memory_space<vmem>>, vector<1x2000x128xf32>
    %get3A_3 = vector.shape_cast %get3A_2 : vector<1x2000x128xf32> to vector<2000x128xf32>
    %get3A_4 = arith.constant 1 : index
    %get3A_5 = arith.constant 0 : index
    %get3A_6 = arith.constant 0 : index
    %get3A_7 = vector.load %arg2[%get3A_4, %get3A_5, %get3A_6] : memref<2x2000x128xf32, #tpu.memory_space<vmem>>, vector<1x2000x128xf32>
    %get3A_8 = vector.shape_cast %get3A_7 : vector<1x2000x128xf32> to vector<2000x128xf32>
    %add3A = arith.addf %get3A_3, %get3A_8 : vector<2000x128xf32>
    %get3A_9 = arith.constant 0 : index
    %get3A_10 = arith.constant 0 : index
    %get3A_11 = vector.load %arg3[%get3A_9, %get3A_10] : memref<2000x1xf32, #tpu.memory_space<vmem>>, vector<2000x1xf32>
    %mul3A = vector.broadcast %get3A_11 : vector<2000x1xf32> to vector<2000x128xf32>
    %mul3A_12 = arith.mulf %add3A, %mul3A : vector<2000x128xf32>
    %get3A_13 = arith.constant 0 : index
    %get3A_14 = arith.constant 0 : index
    %get3A_15 = vector.load %arg4[%get3A_13, %get3A_14] : memref<128x128xf32, #tpu.memory_space<vmem>>, vector<128x128xf32>
    %dot_general3A = arith.constant dense<0.000000e+00> : vector<2000x128xf32>
    %dot_general3A_16 = tpu.matmul %mul3A_12, %get3A_15, %dot_general3A {dimension_numbers = #tpu.dot_dimension_numbers<[1], [0], [0], [1], [0, 0, 1, 1], [], []>, transpose_lhs_hint = false} : vector<2000x128xf32>, vector<128x128xf32>, vector<2000x128xf32> -> vector<2000x128xf32>
    %get3A_17 = arith.constant 0 : index
    %get3A_18 = arith.constant 0 : index
    %get3A_19 = vector.load %arg1[%get3A_17, %get3A_18] : memref<2000x128xf32, #tpu.memory_space<vmem>>, vector<2000x128xf32>
    %get3A_20 = arith.constant 0 : index
    %get3A_21 = arith.constant 0 : index
    %get3A_22 = vector.load %arg5[%get3A_20, %get3A_21] : memref<128x128xf32, #tpu.memory_space<vmem>>, vector<128x128xf32>
    %dot_general3A_23 = arith.constant dense<0.000000e+00> : vector<2000x128xf32>
    %dot_general3A_24 = tpu.matmul %get3A_19, %get3A_22, %dot_general3A_23 {dimension_numbers = #tpu.dot_dimension_numbers<[1], [0], [0], [1], [0, 0, 1, 1], [], []>, transpose_lhs_hint = false} : vector<2000x128xf32>, vector<128x128xf32>, vector<2000x128xf32> -> vector<2000x128xf32>
    %add3A_25 = arith.addf %dot_general3A_16, %dot_general3A_24 : vector<2000x128xf32>
    %get3A_26 = arith.constant 0 : index
    %get3A_27 = arith.constant 0 : index
    %get3A_28 = vector.load %arg6[%get3A_26, %get3A_27] : memref<1x128xf32, #tpu.memory_space<vmem>>, vector<1x128xf32>
    %add3A_29 = vector.broadcast %get3A_28 : vector<1x128xf32> to vector<2000x128xf32>
    %add3A_30 = arith.addf %add3A_25, %add3A_29 : vector<2000x128xf32>
    %swap3A = arith.constant 0 : index
    %swap3A_31 = arith.constant 0 : index
    %swap3A_32 = vector.load %arg8[%swap3A, %swap3A_31] : memref<2000x128xf32, #tpu.memory_space<vmem>>, vector<2000x128xf32>
    tpu.vector_store %arg8[%swap3A, %swap3A_31], %add3A_30 {strides = array<i32>} : memref<2000x128xf32, #tpu.memory_space<vmem>>, vector<2000x128xf32>,
    return
  }
  func.func @transform_0(%arg0: i32) -> (i32, i32) {
    %c0_i32 = arith.constant 0 : i32
    %c0_i32_0 = arith.constant 0 : i32
    return %arg0, %c0_i32 : i32, i32
  }
  func.func @transform_1(%arg0: i32) -> (i32, i32, i32) {
    %c0_i32 = arith.constant 0 : i32
    %c0_i32_0 = arith.constant 0 : i32
    %c0_i32_1 = arith.constant 0 : i32
    return %c0_i32, %arg0, %c0_i32_0 : i32, i32, i32
  }
  func.func @transform_2(%arg0: i32) -> (i32, i32) {
    %c0_i32 = arith.constant 0 : i32
    %c0_i32_0 = arith.constant 0 : i32
    return %arg0, %c0_i32 : i32, i32
  }
  func.func @transform_3(%arg0: i32) -> (i32, i32) {
    %c0_i32 = arith.constant 0 : i32
    %c0_i32_0 = arith.constant 0 : i32
    %c0_i32_1 = arith.constant 0 : i32
    return %c0_i32, %c0_i32_0 : i32, i32
  }
  func.func @transform_4(%arg0: i32) -> (i32, i32) {
    %c0_i32 = arith.constant 0 : i32
    %c0_i32_0 = arith.constant 0 : i32
    %c0_i32_1 = arith.constant 0 : i32
    return %c0_i32, %c0_i32_0 : i32, i32
  }
  func.func @transform_5(%arg0: i32) -> (i32, i32) {
    %c0_i32 = arith.constant 0 : i32
    %c0_i32_0 = arith.constant 0 : i32
    %c0_i32_1 = arith.constant 0 : i32
    return %c0_i32, %c0_i32_0 : i32, i32
  }
  func.func @transform_6(%arg0: i32) -> (i32, i32) {
    %c0_i32 = arith.constant 0 : i32
    %c0_i32_0 = arith.constant 0 : i32
    return %arg0, %c0_i32 : i32, i32
  }
  func.func @transform_7(%arg0: i32) -> (i32, i32) {
    %c0_i32 = arith.constant 0 : i32
    %c0_i32_0 = arith.constant 0 : i32
    return %arg0, %c0_i32 : i32, i32
  }
}

</mosaic_0001>

<sc_bundles>
// kernel: kernel.12.cloned.1.call-start
scs
__scs_entry_jumppad:
0x0: {  	(pc) =	sbr.rel $0x88, $3  }
0x1: {  	(tag) =	ssettag $0x0;
	lr =	simm.s32 $0x1  }
0x2: {  	[smem:$0x3F95] =	sst lr;
	_ =	strace $0xD0000000  }
0x3: {  	_ = 	snop  }
0x4: {  	_ = 	snop  }
0x5: {  	_ = 	snop  }
0x6: {  	_ = 	snop  }
0x7: {  	_ = 	snop  }
__scs_overlays_trampoline_lowered:
0x8: {  	[smem:$0x3FA4] =	sst s0  }
0x9: {  	[smem:$0x3FA5] =	sst s1  }
0xa: {  	[smem:$0x3FA6] =	sst s2  }
0xb: {  	[smem:$0x3FA7] =	sst s3  }
0xc: {  	[smem:$0x3FA8] =	sst s4  }
0xd: {  	[smem:$0x3FA9] =	sst s5  }
0xe: {  	[smem:$0x3FAA] =	sst s6  }
0xf: {  	[smem:$0x3FAB] =	sst s7  }
0x10: {  	[smem:$0x3FAC] =	sst s8  }
0x11: {  	[smem:$0x3FAD] =	sst s9;
	s0 =	simm.s32 @!p0 $0x0  }
0x12: {  	s1 =	sld [smem:$0x3F93];
	s0 =	simm.s32 @p0 $0x1  }
0x13: {  	[smem:$0x3FAE] =	sst s0;
	s0 =	simm.s32 @!p1 $0x0  }
0x14: {  	s2 =	sld [smem:$0x3F92];
	s0 =	simm.s32 @p1 $0x1  }
0x15: {  	[smem:$0x3FAF] =	sst s0;
	s0 =	simm.s32 @!p2 $0x0  }
0x16: {  	s3 =	sld [smem:$0x3FDB];
	s0 =	simm.s32 @p2 $0x1  }
0x17: {  	s4 =	simm.s32 $0x1BF5;
	[smem:$0x3FB1] =	sst s0  }
0x18: {  	s0 =	sld [smem:$0x3F94];
	_ =	swait.ge [sflag:s4], $0x0  }
0x19: {  	s7 =	sld [smem:$0x3F95]  }
0x1a: {  	s8 =	sadd.s32 $0xFFFFE003, lr  }
0x1b: {  	s9 =	sadd.s32 $0xFFFFFEF7, lr;
	s5 =	simm.s32 $0xFFFFFFFF;
	p2 =	slt.u32 s8, $0xFFFFF086  }
0x1c: {  	p1 =	slt.u32 s9, $0xF7A;
	s5 =	simm.s32 @!p2 $0x0  }
0x1d: {  	s5 =	simm.s32 @p1 $0x1;
	p0 =	seq.s32 s7, s2  }
0x1e: {  	s7 =	smul.u32 @!p0 $0xF7A, s2;
	p2 =	seq.s32 @!p0 s5, $0x0  }
0x1f: {  	s9 =	smul.u32 $0xF7A, s1;
	s8 =	simm.s32 @!p0 $0x1BF5;
	p2 =	por !p2, p0  }
0x20: {  	[sflag:s8] =	ssyncset.s32 @!p0 $0xFFFFF086;
	s6 =	sadd.s32 @!p0 s3, s7;
	s7 =	simm.s32 @!p0 $0x108  }
0x21: {  	s3 =	sadd.s32 s3, s9;
	s6 =	sadd.s32 @!p0 $0x88, s6;
	s7 =	simm.s32 @p2 $0x1082  }
0x22: {  	[simem:s7], [sflag:s8] =	dma.local @!p0 [hbm:s6], $0xF7A  }
0x23: {  	s9 =	sor.u32 $0xD0000000, s2;
	s6 =	simm.s32 $0x108;
	_ =	swait.ge @!p0 [sflag:s8], $0x0  }
0x24: {  	s3 =	sadd.s32 $0x88, s3;
	s6 =	simm.s32 @!p1 $0x1082;
	[sflag:s4] =	ssyncset.s32 $0xFFFFF086  }
0x25: {  	[simem:s6], [sflag:s4] =	dma.local [hbm:s3], $0xF7A  }
0x26: {  	[smem:$0x3F95] =	sst s1;
	(tag) =	ssettag s2;
	_ =	strace s9  }
0x27: {  	s1 =	sld [smem:$0x3FA5]  }
0x28: {  	s2 =	sld [smem:$0x3FA6]  }
0x29: {  	s4 =	sld [smem:$0x3FA8]  }
0x2a: {  	p0 =	seq.s32 s5, $0x0;
	s5 =	sld [smem:$0x3FA9]  }
0x2b: {  	s6 =	sld [smem:$0x3FAA]  }
0x2c: {  	s7 =	sld [smem:$0x3FAB]  }
0x2d: {  	s3 =	simm.s32 $0x108;
	s8 =	sld [smem:$0x3FAC]  }
0x2e: {  	s3 =	simm.s32 @!p0 $0x1082;
	s9 =	sld [smem:$0x3FAD]  }
0x2f: {  	lr =	sadd.s32 s0, s3;
	s0 =	sld [smem:$0x3FA4]  }
0x30: {  	s3 =	sld [smem:$0x3FA7]  }
0x31: {  	[smem:$0x3FB0] =	sst s10  }
0x32: {  	s10 =	sld [smem:$0x3FAE];
	_ =	sdelay $0x3  }
0x33: {  	p0 =	seq.s32 s10, $0x1;
	s10 =	sld [smem:$0x3FB0];
	_ =	sdelay $0x3  }
0x34: {  	[smem:$0x3FB0] =	sst s10  }
0x35: {  	s10 =	sld [smem:$0x3FAF];
	_ =	sdelay $0x3  }
0x36: {  	p1 =	seq.s32 s10, $0x1;
	s10 =	sld [smem:$0x3FB0];
	_ =	sdelay $0x3  }
0x37: {  	[smem:$0x3FB0] =	sst s10  }
0x38: {  	s10 =	sld [smem:$0x3FB1]  }
0x39: {  	_ = 	snop;
	(pc) =	sbr.ind lr, $3  }
0x3a: {  	_ = 	snop  }
0x3b: {  	_ = 	snop  }
0x3c: {  	p2 =	seq.s32 s10, $0x1;
	s10 =	sld [smem:$0x3FB0]  }
0x3d: {  	_ =	shalt  }
0x3e: {  	_ =	shalt  }
0x3f: {  	_ =	shalt  }
0x40: {  	_ =	shalt  }
0x41: {  	_ =	shalt  }
0x42: {  	_ =	shalt  }
0x43: {  	_ =	shalt  }
0x44: {  	_ =	shalt  }
0x45: {  	_ =	shalt  }
0x46: {  	_ =	shalt  }
0x47: {  	_ =	shalt  }
0x48: {  	_ =	shalt  }
0x49: {  	_ =	shalt  }
0x4a: {  	_ =	shalt  }
0x4b: {  	_ =	shalt  }
0x4c: {  	_ =	shalt  }
0x4d: {  	_ =	shalt  }
0x4e: {  	_ =	shalt  }
0x4f: {  	_ =	shalt  }
0x50: {  	_ =	shalt  }
0x51: {  	_ =	shalt  }
0x52: {  	_ =	shalt  }
0x53: {  	_ =	shalt  }
0x54: {  	_ =	shalt  }
0x55: {  	_ =	shalt  }
0x56: {  	_ =	shalt  }
0x57: {  	_ =	shalt  }
0x58: {  	_ =	shalt  }
0x59: {  	_ =	shalt  }
0x5a: {  	_ =	shalt  }
0x5b: {  	_ =	shalt  }
0x5c: {  	_ =	shalt  }
0x5d: {  	_ =	shalt  }
0x5e: {  	_ =	shalt  }
0x5f: {  	_ =	shalt  }
0x60: {  	_ =	shalt  }
0x61: {  	_ =	shalt  }
0x62: {  	_ =	shalt  }
0x63: {  	_ =	shalt  }
0x64: {  	_ =	shalt  }
0x65: {  	_ =	shalt  }
0x66: {  	_ =	shalt  }
0x67: {  	_ =	shalt  }
0x68: {  	_ =	shalt  }
0x69: {  	_ =	shalt  }
0x6a: {  	_ =	shalt  }
0x6b: {  	_ =	shalt  }
0x6c: {  	_ =	shalt  }
0x6d: {  	_ =	shalt  }
0x6e: {  	_ =	shalt  }
0x6f: {  	_ =	shalt  }
0x70: {  	_ =	shalt  }
0x71: {  	_ =	shalt  }
0x72: {  	_ =	shalt  }
0x73: {  	_ =	shalt  }
0x74: {  	_ =	shalt  }
0x75: {  	_ =	shalt  }
0x76: {  	_ =	shalt  }
0x77: {  	_ =	shalt  }
0x78: {  	_ =	shalt  }
0x79: {  	_ =	shalt  }
0x7a: {  	_ =	shalt  }
0x7b: {  	_ =	shalt  }
0x7c: {  	_ =	shalt  }
0x7d: {  	_ =	shalt  }
0x7e: {  	_ =	shalt  }
0x7f: {  	_ =	shalt  }
0x80: {  	_ =	shalt  }
0x81: {  	_ =	shalt  }
0x82: {  	_ =	shalt  }
0x83: {  	_ =	shalt  }
0x84: {  	_ =	shalt  }
0x85: {  	_ =	shalt  }
0x86: {  	_ =	shalt  }
0x87: {  	_ =	shalt  }
.Lfunc_end0:
.L_simem_size_0:
called_computation.1_lowered:
.L_overlay_start_0:
0x88: {  	s2 =	sld [smem:$0x3FD9]  }
0x89: {  	s3 =	sld [smem:$0x3FFE];
	_ =	sdelay $0x1  }
0x8a: {  	s1 =	srdreg.scid  }
0x8b: {  	s0 =	sand.u32 $0x1, s1  }
0x8c: {  	s16 =	sshll.u32 s0, $0xA;
	s2 =	sadd.s32 s3, s2  }
0x8d: {  	s2 =	sadd.s32 s2, s16  }
0x8e: {  	[smem:$0x3FBC] =	sst s2  }
0x8f: {  	_ = 	snop  }
0x90: {  	(tm) =	ssettm $0x1  }
0x91: {  	s17 =	sld [smem:$0x3FFB];
	_ =	sdelay $0x3  }
0x92: {  	_ =	strace s17  }
0x93: {  	s2 =	sld [smem:$0x3FFC];
	_ =	sdelay $0x3  }
0x94: {  	_ =	strace s2  }
0x95: {  	s2 =	sld [smem:$0x3FFD];
	_ =	sdelay $0x3  }
0x96: {  	_ =	strace s2  }
0x97: {  	_ =	strace $0x8FFFFFFF  }
0x98: {  	s18 =	sld [smem:$0x3FDB];
	_ =	sdelay $0x1  }
0x99: {  	s19 =	simm.s32 $_scs_section_size  }
0x9a: {  	s4 =	simm.s32 $_size__tile_overlayer_lowered;
	s5 =	simm.s32 $_tile_overlayer_lowered  }
0x9b: {  	s22 =	simm.s32 $0x1BFF;
	s21 =	sshll.u32 s5, $0x1;
	s2 =	sadd.s32 s19, s18  }
0x9c: {  	s6 =	simm.s32 $0x0;
	s20 =	sshll.u32 s4, $0x1;
	s4 =	sadd.s32 s21, s2  }
0x9d: {  	[timem:s6], [sflag:s22] =	dma.local [hbm:s4], s20  }
0x9e: {  	_ =	swait.ge [sflag:s22], s20  }
0x9f: {  	s3 =	ssub.s32 $0x0, s20;
	[sflag:s22] =	ssyncset.done $0x0  }
0xa0: {  	[sflag:s22] =	ssyncadd.s32 s3;
	_ =	sdelay $0x1  }
0xa1: {  	s23 =	simm.s32 $0x1B8B  }
0xa2: {  	_ =	swait.ge [sflag:s23], $0x1  }
0xa3: {  	[sflag:s23] =	ssyncset.done $0x0  }
0xa4: {  	s25 =	simm.s32 $0x1B8E;
	s24 =	sld [smem:$0x3FFE];
	[sflag:s23] =	ssyncadd.s32 $0xFFFFFFFF  }
0xa5: {  	s26 =	simm.s32 $execute0_lowered;
	[smem:$0x3FD2] =	sst s25  }
0xa6: {  	s4 =	sshll.u32 s26, $0x1;
	_ =	strace $0x80000046;
	[dreg:$0x1] =	wrdreg $0xFFFFFFFF  }
0xa7: {  	s28 =	simm.s32 $_size_execute0_lowered;
	s2 =	sadd.s32 s2, s4;
	[dreg:$0x0] =	wrdreg $0x0  }
0xa8: {  	s4 =	sshll.u32 s28, $0x1;
	[dreg:$0x2] =	wrdreg s2  }
0xa9: {  	[dreg:$0x3] =	wrdreg s4  }
0xaa: {  	[dreg:$0x4] =	wrdreg $0xC0  }
0xab: {  	_ =	task [dreg:s6], $0x5FFFF  }
0xac: {  	[dreg:$0x1] =	wrdreg $0xFFFFFFFF  }
0xad: {  	[dreg:$0x0] =	wrdreg $0x60  }
0xae: {  	[dreg:$0x2] =	wrdreg s24  }
0xaf: {  	[dreg:$0x3] =	wrdreg $0x18000  }
0xb0: {  	[dreg:$0x4] =	wrdreg $0x1A800  }
0xb1: {  	[dreg:$0x5] =	wrdreg $0xA  }
0xb2: {  	_ =	task.clear_ibuf [dreg:s6], $0x6FFFF;
	_ =	strace $0x90000046  }
0xb3: {  	s29 =	simm.s32 $0xA;
	_ =	strace $0x80000048  }
0xb4: {  	_ =	swait.ge [sflag:s29], $0x1  }
0xb5: {  	[sflag:s29] =	ssyncadd.s32 $0xFFFFFFFF  }
0xb6: {  	_ =	strace $0x90000048  }
0xb7: {  	_ =	sfence  }
0xb8: {  	s30 =	sld [smem:$0x0];
	_ =	sdelay $0x2  }
0xb9: {  	s31 =	sshll.u32 s1, $0xD;
	s1 =	sshrl.u32 s1, $0x2  }
0xba: {  	s3 =	sand.u32 $0x4000, s31;
	s1 =	sadd.s32 s1, s30  }
0xbb: {  	s0 =	sor.u32 s3, s0;
	s1 =	sshll.u32 s1, $0x11  }
0xbc: {  	s0 =	sor.u32 s1, s0  }
0xbd: {  	s0 =	sadd.s32 $0x8F2B, s0  }
0xbe: {  	[sflag:s0] =	ssyncadd.remote.s32 $0x1  }
0xbf: {  	_ =	sfence.sel $0xFFFF  }
0xc0: {  	[dreg:$0x0] =	wrdreg $0xFFFFFFFF;
	(pc) =	sbr.abs _section_cstart, $3  }
0xc1: {  	[dreg:$0x1] =	wrdreg $0xFFFFFFFF  }
0xc2: {  	_ =	task.clear_ibuf [dreg:s6], $0x2FFFF;
	_ =	strace $0x9FFFFFFF  }
0xc3: {  	(tm) =	ssettm $0x7FFFFFFF  }
tec
execute0_lowered:
.L_overlay_start_1:
0x0: {  	(tag) =	ssettag $0x1  }
0x1: {  	s29 =	rddreg [dreg:$0x0]  }
0x2: {  	s2 =	rddreg [dreg:$0x1];
	s0 =	stileid.u32  }
0x3: {  	s3 =	rddreg [dreg:$0x2];
	s4 =	simm.s32 $0x0;
	s30 =	smul.u32 $0x280, s0  }
0x4: {  	[smem:$0x7FF] =	sst s4  }
0x5: {  	s6 =	sshll.u32 s0, $0x6;
	_ =	strace $0x80000047;
	s5 =	sshrl.u32 s30, $0x3  }
0x6: {  	s6 =	sor.u32 $0x1C05, s6;
	s7 =	sadd.s32 s30, s2;
	s5 =	sadd.s32 s5, s29  }
0x7: {  	s8 =	sshrl.u32 s7, $0x3;
	s7 =	simm.s32 $0x5;
	s5 =	sadd.s32 $0x2AA00, s5  }
0x8: {  	[spmem:s8], [sflag:s6] =	dma.local [hbm:s5], $0x50  }
0x9: {  	_ =	swait.ge [sflag:s7], $0x50  }
0xa: {  	s9 =	sadd.s32 s30, s3;
	[sflag:s7] =	ssyncset.done $0x0  }
0xb: {  	s9 =	sshrl.u32 s9, $0x3;
	[sflag:s7] =	ssyncadd.s32 $0xFFFFFFB0  }
0xc: {  	[spmem:s9], [sflag:s6] =	dma.local [hbm:s5], $0x50  }
0xd: {  	s11 =	srdreg.scid;
	s10 =	sadd.s32 $0x2B000, s29;
	_ =	swait.ge [sflag:s7], $0x50  }
0xe: {  	s31 =	sand.u32 $0x1, s11;
	s26 =	sshll.u32 s0, $0x1;
	[sflag:s7] =	ssyncset.done $0x0  }
0xf: {  	s11 =	simm.s32 $0x1000;
	s12 =	sor.u32 s31, s26;
	[sflag:s7] =	ssyncadd.s32 $0xFFFFFFB0  }
0x10: {  	[tilespmem:s11], [sflag:$0x5] =	stream.linear.gather [hbm4b:s10+s4], $0x800, $0x38;
	[tilespmem:$0x1D00] =	vst v63  }
0x11: {  	s12 =	smul.u32 $0x2710, s12;
	_ =	swait.ge [sflag:s7], $0x800  }
0x12: {  	[sflag:s7] =	ssyncset.done $0x0  }
0x13: {  	s22 =	sadd.s32 $0x20C00, s29;
	s23 =	sshrl.u32 s12, $0x3;
	[sflag:s7] =	ssyncadd.s32 $0xFFFFF800  }
0x14: {  	s12 =	sadd.s32 s22, s23;
	s24 =	sadd.s32 $0xFA, s23;
	[bflag:$0x0] =	sbarrier.arrive $0xFFFF  }
0x15: {  	[tilespmem:s4], [sflag:$0x1] =	stream.linear.gather [hbm4b:s12+s4], $0x7D0, $0x38;
	[tilespmem:$0x1D00] =	vst v63  }
0x16: {  	s14 =	simm.s32 $0x800;
	s15 =	simm.s32 $0x1;
	s13 =	sadd.s32 s22, s24  }
0x17: {  	[tilespmem:s14], [sflag:$0x2] =	stream.linear.gather [hbm4b:s13+s4], $0x7D0, $0x38;
	[tilespmem:$0x1D00] =	vst v63  }
0x18: {  	_ =	swait.ge [sflag:s15], $0x7D0  }
0x19: {  	[sflag:s15] =	ssyncset.done $0x0  }
0x1a: {  	s16 =	simm.s32 $0x7D0;
	s17 =	simm.s32 $0x3;
	[sflag:s15] =	ssyncadd.s32 $0xFFFFF830  }
0x1b: {  	[spmem:s2] =	stream.indirect.scatter.add.f32 [tilespmem:s11], [sflag:$0x3], $0x1, s4, s16, $0xb8;
	[tilespmem:$0x1D00] =	vst v63  }
0x1c: {  	_ =	swait.ge [sflag:s17], $0x7D0  }
0x1d: {  	s25 =	sadd.s32 $0x1F4, s23;
	[sflag:s17] =	ssyncset.done $0x0  }
0x1e: {  	s19 =	simm.s32 $0x2;
	s18 =	sadd.s32 s22, s25;
	[sflag:s17] =	ssyncadd.s32 $0xFFFFF830  }
0x1f: {  	[tilespmem:s4], [sflag:$0x1] =	stream.linear.gather [hbm4b:s18+s4], $0x7D0, $0x38;
	[tilespmem:$0x1D00] =	vst v63  }
0x20: {  	_ =	swait.ge [sflag:s19], $0x7D0  }
0x21: {  	[sflag:s19] =	ssyncset.done $0x0  }
0x22: {  	s20 =	simm.s32 $0x4;
	[sflag:s19] =	ssyncadd.s32 $0xFFFFF830  }
0x23: {  	[spmem:s2] =	stream.indirect.scatter.add.f32 [tilespmem:s11], [sflag:$0x4], $0x1, s14, s16, $0xb8;
	[tilespmem:$0x1D00] =	vst v63  }
0x24: {  	_ =	swait.ge [sflag:s20], $0x7D0  }
0x25: {  	s26 =	sadd.s32 $0x2EE, s23;
	[sflag:s20] =	ssyncset.done $0x0  }
0x26: {  	s21 =	sadd.s32 s22, s26;
	[sflag:s20] =	ssyncadd.s32 $0xFFFFF830  }
0x27: {  	[tilespmem:s14], [sflag:$0x2] =	stream.linear.gather [hbm4b:s21+s4], $0x7D0, $0x38;
	[tilespmem:$0x1D00] =	vst v63  }
0x28: {  	_ =	swait.ge [sflag:s15], $0x7D0  }
0x29: {  	[sflag:s15] =	ssyncset.done $0x0  }
0x2a: {  	[sflag:s15] =	ssyncadd.s32 $0xFFFFF830  }
0x2b: {  	[spmem:s2] =	stream.indirect.scatter.add.f32 [tilespmem:s11], [sflag:$0x3], $0x1, s4, s16, $0xb8;
	[tilespmem:$0x1D00] =	vst v63  }
0x2c: {  	_ =	swait.ge [sflag:s17], $0x7D0  }
0x2d: {  	s28 =	sadd.s32 $0x3E8, s23;
	[sflag:s17] =	ssyncset.done $0x0  }
0x2e: {  	s22 =	sadd.s32 s22, s28;
	[sflag:s17] =	ssyncadd.s32 $0xFFFFF830  }
0x2f: {  	[tilespmem:s4], [sflag:$0x1] =	stream.linear.gather [hbm4b:s22+s4], $0x7D0, $0x38;
	[tilespmem:$0x1D00] =	vst v63  }
0x30: {  	_ =	swait.ge [sflag:s19], $0x7D0  }
0x31: {  	[sflag:s19] =	ssyncset.done $0x0  }
0x32: {  	[sflag:s19] =	ssyncadd.s32 $0xFFFFF830  }
0x33: {  	[spmem:s2] =	stream.indirect.scatter.add.f32 [tilespmem:s11], [sflag:$0x4], $0x1, s14, s16, $0xb8;
	[tilespmem:$0x1D00] =	vst v63  }
0x34: {  	_ =	swait.ge [sflag:s20], $0x7D0  }
0x35: {  	[sflag:s20] =	ssyncset.done $0x0  }
0x36: {  	[sflag:s20] =	ssyncadd.s32 $0xFFFFF830  }
0x37: {  	_ =	swait.ge [sflag:s15], $0x7D0  }
0x38: {  	[sflag:s15] =	ssyncset.done $0x0  }
0x39: {  	[sflag:s15] =	ssyncadd.s32 $0xFFFFF830  }
0x3a: {  	[spmem:s2] =	stream.indirect.scatter.add.f32 [tilespmem:s11], [sflag:$0x3], $0x1, s4, s16, $0xb8;
	[tilespmem:$0x1D00] =	vst v63  }
0x3b: {  	_ =	swait.ge [sflag:s17], $0x7D0  }
0x3c: {  	s1 =	sadd.s32 $0xD000, s29;
	[sflag:s17] =	ssyncset.done $0x0  }
0x3d: {  	s23 =	sadd.s32 s1, s23;
	[sflag:s17] =	ssyncadd.s32 $0xFFFFF830  }
0x3e: {  	[tilespmem:s4], [sflag:$0x1] =	stream.linear.gather [hbm4b:s23+s4], $0x7D0, $0x38;
	[tilespmem:$0x1D00] =	vst v63  }
0x3f: {  	s24 =	sadd.s32 s1, s24  }
0x40: {  	[tilespmem:s14], [sflag:$0x2] =	stream.linear.gather [hbm4b:s24+s4], $0x7D0, $0x38;
	[tilespmem:$0x1D00] =	vst v63  }
0x41: {  	_ =	swait.ge [sflag:s15], $0x7D0  }
0x42: {  	[sflag:s15] =	ssyncset.done $0x0  }
0x43: {  	[sflag:s15] =	ssyncadd.s32 $0xFFFFF830  }
0x44: {  	[spmem:s3] =	stream.indirect.scatter.add.f32 [tilespmem:s11], [sflag:$0x3], $0x1, s4, s16, $0xb8;
	[tilespmem:$0x1D00] =	vst v63  }
0x45: {  	_ =	swait.ge [sflag:s17], $0x7D0  }
0x46: {  	[sflag:s17] =	ssyncset.done $0x0  }
0x47: {  	s25 =	sadd.s32 s1, s25;
	[sflag:s17] =	ssyncadd.s32 $0xFFFFF830  }
0x48: {  	[tilespmem:s4], [sflag:$0x1] =	stream.linear.gather [hbm4b:s25+s4], $0x7D0, $0x38;
	[tilespmem:$0x1D00] =	vst v63  }
0x49: {  	_ =	swait.ge [sflag:s19], $0x7D0  }
0x4a: {  	[sflag:s19] =	ssyncset.done $0x0  }
0x4b: {  	[sflag:s19] =	ssyncadd.s32 $0xFFFFF830  }
0x4c: {  	[spmem:s3] =	stream.indirect.scatter.add.f32 [tilespmem:s11], [sflag:$0x4], $0x1, s14, s16, $0xb8;
	[tilespmem:$0x1D00] =	vst v63  }
0x4d: {  	_ =	swait.ge [sflag:s20], $0x7D0  }
0x4e: {  	[sflag:s20] =	ssyncset.done $0x0  }
0x4f: {  	s26 =	sadd.s32 s1, s26;
	[sflag:s20] =	ssyncadd.s32 $0xFFFFF830  }
0x50: {  	[tilespmem:s14], [sflag:$0x2] =	stream.linear.gather [hbm4b:s26+s4], $0x7D0, $0x38;
	[tilespmem:$0x1D00] =	vst v63  }
0x51: {  	_ =	swait.ge [sflag:s15], $0x7D0  }
0x52: {  	[sflag:s15] =	ssyncset.done $0x0  }
0x53: {  	[sflag:s15] =	ssyncadd.s32 $0xFFFFF830  }
0x54: {  	[spmem:s3] =	stream.indirect.scatter.add.f32 [tilespmem:s11], [sflag:$0x3], $0x1, s4, s16, $0xb8;
	[tilespmem:$0x1D00] =	vst v63  }
0x55: {  	_ =	swait.ge [sflag:s17], $0x7D0  }
0x56: {  	[sflag:s17] =	ssyncset.done $0x0  }
0x57: {  	s28 =	sadd.s32 s1, s28;
	[sflag:s17] =	ssyncadd.s32 $0xFFFFF830  }
0x58: {  	[tilespmem:s4], [sflag:$0x1] =	stream.linear.gather [hbm4b:s28+s4], $0x7D0, $0x38;
	[tilespmem:$0x1D00] =	vst v63  }
0x59: {  	_ =	swait.ge [sflag:s19], $0x7D0  }
0x5a: {  	[sflag:s19] =	ssyncset.done $0x0  }
0x5b: {  	[sflag:s19] =	ssyncadd.s32 $0xFFFFF830  }
0x5c: {  	[spmem:s3] =	stream.indirect.scatter.add.f32 [tilespmem:s11], [sflag:$0x4], $0x1, s14, s16, $0xb8;
	[tilespmem:$0x1D00] =	vst v63  }
0x5d: {  	_ =	swait.ge [sflag:s20], $0x7D0  }
0x5e: {  	[sflag:s20] =	ssyncset.done $0x0  }
0x5f: {  	[sflag:s20] =	ssyncadd.s32 $0xFFFFF830  }
0x60: {  	s1 =	smul.u32 $0x2800, s31;
	_ =	swait.ge [sflag:s15], $0x7D0  }
0x61: {  	[sflag:s15] =	ssyncset.done $0x0  }
0x62: {  	s1 =	sadd.s32 s30, s1;
	[sflag:s15] =	ssyncadd.s32 $0xFFFFF830  }
0x63: {  	[spmem:s3] =	stream.indirect.scatter.add.f32 [tilespmem:s11], [sflag:$0x3], $0x1, s4, s16, $0xb8;
	[tilespmem:$0x1D00] =	vst v63  }
0x64: {  	s30 =	ssub.s32 $0x2, s31;
	s1 =	sshrl.u32 s1, $0x3;
	_ =	swait.ge [sflag:s17], $0x7D0  }
0x65: {  	s31 =	sshrl.u32 s30, $0x1;
	s1 =	sadd.s32 s1, s29;
	[sflag:s17] =	ssyncset.done $0x0  }
0x66: {  	s31 =	ssub.s32 s30, s31;
	s29 =	sadd.s32 $0x2B200, s1;
	[sflag:s17] =	ssyncadd.s32 $0xFFFFF830  }
0x67: {  	s30 =	sadd.s32 $0x2BC00, s1;
	s1 =	smax.u32 s31, $0x1;
	[bflag:$0x0] =	sbarrier.arrive $0xFFFF  }
0x68: {  	[hbm:s29], [sflag:s6] =	dma.local [spmem:s8], $0x50  }
0x69: {  	p0 =	sne.s32 s1, $0x1;
	_ =	swait.ge [sflag:s7], $0x50  }
.Ltmp0:
0x6a: {  	[sflag:s7] =	ssyncset.done $0x0;
	(pc) =	sbr.rel @!p0 .LBB2_2-.Ltmp0, $4  }
0x6b: {  	[sflag:s7] =	ssyncadd.s32 $0xFFFFFFB0  }
0x6c: {  	[hbm:s30], [sflag:s6] =	dma.local [spmem:s9], $0x50  }
0x6d: {  	_ =	swait.ge [sflag:s7], $0x50  }
0x6e: {  	s31 =	sadd.s32 $0xFFFFFFFF, s1;
	[sflag:s7] =	ssyncset.done $0x0  }
.LBB2_1:
0x6f: {  	p0 =	sne.s32 s31, $0x1;
	s31 =	sadd.s32 $0xFFFFFFFF, s31;
	[sflag:s7] =	ssyncadd.s32 $0xFFFFFFB0  }
0x70: {  	[spmem:s8], [sflag:s6] =	dma.local [hbm:s5], $0x50  }
0x71: {  	_ =	swait.ge [sflag:s7], $0x50  }
0x72: {  	[sflag:s7] =	ssyncset.done $0x0  }
0x73: {  	[sflag:s7] =	ssyncadd.s32 $0xFFFFFFB0  }
0x74: {  	[spmem:s9], [sflag:s6] =	dma.local [hbm:s5], $0x50  }
0x75: {  	_ =	swait.ge [sflag:s7], $0x50  }
0x76: {  	[sflag:s7] =	ssyncset.done $0x0  }
0x77: {  	[sflag:s7] =	ssyncadd.s32 $0xFFFFFFB0  }
0x78: {  	[tilespmem:s11], [sflag:$0x5] =	stream.linear.gather [hbm4b:s10+s4], $0x800, $0x38;
	[tilespmem:$0x1D00] =	vst v63  }
0x79: {  	_ =	swait.ge [sflag:s7], $0x800  }
0x7a: {  	[sflag:s7] =	ssyncset.done $0x0  }
0x7b: {  	[sflag:s7] =	ssyncadd.s32 $0xFFFFF800  }
0x7c: {  	[bflag:$0x0] =	sbarrier.arrive $0xFFFF  }
0x7d: {  	[tilespmem:s4], [sflag:$0x1] =	stream.linear.gather [hbm4b:s12+s4], $0x7D0, $0x38;
	[tilespmem:$0x1D00] =	vst v63  }
0x7e: {  	_ = 	snop  }
0x7f: {  	[tilespmem:s14], [sflag:$0x2] =	stream.linear.gather [hbm4b:s13+s4], $0x7D0, $0x38;
	[tilespmem:$0x1D00] =	vst v63  }
0x80: {  	_ =	swait.ge [sflag:s15], $0x7D0  }
0x81: {  	[sflag:s15] =	ssyncset.done $0x0  }
0x82: {  	[sflag:s15] =	ssyncadd.s32 $0xFFFFF830  }
0x83: {  	[spmem:s2] =	stream.indirect.scatter.add.f32 [tilespmem:s11], [sflag:$0x3], $0x1, s4, s16, $0xb8;
	[tilespmem:$0x1D00] =	vst v63  }
0x84: {  	_ =	swait.ge [sflag:s17], $0x7D0  }
0x85: {  	[sflag:s17] =	ssyncset.done $0x0  }
0x86: {  	[sflag:s17] =	ssyncadd.s32 $0xFFFFF830  }
0x87: {  	[tilespmem:s4], [sflag:$0x1] =	stream.linear.gather [hbm4b:s18+s4], $0x7D0, $0x38;
	[tilespmem:$0x1D00] =	vst v63  }
0x88: {  	_ =	swait.ge [sflag:s19], $0x7D0  }
0x89: {  	[sflag:s19] =	ssyncset.done $0x0  }
0x8a: {  	[sflag:s19] =	ssyncadd.s32 $0xFFFFF830  }
0x8b: {  	[spmem:s2] =	stream.indirect.scatter.add.f32 [tilespmem:s11], [sflag:$0x4], $0x1, s14, s16, $0xb8;
	[tilespmem:$0x1D00] =	vst v63  }
0x8c: {  	_ =	swait.ge [sflag:s20], $0x7D0  }
0x8d: {  	[sflag:s20] =	ssyncset.done $0x0  }
0x8e: {  	[sflag:s20] =	ssyncadd.s32 $0xFFFFF830  }
0x8f: {  	[tilespmem:s14], [sflag:$0x2] =	stream.linear.gather [hbm4b:s21+s4], $0x7D0, $0x38;
	[tilespmem:$0x1D00] =	vst v63  }
0x90: {  	_ =	swait.ge [sflag:s15], $0x7D0  }
0x91: {  	[sflag:s15] =	ssyncset.done $0x0  }
0x92: {  	[sflag:s15] =	ssyncadd.s32 $0xFFFFF830  }
0x93: {  	[spmem:s2] =	stream.indirect.scatter.add.f32 [tilespmem:s11], [sflag:$0x3], $0x1, s4, s16, $0xb8;
	[tilespmem:$0x1D00] =	vst v63  }
0x94: {  	_ =	swait.ge [sflag:s17], $0x7D0  }
0x95: {  	[sflag:s17] =	ssyncset.done $0x0  }
0x96: {  	[sflag:s17] =	ssyncadd.s32 $0xFFFFF830  }
0x97: {  	[tilespmem:s4], [sflag:$0x1] =	stream.linear.gather [hbm4b:s22+s4], $0x7D0, $0x38;
	[tilespmem:$0x1D00] =	vst v63  }
0x98: {  	_ =	swait.ge [sflag:s19], $0x7D0  }
0x99: {  	[sflag:s19] =	ssyncset.done $0x0  }
0x9a: {  	[sflag:s19] =	ssyncadd.s32 $0xFFFFF830  }
0x9b: {  	[spmem:s2] =	stream.indirect.scatter.add.f32 [tilespmem:s11], [sflag:$0x4], $0x1, s14, s16, $0xb8;
	[tilespmem:$0x1D00] =	vst v63  }
0x9c: {  	_ =	swait.ge [sflag:s20], $0x7D0  }
0x9d: {  	[sflag:s20] =	ssyncset.done $0x0  }
0x9e: {  	[sflag:s20] =	ssyncadd.s32 $0xFFFFF830  }
0x9f: {  	_ =	swait.ge [sflag:s15], $0x7D0  }
0xa0: {  	[sflag:s15] =	ssyncset.done $0x0  }
0xa1: {  	[sflag:s15] =	ssyncadd.s32 $0xFFFFF830  }
0xa2: {  	[spmem:s2] =	stream.indirect.scatter.add.f32 [tilespmem:s11], [sflag:$0x3], $0x1, s4, s16, $0xb8;
	[tilespmem:$0x1D00] =	vst v63  }
0xa3: {  	_ =	swait.ge [sflag:s17], $0x7D0  }
0xa4: {  	[sflag:s17] =	ssyncset.done $0x0  }
0xa5: {  	[sflag:s17] =	ssyncadd.s32 $0xFFFFF830  }
0xa6: {  	[tilespmem:s4], [sflag:$0x1] =	stream.linear.gather [hbm4b:s23+s4], $0x7D0, $0x38;
	[tilespmem:$0x1D00] =	vst v63  }
0xa7: {  	_ = 	snop  }
0xa8: {  	[tilespmem:s14], [sflag:$0x2] =	stream.linear.gather [hbm4b:s24+s4], $0x7D0, $0x38;
	[tilespmem:$0x1D00] =	vst v63  }
0xa9: {  	_ =	swait.ge [sflag:s15], $0x7D0  }
0xaa: {  	[sflag:s15] =	ssyncset.done $0x0  }
0xab: {  	[sflag:s15] =	ssyncadd.s32 $0xFFFFF830  }
0xac: {  	[spmem:s3] =	stream.indirect.scatter.add.f32 [tilespmem:s11], [sflag:$0x3], $0x1, s4, s16, $0xb8;
	[tilespmem:$0x1D00] =	vst v63  }
0xad: {  	_ =	swait.ge [sflag:s17], $0x7D0  }
0xae: {  	[sflag:s17] =	ssyncset.done $0x0  }
0xaf: {  	[sflag:s17] =	ssyncadd.s32 $0xFFFFF830  }
0xb0: {  	[tilespmem:s4], [sflag:$0x1] =	stream.linear.gather [hbm4b:s25+s4], $0x7D0, $0x38;
	[tilespmem:$0x1D00] =	vst v63  }
0xb1: {  	_ =	swait.ge [sflag:s19], $0x7D0  }
0xb2: {  	[sflag:s19] =	ssyncset.done $0x0  }
0xb3: {  	[sflag:s19] =	ssyncadd.s32 $0xFFFFF830  }
0xb4: {  	[spmem:s3] =	stream.indirect.scatter.add.f32 [tilespmem:s11], [sflag:$0x4], $0x1, s14, s16, $0xb8;
	[tilespmem:$0x1D00] =	vst v63  }
0xb5: {  	_ =	swait.ge [sflag:s20], $0x7D0  }
0xb6: {  	[sflag:s20] =	ssyncset.done $0x0  }
0xb7: {  	[sflag:s20] =	ssyncadd.s32 $0xFFFFF830  }
0xb8: {  	[tilespmem:s14], [sflag:$0x2] =	stream.linear.gather [hbm4b:s26+s4], $0x7D0, $0x38;
	[tilespmem:$0x1D00] =	vst v63  }
0xb9: {  	_ =	swait.ge [sflag:s15], $0x7D0  }
0xba: {  	[sflag:s15] =	ssyncset.done $0x0  }
0xbb: {  	[sflag:s15] =	ssyncadd.s32 $0xFFFFF830  }
0xbc: {  	[spmem:s3] =	stream.indirect.scatter.add.f32 [tilespmem:s11], [sflag:$0x3], $0x1, s4, s16, $0xb8;
	[tilespmem:$0x1D00] =	vst v63  }
0xbd: {  	_ =	swait.ge [sflag:s17], $0x7D0  }
0xbe: {  	[sflag:s17] =	ssyncset.done $0x0  }
0xbf: {  	[sflag:s17] =	ssyncadd.s32 $0xFFFFF830  }
0xc0: {  	[tilespmem:s4], [sflag:$0x1] =	stream.linear.gather [hbm4b:s28+s4], $0x7D0, $0x38;
	[tilespmem:$0x1D00] =	vst v63  }
0xc1: {  	_ =	swait.ge [sflag:s19], $0x7D0  }
0xc2: {  	[sflag:s19] =	ssyncset.done $0x0  }
0xc3: {  	[sflag:s19] =	ssyncadd.s32 $0xFFFFF830  }
0xc4: {  	[spmem:s3] =	stream.indirect.scatter.add.f32 [tilespmem:s11], [sflag:$0x4], $0x1, s14, s16, $0xb8;
	[tilespmem:$0x1D00] =	vst v63  }
0xc5: {  	_ =	swait.ge [sflag:s20], $0x7D0  }
0xc6: {  	[sflag:s20] =	ssyncset.done $0x0  }
0xc7: {  	[sflag:s20] =	ssyncadd.s32 $0xFFFFF830  }
0xc8: {  	_ =	swait.ge [sflag:s15], $0x7D0  }
0xc9: {  	[sflag:s15] =	ssyncset.done $0x0  }
0xca: {  	[sflag:s15] =	ssyncadd.s32 $0xFFFFF830  }
0xcb: {  	[spmem:s3] =	stream.indirect.scatter.add.f32 [tilespmem:s11], [sflag:$0x3], $0x1, s4, s16, $0xb8;
	[tilespmem:$0x1D00] =	vst v63  }
0xcc: {  	_ =	swait.ge [sflag:s17], $0x7D0  }
0xcd: {  	[sflag:s17] =	ssyncset.done $0x0  }
0xce: {  	[sflag:s17] =	ssyncadd.s32 $0xFFFFF830  }
0xcf: {  	[bflag:$0x0] =	sbarrier.arrive $0xFFFF  }
0xd0: {  	[hbm:s29], [sflag:s6] =	dma.local [spmem:s8], $0x50  }
0xd1: {  	_ =	swait.ge [sflag:s7], $0x50  }
.Ltmp1:
0xd2: {  	[sflag:s7] =	ssyncset.done $0x0;
	(pc) =	sbr.rel @p0 .LBB2_1-.Ltmp1, $4  }
0xd3: {  	[sflag:s7] =	ssyncadd.s32 $0xFFFFFFB0  }
0xd4: {  	[hbm:s30], [sflag:s6] =	dma.local [spmem:s9], $0x50  }
0xd5: {  	_ =	swait.ge [sflag:s7], $0x50  }
0xd6: {  	[sflag:s7] =	ssyncset.done $0x0  }
.LBB2_2:
0xd7: {  	[sflag:s7] =	ssyncadd.s32 $0xFFFFFFB0  }
0xd8: {  	_ =	sfence.sel $0x180000  }
0xd9: {  	[bflag:$0x0] =	sbarrier.arrive $0xFFFF  }
0xda: {  	_ =	strace $0x90000047  }
0xdb: {  	[bflag:$0x2] =	sbarrier.arrive $0xFFFF  }
0xdc: {  	p0 =	sne.s32 s0, $0x0;
	s0 =	rddreg [dreg:$0x3]  }
0xdd: {  	s0 =	sadd.s32 @!p0 $0x100000, s0  }
0xde: {  	[sflag:s0] =	ssyncadd.tile.s32 @!p0 $0x1;
	_ =	shalt  }
.Lfunc_end2:
_tile_overlayer_lowered:
.L_overlay_start_2:
0xdf: {  	(tag) =	ssettag $0x2  }
0xe0: {  	s0 =	rddreg [dreg:$0x0];
	s2 =	stileid.u32  }
0xe1: {  	s1 =	rddreg [dreg:$0x1];
	p0 =	sne.s32 s2, $0x0  }
0xe2: {  	s3 =	rddreg [dreg:$0x2];
	[bflag:$0x3] =	sbarrier.arrive $0xFFFF;
	s2 =	simm.s32 @!p0 $0x1C05  }
0xe3: {  	[timem:s3], [sflag:s2] =	dma.local @!p0 [hbm:s0], s1  }
0xe4: {  	s0 =	simm.s32 @!p0 $0x5  }
0xe5: {  	_ =	swait.ge @!p0 [sflag:s0], s1  }
0xe6: {  	s1 =	ssub.s32 @!p0 $0x0, s1;
	[sflag:s0] =	ssyncset.done @!p0 $0x0  }
0xe7: {  	[sflag:s0] =	ssyncadd.s32 @!p0 s1  }
0xe8: {  	[bflag:$0x3] =	sbarrier.arrive $0xFFFF  }
0xe9: {  	_ =	shalt  }

// kernel: kernel.15.cloned.1.call-start
scs
__scs_entry_jumppad:
0x0: {  	(pc) =	sbr.rel $0x88, $3  }
0x1: {  	(tag) =	ssettag $0x0;
	lr =	simm.s32 $0x1  }
0x2: {  	[smem:$0x3F95] =	sst lr;
	_ =	strace $0xD0000000  }
0x3: {  	_ = 	snop  }
0x4: {  	_ = 	snop  }
0x5: {  	_ = 	snop  }
0x6: {  	_ = 	snop  }
0x7: {  	_ = 	snop  }
__scs_overlays_trampoline_lowered:
0x8: {  	[smem:$0x3FA4] =	sst s0  }
0x9: {  	[smem:$0x3FA5] =	sst s1  }
0xa: {  	[smem:$0x3FA6] =	sst s2  }
0xb: {  	[smem:$0x3FA7] =	sst s3  }
0xc: {  	[smem:$0x3FA8] =	sst s4  }
0xd: {  	[smem:$0x3FA9] =	sst s5  }
0xe: {  	[smem:$0x3FAA] =	sst s6  }
0xf: {  	[smem:$0x3FAB] =	sst s7  }
0x10: {  	[smem:$0x3FAC] =	sst s8  }
0x11: {  	[smem:$0x3FAD] =	sst s9;
	s0 =	simm.s32 @!p0 $0x0  }
0x12: {  	s1 =	sld [smem:$0x3F93];
	s0 =	simm.s32 @p0 $0x1  }
0x13: {  	[smem:$0x3FAE] =	sst s0;
	s0 =	simm.s32 @!p1 $0x0  }
0x14: {  	s2 =	sld [smem:$0x3F92];
	s0 =	simm.s32 @p1 $0x1  }
0x15: {  	[smem:$0x3FAF] =	sst s0;
	s0 =	simm.s32 @!p2 $0x0  }
0x16: {  	s3 =	sld [smem:$0x3FDB];
	s0 =	simm.s32 @p2 $0x1  }
0x17: {  	s4 =	simm.s32 $0x1BF5;
	[smem:$0x3FB1] =	sst s0  }
0x18: {  	s0 =	sld [smem:$0x3F94];
	_ =	swait.ge [sflag:s4], $0x0  }
0x19: {  	s7 =	sld [smem:$0x3F95]  }
0x1a: {  	s8 =	sadd.s32 $0xFFFFE003, lr  }
0x1b: {  	s9 =	sadd.s32 $0xFFFFFEF7, lr;
	s5 =	simm.s32 $0xFFFFFFFF;
	p2 =	slt.u32 s8, $0xFFFFF086  }
0x1c: {  	p1 =	slt.u32 s9, $0xF7A;
	s5 =	simm.s32 @!p2 $0x0  }
0x1d: {  	s5 =	simm.s32 @p1 $0x1;
	p0 =	seq.s32 s7, s2  }
0x1e: {  	s7 =	smul.u32 @!p0 $0xF7A, s2;
	p2 =	seq.s32 @!p0 s5, $0x0  }
0x1f: {  	s9 =	smul.u32 $0xF7A, s1;
	s8 =	simm.s32 @!p0 $0x1BF5;
	p2 =	por !p2, p0  }
0x20: {  	[sflag:s8] =	ssyncset.s32 @!p0 $0xFFFFF086;
	s6 =	sadd.s32 @!p0 s3, s7;
	s7 =	simm.s32 @!p0 $0x108  }
0x21: {  	s3 =	sadd.s32 s3, s9;
	s6 =	sadd.s32 @!p0 $0x88, s6;
	s7 =	simm.s32 @p2 $0x1082  }
0x22: {  	[simem:s7], [sflag:s8] =	dma.local @!p0 [hbm:s6], $0xF7A  }
0x23: {  	s9 =	sor.u32 $0xD0000000, s2;
	s6 =	simm.s32 $0x108;
	_ =	swait.ge @!p0 [sflag:s8], $0x0  }
0x24: {  	s3 =	sadd.s32 $0x88, s3;
	s6 =	simm.s32 @!p1 $0x1082;
	[sflag:s4] =	ssyncset.s32 $0xFFFFF086  }
0x25: {  	[simem:s6], [sflag:s4] =	dma.local [hbm:s3], $0xF7A  }
0x26: {  	[smem:$0x3F95] =	sst s1;
	(tag) =	ssettag s2;
	_ =	strace s9  }
0x27: {  	s1 =	sld [smem:$0x3FA5]  }
0x28: {  	s2 =	sld [smem:$0x3FA6]  }
0x29: {  	s4 =	sld [smem:$0x3FA8]  }
0x2a: {  	p0 =	seq.s32 s5, $0x0;
	s5 =	sld [smem:$0x3FA9]  }
0x2b: {  	s6 =	sld [smem:$0x3FAA]  }
0x2c: {  	s7 =	sld [smem:$0x3FAB]  }
0x2d: {  	s3 =	simm.s32 $0x108;
	s8 =	sld [smem:$0x3FAC]  }
0x2e: {  	s3 =	simm.s32 @!p0 $0x1082;
	s9 =	sld [smem:$0x3FAD]  }
0x2f: {  	lr =	sadd.s32 s0, s3;
	s0 =	sld [smem:$0x3FA4]  }
0x30: {  	s3 =	sld [smem:$0x3FA7]  }
0x31: {  	[smem:$0x3FB0] =	sst s10  }
0x32: {  	s10 =	sld [smem:$0x3FAE];
	_ =	sdelay $0x3  }
0x33: {  	p0 =	seq.s32 s10, $0x1;
	s10 =	sld [smem:$0x3FB0];
	_ =	sdelay $0x3  }
0x34: {  	[smem:$0x3FB0] =	sst s10  }
0x35: {  	s10 =	sld [smem:$0x3FAF];
	_ =	sdelay $0x3  }
0x36: {  	p1 =	seq.s32 s10, $0x1;
	s10 =	sld [smem:$0x3FB0];
	_ =	sdelay $0x3  }
0x37: {  	[smem:$0x3FB0] =	sst s10  }
0x38: {  	s10 =	sld [smem:$0x3FB1]  }
0x39: {  	_ = 	snop;
	(pc) =	sbr.ind lr, $3  }
0x3a: {  	_ = 	snop  }
0x3b: {  	_ = 	snop  }
0x3c: {  	p2 =	seq.s32 s10, $0x1;
	s10 =	sld [smem:$0x3FB0]  }
0x3d: {  	_ =	shalt  }
0x3e: {  	_ =	shalt  }
0x3f: {  	_ =	shalt  }
0x40: {  	_ =	shalt  }
0x41: {  	_ =	shalt  }
0x42: {  	_ =	shalt  }
0x43: {  	_ =	shalt  }
0x44: {  	_ =	shalt  }
0x45: {  	_ =	shalt  }
0x46: {  	_ =	shalt  }
0x47: {  	_ =	shalt  }
0x48: {  	_ =	shalt  }
0x49: {  	_ =	shalt  }
0x4a: {  	_ =	shalt  }
0x4b: {  	_ =	shalt  }
0x4c: {  	_ =	shalt  }
0x4d: {  	_ =	shalt  }
0x4e: {  	_ =	shalt  }
0x4f: {  	_ =	shalt  }
0x50: {  	_ =	shalt  }
0x51: {  	_ =	shalt  }
0x52: {  	_ =	shalt  }
0x53: {  	_ =	shalt  }
0x54: {  	_ =	shalt  }
0x55: {  	_ =	shalt  }
0x56: {  	_ =	shalt  }
0x57: {  	_ =	shalt  }
0x58: {  	_ =	shalt  }
0x59: {  	_ =	shalt  }
0x5a: {  	_ =	shalt  }
0x5b: {  	_ =	shalt  }
0x5c: {  	_ =	shalt  }
0x5d: {  	_ =	shalt  }
0x5e: {  	_ =	shalt  }
0x5f: {  	_ =	shalt  }
0x60: {  	_ =	shalt  }
0x61: {  	_ =	shalt  }
0x62: {  	_ =	shalt  }
0x63: {  	_ =	shalt  }
0x64: {  	_ =	shalt  }
0x65: {  	_ =	shalt  }
0x66: {  	_ =	shalt  }
0x67: {  	_ =	shalt  }
0x68: {  	_ =	shalt  }
0x69: {  	_ =	shalt  }
0x6a: {  	_ =	shalt  }
0x6b: {  	_ =	shalt  }
0x6c: {  	_ =	shalt  }
0x6d: {  	_ =	shalt  }
0x6e: {  	_ =	shalt  }
0x6f: {  	_ =	shalt  }
0x70: {  	_ =	shalt  }
0x71: {  	_ =	shalt  }
0x72: {  	_ =	shalt  }
0x73: {  	_ =	shalt  }
0x74: {  	_ =	shalt  }
0x75: {  	_ =	shalt  }
0x76: {  	_ =	shalt  }
0x77: {  	_ =	shalt  }
0x78: {  	_ =	shalt  }
0x79: {  	_ =	shalt  }
0x7a: {  	_ =	shalt  }
0x7b: {  	_ =	shalt  }
0x7c: {  	_ =	shalt  }
0x7d: {  	_ =	shalt  }
0x7e: {  	_ =	shalt  }
0x7f: {  	_ =	shalt  }
0x80: {  	_ =	shalt  }
0x81: {  	_ =	shalt  }
0x82: {  	_ =	shalt  }
0x83: {  	_ =	shalt  }
0x84: {  	_ =	shalt  }
0x85: {  	_ =	shalt  }
0x86: {  	_ =	shalt  }
0x87: {  	_ =	shalt  }
.Lfunc_end0:
.L_simem_size_0:
called_computation.2_lowered:
.L_overlay_start_0:
0x88: {  	s2 =	sld [smem:$0x3FD9]  }
0x89: {  	s3 =	sld [smem:$0x3FFE];
	_ =	sdelay $0x1  }
0x8a: {  	s1 =	srdreg.scid  }
0x8b: {  	s0 =	sand.u32 $0x1, s1  }
0x8c: {  	s17 =	sshll.u32 s0, $0xA;
	s2 =	sadd.s32 s3, s2  }
0x8d: {  	s2 =	sadd.s32 s2, s17  }
0x8e: {  	[smem:$0x3FBC] =	sst s2  }
0x8f: {  	_ = 	snop  }
0x90: {  	s2 =	sld [smem:$0x3FD0];
	(tm) =	ssettm $0x1  }
0x91: {  	s18 =	sld [smem:$0x3FFB];
	_ =	sdelay $0x3  }
0x92: {  	_ =	strace s18  }
0x93: {  	s3 =	sld [smem:$0x3FFC];
	_ =	sdelay $0x3  }
0x94: {  	_ =	strace s3  }
0x95: {  	s3 =	sld [smem:$0x3FFD];
	_ =	sdelay $0x3  }
0x96: {  	_ =	strace s3  }
0x97: {  	_ =	strace $0x8FFFFFFF  }
0x98: {  	s19 =	sld [smem:$0x3FDB];
	_ =	sdelay $0x1  }
0x99: {  	s4 =	simm.s32 $_scs_section_size  }
0x9a: {  	s5 =	simm.s32 $_size__tile_overlayer_lowered;
	s6 =	simm.s32 $_tile_overlayer_lowered  }
0x9b: {  	s22 =	simm.s32 $0x1BFF;
	s21 =	sshll.u32 s6, $0x1;
	s3 =	sadd.s32 s4, s19  }
0x9c: {  	s7 =	simm.s32 $0x0;
	s20 =	sshll.u32 s5, $0x1;
	s5 =	sadd.s32 s21, s3  }
0x9d: {  	[timem:s7], [sflag:s22] =	dma.local [hbm:s5], s20  }
0x9e: {  	_ =	swait.ge [sflag:s22], s20  }
0x9f: {  	s4 =	ssub.s32 $0x0, s20;
	[sflag:s22] =	ssyncset.done $0x0  }
0xa0: {  	[sflag:s22] =	ssyncadd.s32 s4;
	_ =	sdelay $0x1  }
0xa1: {  	s23 =	simm.s32 $0x1B8B  }
0xa2: {  	_ =	swait.ge [sflag:s23], $0x1  }
0xa3: {  	[sflag:s23] =	ssyncset.done $0x0  }
0xa4: {  	s25 =	simm.s32 $0x1B8E;
	s24 =	sld [smem:$0x3FFE];
	[sflag:s23] =	ssyncadd.s32 $0xFFFFFFFF  }
0xa5: {  	s26 =	simm.s32 $execute0_lowered;
	[smem:$0x3FD2] =	sst s25  }
0xa6: {  	s5 =	sshll.u32 s26, $0x1;
	_ =	strace $0x8000004C;
	[dreg:$0x1] =	wrdreg $0xFFFFFFFF  }
0xa7: {  	s28 =	simm.s32 $_size_execute0_lowered;
	s3 =	sadd.s32 s3, s5;
	[dreg:$0x0] =	wrdreg $0x0  }
0xa8: {  	s5 =	sshll.u32 s28, $0x1;
	[dreg:$0x2] =	wrdreg s3  }
0xa9: {  	[dreg:$0x3] =	wrdreg s5  }
0xaa: {  	[dreg:$0x4] =	wrdreg $0xC0  }
0xab: {  	_ =	task [dreg:s7], $0x5FFFF  }
0xac: {  	[dreg:$0x1] =	wrdreg $0xFFFFFFFF  }
0xad: {  	[dreg:$0x0] =	wrdreg $0x60  }
0xae: {  	[dreg:$0x2] =	wrdreg s24  }
0xaf: {  	[dreg:$0x3] =	wrdreg s2  }
0xb0: {  	[dreg:$0x4] =	wrdreg $0xA4000  }
0xb1: {  	[dreg:$0x5] =	wrdreg $0x9  }
0xb2: {  	_ =	task.clear_ibuf [dreg:s7], $0x6FFFF;
	_ =	strace $0x9000004C  }
0xb3: {  	s29 =	simm.s32 $0x9;
	_ =	strace $0x8000004E  }
0xb4: {  	_ =	swait.ge [sflag:s29], $0x1  }
0xb5: {  	[sflag:s29] =	ssyncadd.s32 $0xFFFFFFFF  }
0xb6: {  	_ =	strace $0x9000004E  }
0xb7: {  	_ =	sfence  }
0xb8: {  	s30 =	sld [smem:$0x0];
	_ =	sdelay $0x2  }
0xb9: {  	s31 =	sshll.u32 s1, $0xD;
	s1 =	sshrl.u32 s1, $0x2  }
0xba: {  	s3 =	sand.u32 $0x4000, s31;
	s1 =	sadd.s32 s1, s30  }
0xbb: {  	s0 =	sor.u32 s3, s0;
	s1 =	sshll.u32 s1, $0x11  }
0xbc: {  	s0 =	sor.u32 s1, s0  }
0xbd: {  	s0 =	sadd.s32 $0x8F2B, s0  }
0xbe: {  	[sflag:s0] =	ssyncadd.remote.s32 $0x1  }
0xbf: {  	_ =	sfence.sel $0xFFFF  }
0xc0: {  	[dreg:$0x0] =	wrdreg $0xFFFFFFFF;
	(pc) =	sbr.abs _section_cstart, $3  }
0xc1: {  	[dreg:$0x1] =	wrdreg $0xFFFFFFFF  }
0xc2: {  	_ =	task.clear_ibuf [dreg:s7], $0x2FFFF;
	_ =	strace $0x9FFFFFFF  }
0xc3: {  	(tm) =	ssettm $0x7FFFFFFF  }
tec
execute0_lowered:
.L_overlay_start_1:
0x0: {  	(tag) =	ssettag $0x1  }
0x1: {  	s0 =	rddreg [dreg:$0x0]  }
0x2: {  	s7 =	rddreg [dreg:$0x1]  }
0x3: {  	s1 =	rddreg [dreg:$0x2];
	s2 =	simm.s32 $0x0  }
0x4: {  	s6 =	srdreg.scid;
	s8 =	stileid.u32;
	s28 =	simm.s32 $0x9  }
0x5: {  	s29 =	simm.s32 $0x50;
	[smem:$0x7FF] =	sst s2;
	s3 =	sadd.s32 $0x2C600, s0  }
0x6: {  	s4 =	sadd.s32 $0x3200, s0;
	s5 =	sadd.s32 $0xD000, s0;
	s9 =	sand.u32 $0x1, s6  }
0x7: {  	s0 =	sadd.s32 $0x53800, s0;
	s10 =	smul.u32 $0x4E000, s8;
	s12 =	sshll.u32 s8, $0x1  }
0x8: {  	s13 =	smul.u32 $0x13800, s8;
	s14 =	sshll.u32 s8, $0x6;
	s19 =	sadd.s32 $0x138000, s1  }
0x9: {  	s23 =	smul.u32 $0x4E20, s8;
	p0 =	sne.s32 s8, $0x0;
	s8 =	simm.s32 $0xA300  }
0xa: {  	_ =	strace $0x8000004D;
	s6 =	ssub.s32 $0x2, s9;
	s16 =	sor.u32 s9, s12  }
0xb: {  	s14 =	sor.u32 $0x1C0D, s14;
	[dreg:$0x7] =	wrdreg s19;
	s21 =	smul.u32 $0x138800, s9  }
0xc: {  	s9 =	smul.u32 $0x2710, s9;
	s19 =	simm.s32 $0x3;
	s11 =	sshrl.u32 s6, $0x1  }
0xd: {  	s10 =	sshrl.u32 s10, $0x2;
	s17 =	sshrl.u32 s13, $0x3;
	[dreg:$0x6] =	wrdreg s14  }
0xe: {  	s11 =	ssub.s32 s6, s11;
	s6 =	smul.u32 $0x2710, s16;
	s10 =	sadd.s32 s10, s1  }
0xf: {  	s18 =	sadd.s32 s7, s17;
	s7 =	sadd.s32 $0x27000, s7;
	[dreg:$0x4] =	wrdreg s10  }
0x10: {  	s25 =	sadd.s32 s13, s21;
	s12 =	sshrl.u32 s21, $0x3;
	[dreg:$0x5] =	wrdreg s18  }
0x11: {  	s17 =	simm.s32 $0xD;
	s13 =	simm.s32 $0xA180;
	[dreg:$0x8] =	wrdreg s7  }
0x12: {  	s7 =	sadd.s32 s9, s23;
	s30 =	smax.u32 s11, $0x1;
	s11 =	simm.s32 $0xB  }
0x13: {  	s18 =	simm.s32 $0x5;
	s23 =	simm.s32 $0x0;
	[dreg:$0xd] =	wrdreg s7  }
0x14: {  	s20 =	sshrl.u32 s6, $0x3;
	s7 =	sadd.s32 $0x190, s7;
	[dreg:$0x10] =	wrdreg s30  }
0x15: {  	s22 =	sadd.s32 s4, s20;
	s15 =	sadd.s32 s5, s20;
	s10 =	sadd.s32 $0xA, s20  }
0x16: {  	s31 =	sshrl.u32 s7, $0x3;
	s7 =	simm.s32 $0xA100;
	[dreg:$0x9] =	wrdreg s22  }
0x17: {  	[dreg:$0xa] =	wrdreg s15;
	s24 =	sadd.s32 s4, s10;
	s10 =	sadd.s32 s5, s10  }
0x18: {  	s20 =	sadd.s32 s31, s5;
	s21 =	sadd.s32 s31, s4;
	s15 =	simm.s32 $0xC  }
.Ltmp0:
0x19: {  	s22 =	simm.s32 $0x8;
	[dreg:$0xb] =	wrdreg s24;
	(pc) =	sbr.rel .LBB2_1-.Ltmp0, $4  }
0x1a: {  	[dreg:$0xc] =	wrdreg s10;
	s10 =	sshrl.u32 s25, $0x3;
	s24 =	simm.s32 $0xA200  }
0x1b: {  	s25 =	simm.s32 $0x6;
	s26 =	sadd.s32 s0, s10;
	s0 =	sadd.s32 s0, s12  }
0x1c: {  	s10 =	simm.s32 $0x1;
	[dreg:$0xe] =	wrdreg s26;
	s0 =	sadd.s32 $0x27000, s0  }
0x1d: {  	s12 =	simm.s32 $0x5000;
	[dreg:$0xf] =	wrdreg s0;
	s0 =	simm.s32 $0x2  }
.LBB2_14:
0x1e: {  	_ =	swait.ge [sflag:s19], $0x2800  }
0x1f: {  	[sflag:s19] =	ssyncset.done $0x0  }
0x20: {  	[sflag:s19] =	ssyncadd.s32 $0xFFFFD800  }
0x21: {  	[spmem:s1] =	stream.indirect.scatter.add.f32 [tilespmem:s12], [sflag:$0x7], $0x80, s8, s29, $0xb8;
	[tilespmem:$0x1DC80] =	vst v63  }
.LBB2_12:
0x22: {  	_ =	swait.ge [sflag:s22], $0x2800  }
0x23: {  	[sflag:s22] =	ssyncset.done $0x0  }
0x24: {  	[sflag:s22] =	ssyncadd.s32 $0xFFFFD800  }
0x25: {  	_ =	swait.ge [sflag:s18], $0x2800  }
0x26: {  	[sflag:s18] =	ssyncset.done $0x0  }
0x27: {  	[sflag:s18] =	ssyncadd.s32 $0xFFFFD800  }
0x28: {  	[bflag:$0x0] =	sbarrier.arrive $0xFFFF  }
0x29: {  	s14 =	rddreg [dreg:$0x6]  }
0x2a: {  	s9 =	rddreg [dreg:$0xe]  }
0x2b: {  	s17 =	simm.s32 $0xD;
	s16 =	rddreg [dreg:$0x12]  }
0x2c: {  	[hbm:s9], [sflag:s14] =	dma.local [spmem:s16], $0x2700  }
0x2d: {  	_ =	swait.ge [sflag:s17], $0x2700  }
0x2e: {  	[sflag:s17] =	ssyncset.done $0x0;
	s9 =	rddreg [dreg:$0xf]  }
0x2f: {  	s16 =	rddreg [dreg:$0x13];
	[sflag:s17] =	ssyncadd.s32 $0xFFFFD900  }
0x30: {  	[hbm:s9], [sflag:s14] =	dma.local @!p0 [spmem:s16], $0x100  }
0x31: {  	s9 =	simm.s32 @!p0 $0xD  }
0x32: {  	_ =	swait.ge @!p0 [sflag:s9], $0x100  }
0x33: {  	s23 =	rddreg [dreg:$0x11]  }
0x34: {  	s31 =	rddreg [dreg:$0x10];
	s23 =	sadd.s32 $0x1, s23  }
0x35: {  	p1 =	sne.s32 s23, s31  }
.Ltmp1:
0x36: {  	_ = 	snop;
	(pc) =	sbr.rel @!p1 .LBB2_13-.Ltmp1, $3  }
0x37: {  	_ =	sdelay $0x1  }
0x38: {  	[sflag:s9] =	ssyncset.done @!p0 $0x0  }
0x39: {  	[sflag:s9] =	ssyncadd.s32 @!p0 $0xFFFFFF00  }
.LBB2_1:
0x3a: {  	[dreg:$0x11] =	wrdreg s23  }
0x3b: {  	s9 =	rddreg [dreg:$0x4]  }
0x3c: {  	s31 =	rddreg [dreg:$0x5];
	s16 =	sshrl.u32 s9, $0x3  }
0x3d: {  	[dreg:$0x12] =	wrdreg s16  }
0x3e: {  	[spmem:s16], [sflag:s14] =	dma.local [hbm:s31], $0x2700  }
0x3f: {  	_ =	swait.ge [sflag:s17], $0x2700  }
0x40: {  	s9 =	rddreg [dreg:$0x7]  }
0x41: {  	[sflag:s17] =	ssyncset.done $0x0;
	s16 =	sshrl.u32 @!p0 s9, $0x3;
	s9 =	rddreg [dreg:$0x8]  }
0x42: {  	[sflag:s17] =	ssyncadd.s32 $0xFFFFD900;
	[dreg:$0x13] =	wrdreg s16  }
0x43: {  	[spmem:s16], [sflag:s14] =	dma.local @!p0 [hbm:s9], $0x100  }
0x44: {  	s9 =	simm.s32 @!p0 $0xD  }
0x45: {  	_ =	swait.ge @!p0 [sflag:s9], $0x100  }
0x46: {  	[sflag:s9] =	ssyncset.done @!p0 $0x0  }
0x47: {  	[sflag:s9] =	ssyncadd.s32 @!p0 $0xFFFFFF00  }
0x48: {  	[bflag:$0x0] =	sbarrier.arrive $0xFFFF  }
0x49: {  	s14 =	simm.s32 $0xA000;
	s23 =	rddreg [dreg:$0x9]  }
0x4a: {  	[tilespmem:s14], [sflag:$0x9] =	stream.linear.gather [hbm4b:s23+s2], $0x50, $0x38;
	[tilespmem:$0x1DC80] =	vst v63  }
0x4b: {  	s26 =	rddreg [dreg:$0xa]  }
0x4c: {  	[tilespmem:s24], [sflag:$0x9] =	stream.linear.gather [hbm4b:s26+s2], $0x50, $0x38;
	[tilespmem:$0x1DC80] =	vst v63  }
0x4d: {  	s16 =	simm.s32 $0xA080;
	s31 =	rddreg [dreg:$0xb]  }
0x4e: {  	[tilespmem:s16], [sflag:$0xA] =	stream.linear.gather [hbm4b:s31+s2], $0x50, $0x38;
	[tilespmem:$0x1DC80] =	vst v63  }
0x4f: {  	s17 =	rddreg [dreg:$0xc];
	s23 =	simm.s32 $0xA280  }
0x50: {  	[tilespmem:s23], [sflag:$0xA] =	stream.linear.gather [hbm4b:s17+s2], $0x50, $0x38;
	[tilespmem:$0x1DC80] =	vst v63  }
0x51: {  	_ =	swait.ge [sflag:s28], $0x50  }
0x52: {  	[sflag:s28] =	ssyncset.done $0x0  }
0x53: {  	[sflag:s28] =	ssyncadd.s32 $0xFFFFFFB0  }
0x54: {  	_ =	swait.ge [sflag:s28], $0x50  }
0x55: {  	[sflag:s28] =	ssyncset.done $0x0  }
0x56: {  	s26 =	simm.s32 $0xA;
	[sflag:s28] =	ssyncadd.s32 $0xFFFFFFB0  }
0x57: {  	[tilespmem:s2], [sflag:$0x1] =	stream.indirect.gather [hbm4b:s3+s29], $0x80, s14, s29, $0xb8;
	[tilespmem:$0x1DC80] =	vst v63  }
0x58: {  	_ =	swait.ge [sflag:s26], $0x50  }
0x59: {  	[sflag:s26] =	ssyncset.done $0x0  }
0x5a: {  	[sflag:s26] =	ssyncadd.s32 $0xFFFFFFB0  }
.Ltmp2:
0x5b: {  	_ =	swait.ge [sflag:s26], $0x50;
	(pc) =	sbr.rel .LBB2_2-.Ltmp2, $4  }
0x5c: {  	[sflag:s26] =	ssyncset.done $0x0  }
0x5d: {  	s30 =	simm.s32 $0x2;
	s31 =	simm.s32 $0x2800;
	[sflag:s26] =	ssyncadd.s32 $0xFFFFFFB0  }
0x5e: {  	[tilespmem:s31], [sflag:$0x2] =	stream.indirect.gather [hbm4b:s3+s29], $0x80, s16, s29, $0xb8;
	[tilespmem:$0x1DC80] =	vst v63  }
0x5f: {  	s9 =	simm.s32 $0x140;
	s14 =	simm.s32 $0x0;
	s16 =	simm.s32 $0x0  }
.LBB2_10:
0x60: {  	_ =	swait.ge [sflag:s25], $0x2800  }
0x61: {  	p1 =	sgt.u32 s14, $0x1D;
	[sflag:s25] =	ssyncset.done $0x0  }
0x62: {  	s17 =	simm.s32 @p1 $0x4;
	[sflag:s25] =	ssyncadd.s32 $0xFFFFD800  }
0x63: {  	_ =	swait.ge @p1 [sflag:s17], $0x2800  }
0x64: {  	s26 =	simm.s32 @p1 $0xA380;
	[sflag:s17] =	ssyncset.done @p1 $0x0  }
0x65: {  	s23 =	simm.s32 @p1 $0x7800;
	[sflag:s17] =	ssyncadd.s32 @p1 $0xFFFFD800;
	s17 =	simm.s32 @p1 $0x50  }
0x66: {  	[spmem:s1] =	stream.indirect.scatter.add.f32 @p1 [tilespmem:s23], [sflag:$0x8], $0x80, s26, s17, $0xb8;
	[tilespmem:$0x1DC80] =	vst v63  }
0x67: {  	s17 =	sadd.s32 @!p1 s16, s21;
	s23 =	simm.s32 @!p1 $0x0;
	s26 =	simm.s32 @!p1 $0xA080  }
0x68: {  	[tilespmem:s26], [sflag:$0xA] =	stream.linear.gather @!p1 [hbm4b:s17+s23], $0x50, $0x38;
	[tilespmem:$0x1DC80] =	vst v63  }
0x69: {  	s31 =	simm.s32 @!p1 $0xA280;
	s17 =	sadd.s32 @!p1 s16, s20  }
0x6a: {  	[tilespmem:s31], [sflag:$0xA] =	stream.linear.gather @!p1 [hbm4b:s17+s23], $0x50, $0x38;
	[tilespmem:$0x1DC80] =	vst v63  }
0x6b: {  	s17 =	simm.s32 @!p1 $0x4  }
0x6c: {  	_ =	swait.ge @!p1 [sflag:s17], $0x2800  }
0x6d: {  	s23 =	simm.s32 @!p1 $0xA380;
	[sflag:s17] =	ssyncset.done @!p1 $0x0  }
0x6e: {  	s31 =	simm.s32 @!p1 $0x7800;
	[sflag:s17] =	ssyncadd.s32 @!p1 $0xFFFFD800;
	s17 =	simm.s32 @!p1 $0x50  }
0x6f: {  	[spmem:s1] =	stream.indirect.scatter.add.f32 @!p1 [tilespmem:s31], [sflag:$0x8], $0x80, s23, s17, $0xb8;
	[tilespmem:$0x1DC80] =	vst v63  }
0x70: {  	s23 =	simm.s32 @!p1 $0xA  }
0x71: {  	_ =	swait.ge @!p1 [sflag:s23], $0x50  }
0x72: {  	[sflag:s23] =	ssyncset.done @!p1 $0x0  }
0x73: {  	[sflag:s23] =	ssyncadd.s32 @!p1 $0xFFFFFFB0  }
0x74: {  	_ =	swait.ge @!p1 [sflag:s23], $0x50  }
0x75: {  	[sflag:s23] =	ssyncset.done @!p1 $0x0  }
0x76: {  	[sflag:s23] =	ssyncadd.s32 @!p1 $0xFFFFFFB0;
	s23 =	simm.s32 @!p1 $0x2800  }
0x77: {  	[tilespmem:s23], [sflag:$0x2] =	stream.indirect.gather @!p1 [hbm4b:s3+s17], $0x80, s26, s17, $0xb8;
	[tilespmem:$0x1DC80] =	vst v63  }
.LBB2_11:
0x78: {  	s16 =	sadd.s32 $0x28, s16  }
0x79: {  	p1 =	sne.s32 s16, $0x500  }
.Ltmp3:
0x7a: {  	_ = 	snop;
	(pc) =	sbr.rel @!p1 .LBB2_12-.Ltmp3, $2  }
0x7b: {  	_ =	sdelay $0x2  }
0x7c: {  	s14 =	sadd.s32 $0x1, s14;
	s9 =	sadd.s32 $0x140, s9;
	s30 =	sadd.s32 $0x4, s30  }
.LBB2_2:
0x7d: {  	p2 =	seq.s32 s16, $0x0  }
0x7e: {  	p1 =	sgt.u32 @!p2 s30, $0x7C  }
0x7f: {  	p1 =	por p2, !p1  }
.Ltmp4:
0x80: {  	_ = 	snop;
	(pc) =	sbr.rel @!p1 .LBB2_5-.Ltmp4, $4  }
0x81: {  	s26 =	simm.s32 @!p2 $0x7  }
0x82: {  	_ =	swait.ge @!p2 [sflag:s26], $0x2800  }
0x83: {  	[sflag:s26] =	ssyncset.done @!p2 $0x0  }
0x84: {  	[sflag:s26] =	ssyncadd.s32 @!p2 $0xFFFFD800  }
0x85: {  	s26 =	smov.u32 s30  }
0x86: {  	s26 =	simm.s32 @p2 $0x2  }
0x87: {  	s26 =	smul.u32 $0x50, s26;
	_ =	sdelay $0x1  }
0x88: {  	s26 =	sadd.s32 s6, s26  }
0x89: {  	s26 =	sshrl.u32 s26, $0x3  }
0x8a: {  	s17 =	sadd.s32 s4, s26  }
0x8b: {  	[tilespmem:s7], [sflag:$0xB] =	stream.linear.gather [hbm4b:s17+s2], $0x50, $0x38;
	[tilespmem:$0x1DC80] =	vst v63  }
0x8c: {  	s31 =	sadd.s32 s5, s26  }
0x8d: {  	[tilespmem:s8], [sflag:$0xB] =	stream.linear.gather [hbm4b:s31+s2], $0x50, $0x38;
	[tilespmem:$0x1DC80] =	vst v63  }
0x8e: {  	_ =	swait.ge [sflag:s10], $0x2800  }
0x8f: {  	[sflag:s10] =	ssyncset.done $0x0  }
0x90: {  	[sflag:s10] =	ssyncadd.s32 $0xFFFFD800  }
0x91: {  	[spmem:s1] =	stream.indirect.scatter.add.f32 [tilespmem:s2], [sflag:$0x5], $0x80, s24, s29, $0xb8;
	[tilespmem:$0x1DC80] =	vst v63  }
0x92: {  	_ =	swait.ge [sflag:s11], $0x50  }
0x93: {  	[sflag:s11] =	ssyncset.done $0x0  }
.Ltmp5:
0x94: {  	[sflag:s11] =	ssyncadd.s32 $0xFFFFFFB0;
	(pc) =	sbr.rel @!p2 .LBB2_6-.Ltmp5, $4  }
0x95: {  	_ =	swait.ge [sflag:s11], $0x50  }
0x96: {  	[sflag:s11] =	ssyncset.done $0x0  }
0x97: {  	p1 =	por $0x1, $0x1;
	[sflag:s11] =	ssyncadd.s32 $0xFFFFFFB0  }
0x98: {  	[tilespmem:s12], [sflag:$0x3] =	stream.indirect.gather [hbm4b:s3+s29], $0x80, s7, s29, $0xb8;
	[tilespmem:$0x1DC80] =	vst v63  }
.Ltmp6:
0x99: {  	(pc) =	sbr.rel .LBB2_7-.Ltmp6, $2  }
0x9a: {  	_ =	sdelay $0x2  }
0x9b: {  	s26 =	simm.s32 $0xF0  }
.LBB2_5:
0x9c: {  	p2 =	sgt.u32 s14, $0x1E  }
.Ltmp7:
0x9d: {  	_ = 	snop;
	(pc) =	sbr.rel @p2 .LBB2_11-.Ltmp7, $4  }
0x9e: {  	_ =	swait.ge [sflag:s10], $0x2800  }
0x9f: {  	[sflag:s10] =	ssyncset.done $0x0  }
0xa0: {  	p1 =	por $0x0, $0x0;
	[sflag:s10] =	ssyncadd.s32 $0xFFFFD800  }
0xa1: {  	[spmem:s1] =	stream.indirect.scatter.add.f32 [tilespmem:s2], [sflag:$0x5], $0x80, s24, s29, $0xb8;
	[tilespmem:$0x1DC80] =	vst v63  }
.LBB2_6:
0xa2: {  	_ =	swait.ge [sflag:s22], $0x2800  }
0xa3: {  	[sflag:s22] =	ssyncset.done $0x0  }
0xa4: {  	s26 =	sadd.s32 $0xFFFFFFB0, s9;
	[sflag:s22] =	ssyncadd.s32 $0xFFFFD800  }
.LBB2_7:
0xa5: {  	s17 =	sadd.s32 s6, s26  }
0xa6: {  	s17 =	sshrl.u32 s17, $0x3  }
0xa7: {  	s31 =	sadd.s32 s4, s17  }
0xa8: {  	[tilespmem:s13], [sflag:$0xC] =	stream.linear.gather [hbm4b:s31+s2], $0x50, $0x38;
	[tilespmem:$0x1DC80] =	vst v63  }
0xa9: {  	s23 =	simm.s32 $0xA380;
	s17 =	sadd.s32 s5, s17  }
0xaa: {  	[tilespmem:s23], [sflag:$0xC] =	stream.linear.gather [hbm4b:s17+s2], $0x50, $0x38;
	[tilespmem:$0x1DC80] =	vst v63  }
0xab: {  	_ =	swait.ge [sflag:s0], $0x2800  }
0xac: {  	[sflag:s0] =	ssyncset.done $0x0  }
0xad: {  	s26 =	simm.s32 $0x2800;
	s23 =	simm.s32 $0xA280;
	[sflag:s0] =	ssyncadd.s32 $0xFFFFD800  }
0xae: {  	[spmem:s1] =	stream.indirect.scatter.add.f32 [tilespmem:s26], [sflag:$0x6], $0x80, s23, s29, $0xb8;
	[tilespmem:$0x1DC80] =	vst v63  }
0xaf: {  	_ =	swait.ge [sflag:s15], $0x50  }
0xb0: {  	[sflag:s15] =	ssyncset.done $0x0  }
.Ltmp8:
0xb1: {  	[sflag:s15] =	ssyncadd.s32 $0xFFFFFFB0;
	(pc) =	sbr.rel @!p1 .LBB2_10-.Ltmp8, $4  }
0xb2: {  	_ =	swait.ge [sflag:s15], $0x50  }
0xb3: {  	[sflag:s15] =	ssyncset.done $0x0  }
0xb4: {  	s31 =	simm.s32 $0x7800;
	[sflag:s15] =	ssyncadd.s32 $0xFFFFFFB0  }
0xb5: {  	[tilespmem:s31], [sflag:$0x4] =	stream.indirect.gather [hbm4b:s3+s29], $0x80, s13, s29, $0xb8;
	[tilespmem:$0x1DC80] =	vst v63  }
0xb6: {  	p1 =	seq.s32 s16, $0x4D8  }
.Ltmp9:
0xb7: {  	_ = 	snop;
	(pc) =	sbr.rel @p1 .LBB2_14-.Ltmp9, $4  }
0xb8: {  	_ = 	snop  }
0xb9: {  	_ =	swait.ge [sflag:s18], $0x2800  }
0xba: {  	[sflag:s18] =	ssyncset.done $0x0  }
0xbb: {  	[sflag:s18] =	ssyncadd.s32 $0xFFFFD800  }
0xbc: {  	s17 =	rddreg [dreg:$0xd]  }
0xbd: {  	s17 =	sadd.s32 s9, s17  }
0xbe: {  	s17 =	sshrl.u32 s17, $0x3  }
0xbf: {  	s23 =	simm.s32 $0xA000;
	s26 =	sadd.s32 s4, s17  }
0xc0: {  	[tilespmem:s23], [sflag:$0x9] =	stream.linear.gather [hbm4b:s26+s2], $0x50, $0x38;
	[tilespmem:$0x1DC80] =	vst v63  }
0xc1: {  	s17 =	sadd.s32 s5, s17  }
0xc2: {  	[tilespmem:s24], [sflag:$0x9] =	stream.linear.gather [hbm4b:s17+s2], $0x50, $0x38;
	[tilespmem:$0x1DC80] =	vst v63  }
0xc3: {  	_ =	swait.ge [sflag:s19], $0x2800  }
0xc4: {  	[sflag:s19] =	ssyncset.done $0x0  }
0xc5: {  	[sflag:s19] =	ssyncadd.s32 $0xFFFFD800  }
0xc6: {  	[spmem:s1] =	stream.indirect.scatter.add.f32 [tilespmem:s12], [sflag:$0x7], $0x80, s8, s29, $0xb8;
	[tilespmem:$0x1DC80] =	vst v63  }
0xc7: {  	_ =	swait.ge [sflag:s28], $0x50  }
0xc8: {  	[sflag:s28] =	ssyncset.done $0x0  }
.Ltmp10:
0xc9: {  	[sflag:s28] =	ssyncadd.s32 $0xFFFFFFB0;
	(pc) =	sbr.rel .LBB2_10-.Ltmp10, $4  }
0xca: {  	_ =	swait.ge [sflag:s28], $0x50  }
0xcb: {  	[sflag:s28] =	ssyncset.done $0x0  }
0xcc: {  	[sflag:s28] =	ssyncadd.s32 $0xFFFFFFB0  }
0xcd: {  	[tilespmem:s2], [sflag:$0x1] =	stream.indirect.gather [hbm4b:s3+s29], $0x80, s23, s29, $0xb8;
	[tilespmem:$0x1DC80] =	vst v63  }
.LBB2_13:
0xce: {  	_ =	sfence.sel $0x180000  }
0xcf: {  	[bflag:$0x0] =	sbarrier.arrive $0xFFFF  }
0xd0: {  	_ =	strace $0x9000004D  }
0xd1: {  	[bflag:$0x2] =	sbarrier.arrive $0xFFFF  }
0xd2: {  	s0 =	rddreg [dreg:$0x3]  }
0xd3: {  	s0 =	sadd.s32 @!p0 $0x100000, s0  }
0xd4: {  	[sflag:s0] =	ssyncadd.tile.s32 @!p0 $0x1;
	_ =	shalt  }
.Lfunc_end2:
_tile_overlayer_lowered:
.L_overlay_start_2:
0xd5: {  	(tag) =	ssettag $0x2  }
0xd6: {  	s0 =	rddreg [dreg:$0x0];
	s2 =	stileid.u32  }
0xd7: {  	s1 =	rddreg [dreg:$0x1];
	p0 =	sne.s32 s2, $0x0  }
0xd8: {  	s3 =	rddreg [dreg:$0x2];
	[bflag:$0x3] =	sbarrier.arrive $0xFFFF;
	s2 =	simm.s32 @!p0 $0x1C0D  }
0xd9: {  	[timem:s3], [sflag:s2] =	dma.local @!p0 [hbm:s0], s1  }
0xda: {  	s0 =	simm.s32 @!p0 $0xD  }
0xdb: {  	_ =	swait.ge @!p0 [sflag:s0], s1  }
0xdc: {  	s1 =	ssub.s32 @!p0 $0x0, s1;
	[sflag:s0] =	ssyncset.done @!p0 $0x0  }
0xdd: {  	[sflag:s0] =	ssyncadd.s32 @!p0 s1  }
0xde: {  	[bflag:$0x3] =	sbarrier.arrive $0xFFFF  }
0xdf: {  	_ =	shalt  }

// kernel: kernel.18.cloned.1.call-start
scs
__scs_entry_jumppad:
0x0: {  	(pc) =	sbr.rel $0x88, $3  }
0x1: {  	(tag) =	ssettag $0x0;
	lr =	simm.s32 $0x1  }
0x2: {  	[smem:$0x3F95] =	sst lr;
	_ =	strace $0xD0000000  }
0x3: {  	_ = 	snop  }
0x4: {  	_ = 	snop  }
0x5: {  	_ = 	snop  }
0x6: {  	_ = 	snop  }
0x7: {  	_ = 	snop  }
__scs_overlays_trampoline_lowered:
0x8: {  	[smem:$0x3FA4] =	sst s0  }
0x9: {  	[smem:$0x3FA5] =	sst s1  }
0xa: {  	[smem:$0x3FA6] =	sst s2  }
0xb: {  	[smem:$0x3FA7] =	sst s3  }
0xc: {  	[smem:$0x3FA8] =	sst s4  }
0xd: {  	[smem:$0x3FA9] =	sst s5  }
0xe: {  	[smem:$0x3FAA] =	sst s6  }
0xf: {  	[smem:$0x3FAB] =	sst s7  }
0x10: {  	[smem:$0x3FAC] =	sst s8  }
0x11: {  	[smem:$0x3FAD] =	sst s9;
	s0 =	simm.s32 @!p0 $0x0  }
0x12: {  	s1 =	sld [smem:$0x3F93];
	s0 =	simm.s32 @p0 $0x1  }
0x13: {  	[smem:$0x3FAE] =	sst s0;
	s0 =	simm.s32 @!p1 $0x0  }
0x14: {  	s2 =	sld [smem:$0x3F92];
	s0 =	simm.s32 @p1 $0x1  }
0x15: {  	[smem:$0x3FAF] =	sst s0;
	s0 =	simm.s32 @!p2 $0x0  }
0x16: {  	s3 =	sld [smem:$0x3FDB];
	s0 =	simm.s32 @p2 $0x1  }
0x17: {  	s4 =	simm.s32 $0x1BF5;
	[smem:$0x3FB1] =	sst s0  }
0x18: {  	s0 =	sld [smem:$0x3F94];
	_ =	swait.ge [sflag:s4], $0x0  }
0x19: {  	s7 =	sld [smem:$0x3F95]  }
0x1a: {  	s8 =	sadd.s32 $0xFFFFE003, lr  }
0x1b: {  	s9 =	sadd.s32 $0xFFFFFEF7, lr;
	s5 =	simm.s32 $0xFFFFFFFF;
	p2 =	slt.u32 s8, $0xFFFFF086  }
0x1c: {  	p1 =	slt.u32 s9, $0xF7A;
	s5 =	simm.s32 @!p2 $0x0  }
0x1d: {  	s5 =	simm.s32 @p1 $0x1;
	p0 =	seq.s32 s7, s2  }
0x1e: {  	s7 =	smul.u32 @!p0 $0xF7A, s2;
	p2 =	seq.s32 @!p0 s5, $0x0  }
0x1f: {  	s9 =	smul.u32 $0xF7A, s1;
	s8 =	simm.s32 @!p0 $0x1BF5;
	p2 =	por !p2, p0  }
0x20: {  	[sflag:s8] =	ssyncset.s32 @!p0 $0xFFFFF086;
	s6 =	sadd.s32 @!p0 s3, s7;
	s7 =	simm.s32 @!p0 $0x108  }
0x21: {  	s3 =	sadd.s32 s3, s9;
	s6 =	sadd.s32 @!p0 $0x88, s6;
	s7 =	simm.s32 @p2 $0x1082  }
0x22: {  	[simem:s7], [sflag:s8] =	dma.local @!p0 [hbm:s6], $0xF7A  }
0x23: {  	s9 =	sor.u32 $0xD0000000, s2;
	s6 =	simm.s32 $0x108;
	_ =	swait.ge @!p0 [sflag:s8], $0x0  }
0x24: {  	s3 =	sadd.s32 $0x88, s3;
	s6 =	simm.s32 @!p1 $0x1082;
	[sflag:s4] =	ssyncset.s32 $0xFFFFF086  }
0x25: {  	[simem:s6], [sflag:s4] =	dma.local [hbm:s3], $0xF7A  }
0x26: {  	[smem:$0x3F95] =	sst s1;
	(tag) =	ssettag s2;
	_ =	strace s9  }
0x27: {  	s1 =	sld [smem:$0x3FA5]  }
0x28: {  	s2 =	sld [smem:$0x3FA6]  }
0x29: {  	s4 =	sld [smem:$0x3FA8]  }
0x2a: {  	p0 =	seq.s32 s5, $0x0;
	s5 =	sld [smem:$0x3FA9]  }
0x2b: {  	s6 =	sld [smem:$0x3FAA]  }
0x2c: {  	s7 =	sld [smem:$0x3FAB]  }
0x2d: {  	s3 =	simm.s32 $0x108;
	s8 =	sld [smem:$0x3FAC]  }
0x2e: {  	s3 =	simm.s32 @!p0 $0x1082;
	s9 =	sld [smem:$0x3FAD]  }
0x2f: {  	lr =	sadd.s32 s0, s3;
	s0 =	sld [smem:$0x3FA4]  }
0x30: {  	s3 =	sld [smem:$0x3FA7]  }
0x31: {  	[smem:$0x3FB0] =	sst s10  }
0x32: {  	s10 =	sld [smem:$0x3FAE];
	_ =	sdelay $0x3  }
0x33: {  	p0 =	seq.s32 s10, $0x1;
	s10 =	sld [smem:$0x3FB0];
	_ =	sdelay $0x3  }
0x34: {  	[smem:$0x3FB0] =	sst s10  }
0x35: {  	s10 =	sld [smem:$0x3FAF];
	_ =	sdelay $0x3  }
0x36: {  	p1 =	seq.s32 s10, $0x1;
	s10 =	sld [smem:$0x3FB0];
	_ =	sdelay $0x3  }
0x37: {  	[smem:$0x3FB0] =	sst s10  }
0x38: {  	s10 =	sld [smem:$0x3FB1]  }
0x39: {  	_ = 	snop;
	(pc) =	sbr.ind lr, $3  }
0x3a: {  	_ = 	snop  }
0x3b: {  	_ = 	snop  }
0x3c: {  	p2 =	seq.s32 s10, $0x1;
	s10 =	sld [smem:$0x3FB0]  }
0x3d: {  	_ =	shalt  }
0x3e: {  	_ =	shalt  }
0x3f: {  	_ =	shalt  }
0x40: {  	_ =	shalt  }
0x41: {  	_ =	shalt  }
0x42: {  	_ =	shalt  }
0x43: {  	_ =	shalt  }
0x44: {  	_ =	shalt  }
0x45: {  	_ =	shalt  }
0x46: {  	_ =	shalt  }
0x47: {  	_ =	shalt  }
0x48: {  	_ =	shalt  }
0x49: {  	_ =	shalt  }
0x4a: {  	_ =	shalt  }
0x4b: {  	_ =	shalt  }
0x4c: {  	_ =	shalt  }
0x4d: {  	_ =	shalt  }
0x4e: {  	_ =	shalt  }
0x4f: {  	_ =	shalt  }
0x50: {  	_ =	shalt  }
0x51: {  	_ =	shalt  }
0x52: {  	_ =	shalt  }
0x53: {  	_ =	shalt  }
0x54: {  	_ =	shalt  }
0x55: {  	_ =	shalt  }
0x56: {  	_ =	shalt  }
0x57: {  	_ =	shalt  }
0x58: {  	_ =	shalt  }
0x59: {  	_ =	shalt  }
0x5a: {  	_ =	shalt  }
0x5b: {  	_ =	shalt  }
0x5c: {  	_ =	shalt  }
0x5d: {  	_ =	shalt  }
0x5e: {  	_ =	shalt  }
0x5f: {  	_ =	shalt  }
0x60: {  	_ =	shalt  }
0x61: {  	_ =	shalt  }
0x62: {  	_ =	shalt  }
0x63: {  	_ =	shalt  }
0x64: {  	_ =	shalt  }
0x65: {  	_ =	shalt  }
0x66: {  	_ =	shalt  }
0x67: {  	_ =	shalt  }
0x68: {  	_ =	shalt  }
0x69: {  	_ =	shalt  }
0x6a: {  	_ =	shalt  }
0x6b: {  	_ =	shalt  }
0x6c: {  	_ =	shalt  }
0x6d: {  	_ =	shalt  }
0x6e: {  	_ =	shalt  }
0x6f: {  	_ =	shalt  }
0x70: {  	_ =	shalt  }
0x71: {  	_ =	shalt  }
0x72: {  	_ =	shalt  }
0x73: {  	_ =	shalt  }
0x74: {  	_ =	shalt  }
0x75: {  	_ =	shalt  }
0x76: {  	_ =	shalt  }
0x77: {  	_ =	shalt  }
0x78: {  	_ =	shalt  }
0x79: {  	_ =	shalt  }
0x7a: {  	_ =	shalt  }
0x7b: {  	_ =	shalt  }
0x7c: {  	_ =	shalt  }
0x7d: {  	_ =	shalt  }
0x7e: {  	_ =	shalt  }
0x7f: {  	_ =	shalt  }
0x80: {  	_ =	shalt  }
0x81: {  	_ =	shalt  }
0x82: {  	_ =	shalt  }
0x83: {  	_ =	shalt  }
0x84: {  	_ =	shalt  }
0x85: {  	_ =	shalt  }
0x86: {  	_ =	shalt  }
0x87: {  	_ =	shalt  }
.Lfunc_end0:
.L_simem_size_0:
called_computation.3_lowered:
.L_overlay_start_0:
0x88: {  	s2 =	sld [smem:$0x3FD9]  }
0x89: {  	s3 =	sld [smem:$0x3FFE];
	_ =	sdelay $0x1  }
0x8a: {  	s1 =	srdreg.scid  }
0x8b: {  	s0 =	sand.u32 $0x1, s1  }
0x8c: {  	s17 =	sshll.u32 s0, $0xA;
	s2 =	sadd.s32 s3, s2  }
0x8d: {  	s2 =	sadd.s32 s2, s17  }
0x8e: {  	[smem:$0x3FBC] =	sst s2  }
0x8f: {  	_ = 	snop  }
0x90: {  	s2 =	sld [smem:$0x3FD0];
	(tm) =	ssettm $0x1  }
0x91: {  	s18 =	sld [smem:$0x3FFB];
	_ =	sdelay $0x3  }
0x92: {  	_ =	strace s18  }
0x93: {  	s3 =	sld [smem:$0x3FFC];
	_ =	sdelay $0x3  }
0x94: {  	_ =	strace s3  }
0x95: {  	s3 =	sld [smem:$0x3FFD];
	_ =	sdelay $0x3  }
0x96: {  	_ =	strace s3  }
0x97: {  	_ =	strace $0x8FFFFFFF  }
0x98: {  	s19 =	sld [smem:$0x3FDB];
	_ =	sdelay $0x1  }
0x99: {  	s4 =	simm.s32 $_scs_section_size  }
0x9a: {  	s5 =	simm.s32 $_size__tile_overlayer_lowered;
	s6 =	simm.s32 $_tile_overlayer_lowered  }
0x9b: {  	s22 =	simm.s32 $0x1BFF;
	s21 =	sshll.u32 s6, $0x1;
	s3 =	sadd.s32 s4, s19  }
0x9c: {  	s7 =	simm.s32 $0x0;
	s20 =	sshll.u32 s5, $0x1;
	s5 =	sadd.s32 s21, s3  }
0x9d: {  	[timem:s7], [sflag:s22] =	dma.local [hbm:s5], s20  }
0x9e: {  	_ =	swait.ge [sflag:s22], s20  }
0x9f: {  	s4 =	ssub.s32 $0x0, s20;
	[sflag:s22] =	ssyncset.done $0x0  }
0xa0: {  	[sflag:s22] =	ssyncadd.s32 s4;
	_ =	sdelay $0x1  }
0xa1: {  	s23 =	simm.s32 $0x1B8B  }
0xa2: {  	_ =	swait.ge [sflag:s23], $0x1  }
0xa3: {  	[sflag:s23] =	ssyncset.done $0x0  }
0xa4: {  	s25 =	simm.s32 $0x1B8E;
	s24 =	sld [smem:$0x3FFE];
	[sflag:s23] =	ssyncadd.s32 $0xFFFFFFFF  }
0xa5: {  	s26 =	simm.s32 $execute0_lowered;
	[smem:$0x3FD2] =	sst s25  }
0xa6: {  	s5 =	sshll.u32 s26, $0x1;
	_ =	strace $0x8000004F;
	[dreg:$0x1] =	wrdreg $0xFFFFFFFF  }
0xa7: {  	s28 =	simm.s32 $_size_execute0_lowered;
	s3 =	sadd.s32 s3, s5;
	[dreg:$0x0] =	wrdreg $0x0  }
0xa8: {  	s5 =	sshll.u32 s28, $0x1;
	[dreg:$0x2] =	wrdreg s3  }
0xa9: {  	[dreg:$0x3] =	wrdreg s5  }
0xaa: {  	[dreg:$0x4] =	wrdreg $0xC0  }
0xab: {  	_ =	task [dreg:s7], $0x5FFFF  }
0xac: {  	[dreg:$0x1] =	wrdreg $0xFFFFFFFF  }
0xad: {  	[dreg:$0x0] =	wrdreg $0x60  }
0xae: {  	[dreg:$0x2] =	wrdreg s24  }
0xaf: {  	[dreg:$0x3] =	wrdreg s2  }
0xb0: {  	[dreg:$0x4] =	wrdreg $0xA4000  }
0xb1: {  	[dreg:$0x5] =	wrdreg $0x9  }
0xb2: {  	_ =	task.clear_ibuf [dreg:s7], $0x6FFFF;
	_ =	strace $0x9000004F  }
0xb3: {  	s29 =	simm.s32 $0x9;
	_ =	strace $0x80000051  }
0xb4: {  	_ =	swait.ge [sflag:s29], $0x1  }
0xb5: {  	[sflag:s29] =	ssyncadd.s32 $0xFFFFFFFF  }
0xb6: {  	_ =	strace $0x90000051  }
0xb7: {  	_ =	sfence  }
0xb8: {  	s30 =	sld [smem:$0x0];
	_ =	sdelay $0x2  }
0xb9: {  	s31 =	sshll.u32 s1, $0xD;
	s1 =	sshrl.u32 s1, $0x2  }
0xba: {  	s3 =	sand.u32 $0x4000, s31;
	s1 =	sadd.s32 s1, s30  }
0xbb: {  	s0 =	sor.u32 s3, s0;
	s1 =	sshll.u32 s1, $0x11  }
0xbc: {  	s0 =	sor.u32 s1, s0  }
0xbd: {  	s0 =	sadd.s32 $0x8F2B, s0  }
0xbe: {  	[sflag:s0] =	ssyncadd.remote.s32 $0x1  }
0xbf: {  	_ =	sfence.sel $0xFFFF  }
0xc0: {  	[dreg:$0x0] =	wrdreg $0xFFFFFFFF;
	(pc) =	sbr.abs _section_cstart, $3  }
0xc1: {  	[dreg:$0x1] =	wrdreg $0xFFFFFFFF  }
0xc2: {  	_ =	task.clear_ibuf [dreg:s7], $0x2FFFF;
	_ =	strace $0x9FFFFFFF  }
0xc3: {  	(tm) =	ssettm $0x7FFFFFFF  }
tec
execute0_lowered:
.L_overlay_start_1:
0x0: {  	(tag) =	ssettag $0x1  }
0x1: {  	s0 =	rddreg [dreg:$0x0]  }
0x2: {  	s7 =	rddreg [dreg:$0x1]  }
0x3: {  	s1 =	rddreg [dreg:$0x2];
	s2 =	simm.s32 $0x0  }
0x4: {  	s6 =	srdreg.scid;
	s8 =	stileid.u32;
	s28 =	simm.s32 $0x9  }
0x5: {  	s29 =	simm.s32 $0x50;
	[smem:$0x7FF] =	sst s2;
	s3 =	sadd.s32 $0x2AA00, s0  }
0x6: {  	s4 =	sadd.s32 $0x16E00, s0;
	s5 =	sadd.s32 $0x20C00, s0;
	s9 =	sand.u32 $0x1, s6  }
0x7: {  	s0 =	sadd.s32 $0x51C00, s0;
	s10 =	smul.u32 $0x4E000, s8;
	s12 =	sshll.u32 s8, $0x1  }
0x8: {  	s13 =	smul.u32 $0x13800, s8;
	s14 =	sshll.u32 s8, $0x6;
	s19 =	sadd.s32 $0x138000, s1  }
0x9: {  	s23 =	smul.u32 $0x4E20, s8;
	p0 =	sne.s32 s8, $0x0;
	s8 =	simm.s32 $0xA300  }
0xa: {  	_ =	strace $0x80000050;
	s6 =	ssub.s32 $0x2, s9;
	s16 =	sor.u32 s9, s12  }
0xb: {  	s14 =	sor.u32 $0x1C0D, s14;
	[dreg:$0x7] =	wrdreg s19;
	s21 =	smul.u32 $0x138800, s9  }
0xc: {  	s9 =	smul.u32 $0x2710, s9;
	s19 =	simm.s32 $0x3;
	s11 =	sshrl.u32 s6, $0x1  }
0xd: {  	s10 =	sshrl.u32 s10, $0x2;
	s17 =	sshrl.u32 s13, $0x3;
	[dreg:$0x6] =	wrdreg s14  }
0xe: {  	s11 =	ssub.s32 s6, s11;
	s6 =	smul.u32 $0x2710, s16;
	s10 =	sadd.s32 s10, s1  }
0xf: {  	s18 =	sadd.s32 s7, s17;
	s7 =	sadd.s32 $0x27000, s7;
	[dreg:$0x4] =	wrdreg s10  }
0x10: {  	s25 =	sadd.s32 s13, s21;
	s12 =	sshrl.u32 s21, $0x3;
	[dreg:$0x5] =	wrdreg s18  }
0x11: {  	s17 =	simm.s32 $0xD;
	s13 =	simm.s32 $0xA180;
	[dreg:$0x8] =	wrdreg s7  }
0x12: {  	s7 =	sadd.s32 s9, s23;
	s30 =	smax.u32 s11, $0x1;
	s11 =	simm.s32 $0xB  }
0x13: {  	s18 =	simm.s32 $0x5;
	s23 =	simm.s32 $0x0;
	[dreg:$0xd] =	wrdreg s7  }
0x14: {  	s20 =	sshrl.u32 s6, $0x3;
	s7 =	sadd.s32 $0x190, s7;
	[dreg:$0x10] =	wrdreg s30  }
0x15: {  	s22 =	sadd.s32 s4, s20;
	s15 =	sadd.s32 s5, s20;
	s10 =	sadd.s32 $0xA, s20  }
0x16: {  	s31 =	sshrl.u32 s7, $0x3;
	s7 =	simm.s32 $0xA100;
	[dreg:$0x9] =	wrdreg s22  }
0x17: {  	[dreg:$0xa] =	wrdreg s15;
	s24 =	sadd.s32 s4, s10;
	s10 =	sadd.s32 s5, s10  }
0x18: {  	s20 =	sadd.s32 s31, s5;
	s21 =	sadd.s32 s31, s4;
	s15 =	simm.s32 $0xC  }
.Ltmp0:
0x19: {  	s22 =	simm.s32 $0x8;
	[dreg:$0xb] =	wrdreg s24;
	(pc) =	sbr.rel .LBB2_1-.Ltmp0, $4  }
0x1a: {  	[dreg:$0xc] =	wrdreg s10;
	s10 =	sshrl.u32 s25, $0x3;
	s24 =	simm.s32 $0xA200  }
0x1b: {  	s25 =	simm.s32 $0x6;
	s26 =	sadd.s32 s0, s10;
	s0 =	sadd.s32 s0, s12  }
0x1c: {  	s10 =	simm.s32 $0x1;
	[dreg:$0xe] =	wrdreg s26;
	s0 =	sadd.s32 $0x27000, s0  }
0x1d: {  	s12 =	simm.s32 $0x5000;
	[dreg:$0xf] =	wrdreg s0;
	s0 =	simm.s32 $0x2  }
.LBB2_14:
0x1e: {  	_ =	swait.ge [sflag:s19], $0x2800  }
0x1f: {  	[sflag:s19] =	ssyncset.done $0x0  }
0x20: {  	[sflag:s19] =	ssyncadd.s32 $0xFFFFD800  }
0x21: {  	[spmem:s1] =	stream.indirect.scatter.add.f32 [tilespmem:s12], [sflag:$0x7], $0x80, s8, s29, $0xb8;
	[tilespmem:$0x1DC80] =	vst v63  }
.LBB2_12:
0x22: {  	_ =	swait.ge [sflag:s22], $0x2800  }
0x23: {  	[sflag:s22] =	ssyncset.done $0x0  }
0x24: {  	[sflag:s22] =	ssyncadd.s32 $0xFFFFD800  }
0x25: {  	_ =	swait.ge [sflag:s18], $0x2800  }
0x26: {  	[sflag:s18] =	ssyncset.done $0x0  }
0x27: {  	[sflag:s18] =	ssyncadd.s32 $0xFFFFD800  }
0x28: {  	[bflag:$0x0] =	sbarrier.arrive $0xFFFF  }
0x29: {  	s14 =	rddreg [dreg:$0x6]  }
0x2a: {  	s9 =	rddreg [dreg:$0xe]  }
0x2b: {  	s17 =	simm.s32 $0xD;
	s16 =	rddreg [dreg:$0x12]  }
0x2c: {  	[hbm:s9], [sflag:s14] =	dma.local [spmem:s16], $0x2700  }
0x2d: {  	_ =	swait.ge [sflag:s17], $0x2700  }
0x2e: {  	[sflag:s17] =	ssyncset.done $0x0;
	s9 =	rddreg [dreg:$0xf]  }
0x2f: {  	s16 =	rddreg [dreg:$0x13];
	[sflag:s17] =	ssyncadd.s32 $0xFFFFD900  }
0x30: {  	[hbm:s9], [sflag:s14] =	dma.local @!p0 [spmem:s16], $0x100  }
0x31: {  	s9 =	simm.s32 @!p0 $0xD  }
0x32: {  	_ =	swait.ge @!p0 [sflag:s9], $0x100  }
0x33: {  	s23 =	rddreg [dreg:$0x11]  }
0x34: {  	s31 =	rddreg [dreg:$0x10];
	s23 =	sadd.s32 $0x1, s23  }
0x35: {  	p1 =	sne.s32 s23, s31  }
.Ltmp1:
0x36: {  	_ = 	snop;
	(pc) =	sbr.rel @!p1 .LBB2_13-.Ltmp1, $3  }
0x37: {  	_ =	sdelay $0x1  }
0x38: {  	[sflag:s9] =	ssyncset.done @!p0 $0x0  }
0x39: {  	[sflag:s9] =	ssyncadd.s32 @!p0 $0xFFFFFF00  }
.LBB2_1:
0x3a: {  	[dreg:$0x11] =	wrdreg s23  }
0x3b: {  	s9 =	rddreg [dreg:$0x4]  }
0x3c: {  	s31 =	rddreg [dreg:$0x5];
	s16 =	sshrl.u32 s9, $0x3  }
0x3d: {  	[dreg:$0x12] =	wrdreg s16  }
0x3e: {  	[spmem:s16], [sflag:s14] =	dma.local [hbm:s31], $0x2700  }
0x3f: {  	_ =	swait.ge [sflag:s17], $0x2700  }
0x40: {  	s9 =	rddreg [dreg:$0x7]  }
0x41: {  	[sflag:s17] =	ssyncset.done $0x0;
	s16 =	sshrl.u32 @!p0 s9, $0x3;
	s9 =	rddreg [dreg:$0x8]  }
0x42: {  	[sflag:s17] =	ssyncadd.s32 $0xFFFFD900;
	[dreg:$0x13] =	wrdreg s16  }
0x43: {  	[spmem:s16], [sflag:s14] =	dma.local @!p0 [hbm:s9], $0x100  }
0x44: {  	s9 =	simm.s32 @!p0 $0xD  }
0x45: {  	_ =	swait.ge @!p0 [sflag:s9], $0x100  }
0x46: {  	[sflag:s9] =	ssyncset.done @!p0 $0x0  }
0x47: {  	[sflag:s9] =	ssyncadd.s32 @!p0 $0xFFFFFF00  }
0x48: {  	[bflag:$0x0] =	sbarrier.arrive $0xFFFF  }
0x49: {  	s14 =	simm.s32 $0xA000;
	s23 =	rddreg [dreg:$0x9]  }
0x4a: {  	[tilespmem:s14], [sflag:$0x9] =	stream.linear.gather [hbm4b:s23+s2], $0x50, $0x38;
	[tilespmem:$0x1DC80] =	vst v63  }
0x4b: {  	s26 =	rddreg [dreg:$0xa]  }
0x4c: {  	[tilespmem:s24], [sflag:$0x9] =	stream.linear.gather [hbm4b:s26+s2], $0x50, $0x38;
	[tilespmem:$0x1DC80] =	vst v63  }
0x4d: {  	s16 =	simm.s32 $0xA080;
	s31 =	rddreg [dreg:$0xb]  }
0x4e: {  	[tilespmem:s16], [sflag:$0xA] =	stream.linear.gather [hbm4b:s31+s2], $0x50, $0x38;
	[tilespmem:$0x1DC80] =	vst v63  }
0x4f: {  	s17 =	rddreg [dreg:$0xc];
	s23 =	simm.s32 $0xA280  }
0x50: {  	[tilespmem:s23], [sflag:$0xA] =	stream.linear.gather [hbm4b:s17+s2], $0x50, $0x38;
	[tilespmem:$0x1DC80] =	vst v63  }
0x51: {  	_ =	swait.ge [sflag:s28], $0x50  }
0x52: {  	[sflag:s28] =	ssyncset.done $0x0  }
0x53: {  	[sflag:s28] =	ssyncadd.s32 $0xFFFFFFB0  }
0x54: {  	_ =	swait.ge [sflag:s28], $0x50  }
0x55: {  	[sflag:s28] =	ssyncset.done $0x0  }
0x56: {  	s26 =	simm.s32 $0xA;
	[sflag:s28] =	ssyncadd.s32 $0xFFFFFFB0  }
0x57: {  	[tilespmem:s2], [sflag:$0x1] =	stream.indirect.gather [hbm4b:s3+s29], $0x80, s14, s29, $0xb8;
	[tilespmem:$0x1DC80] =	vst v63  }
0x58: {  	_ =	swait.ge [sflag:s26], $0x50  }
0x59: {  	[sflag:s26] =	ssyncset.done $0x0  }
0x5a: {  	[sflag:s26] =	ssyncadd.s32 $0xFFFFFFB0  }
.Ltmp2:
0x5b: {  	_ =	swait.ge [sflag:s26], $0x50;
	(pc) =	sbr.rel .LBB2_2-.Ltmp2, $4  }
0x5c: {  	[sflag:s26] =	ssyncset.done $0x0  }
0x5d: {  	s30 =	simm.s32 $0x2;
	s31 =	simm.s32 $0x2800;
	[sflag:s26] =	ssyncadd.s32 $0xFFFFFFB0  }
0x5e: {  	[tilespmem:s31], [sflag:$0x2] =	stream.indirect.gather [hbm4b:s3+s29], $0x80, s16, s29, $0xb8;
	[tilespmem:$0x1DC80] =	vst v63  }
0x5f: {  	s9 =	simm.s32 $0x140;
	s14 =	simm.s32 $0x0;
	s16 =	simm.s32 $0x0  }
.LBB2_10:
0x60: {  	_ =	swait.ge [sflag:s25], $0x2800  }
0x61: {  	p1 =	sgt.u32 s14, $0x1D;
	[sflag:s25] =	ssyncset.done $0x0  }
0x62: {  	s17 =	simm.s32 @p1 $0x4;
	[sflag:s25] =	ssyncadd.s32 $0xFFFFD800  }
0x63: {  	_ =	swait.ge @p1 [sflag:s17], $0x2800  }
0x64: {  	s26 =	simm.s32 @p1 $0xA380;
	[sflag:s17] =	ssyncset.done @p1 $0x0  }
0x65: {  	s23 =	simm.s32 @p1 $0x7800;
	[sflag:s17] =	ssyncadd.s32 @p1 $0xFFFFD800;
	s17 =	simm.s32 @p1 $0x50  }
0x66: {  	[spmem:s1] =	stream.indirect.scatter.add.f32 @p1 [tilespmem:s23], [sflag:$0x8], $0x80, s26, s17, $0xb8;
	[tilespmem:$0x1DC80] =	vst v63  }
0x67: {  	s17 =	sadd.s32 @!p1 s16, s21;
	s23 =	simm.s32 @!p1 $0x0;
	s26 =	simm.s32 @!p1 $0xA080  }
0x68: {  	[tilespmem:s26], [sflag:$0xA] =	stream.linear.gather @!p1 [hbm4b:s17+s23], $0x50, $0x38;
	[tilespmem:$0x1DC80] =	vst v63  }
0x69: {  	s31 =	simm.s32 @!p1 $0xA280;
	s17 =	sadd.s32 @!p1 s16, s20  }
0x6a: {  	[tilespmem:s31], [sflag:$0xA] =	stream.linear.gather @!p1 [hbm4b:s17+s23], $0x50, $0x38;
	[tilespmem:$0x1DC80] =	vst v63  }
0x6b: {  	s17 =	simm.s32 @!p1 $0x4  }
0x6c: {  	_ =	swait.ge @!p1 [sflag:s17], $0x2800  }
0x6d: {  	s23 =	simm.s32 @!p1 $0xA380;
	[sflag:s17] =	ssyncset.done @!p1 $0x0  }
0x6e: {  	s31 =	simm.s32 @!p1 $0x7800;
	[sflag:s17] =	ssyncadd.s32 @!p1 $0xFFFFD800;
	s17 =	simm.s32 @!p1 $0x50  }
0x6f: {  	[spmem:s1] =	stream.indirect.scatter.add.f32 @!p1 [tilespmem:s31], [sflag:$0x8], $0x80, s23, s17, $0xb8;
	[tilespmem:$0x1DC80] =	vst v63  }
0x70: {  	s23 =	simm.s32 @!p1 $0xA  }
0x71: {  	_ =	swait.ge @!p1 [sflag:s23], $0x50  }
0x72: {  	[sflag:s23] =	ssyncset.done @!p1 $0x0  }
0x73: {  	[sflag:s23] =	ssyncadd.s32 @!p1 $0xFFFFFFB0  }
0x74: {  	_ =	swait.ge @!p1 [sflag:s23], $0x50  }
0x75: {  	[sflag:s23] =	ssyncset.done @!p1 $0x0  }
0x76: {  	[sflag:s23] =	ssyncadd.s32 @!p1 $0xFFFFFFB0;
	s23 =	simm.s32 @!p1 $0x2800  }
0x77: {  	[tilespmem:s23], [sflag:$0x2] =	stream.indirect.gather @!p1 [hbm4b:s3+s17], $0x80, s26, s17, $0xb8;
	[tilespmem:$0x1DC80] =	vst v63  }
.LBB2_11:
0x78: {  	s16 =	sadd.s32 $0x28, s16  }
0x79: {  	p1 =	sne.s32 s16, $0x500  }
.Ltmp3:
0x7a: {  	_ = 	snop;
	(pc) =	sbr.rel @!p1 .LBB2_12-.Ltmp3, $2  }
0x7b: {  	_ =	sdelay $0x2  }
0x7c: {  	s14 =	sadd.s32 $0x1, s14;
	s9 =	sadd.s32 $0x140, s9;
	s30 =	sadd.s32 $0x4, s30  }
.LBB2_2:
0x7d: {  	p2 =	seq.s32 s16, $0x0  }
0x7e: {  	p1 =	sgt.u32 @!p2 s30, $0x7C  }
0x7f: {  	p1 =	por p2, !p1  }
.Ltmp4:
0x80: {  	_ = 	snop;
	(pc) =	sbr.rel @!p1 .LBB2_5-.Ltmp4, $4  }
0x81: {  	s26 =	simm.s32 @!p2 $0x7  }
0x82: {  	_ =	swait.ge @!p2 [sflag:s26], $0x2800  }
0x83: {  	[sflag:s26] =	ssyncset.done @!p2 $0x0  }
0x84: {  	[sflag:s26] =	ssyncadd.s32 @!p2 $0xFFFFD800  }
0x85: {  	s26 =	smov.u32 s30  }
0x86: {  	s26 =	simm.s32 @p2 $0x2  }
0x87: {  	s26 =	smul.u32 $0x50, s26;
	_ =	sdelay $0x1  }
0x88: {  	s26 =	sadd.s32 s6, s26  }
0x89: {  	s26 =	sshrl.u32 s26, $0x3  }
0x8a: {  	s17 =	sadd.s32 s4, s26  }
0x8b: {  	[tilespmem:s7], [sflag:$0xB] =	stream.linear.gather [hbm4b:s17+s2], $0x50, $0x38;
	[tilespmem:$0x1DC80] =	vst v63  }
0x8c: {  	s31 =	sadd.s32 s5, s26  }
0x8d: {  	[tilespmem:s8], [sflag:$0xB] =	stream.linear.gather [hbm4b:s31+s2], $0x50, $0x38;
	[tilespmem:$0x1DC80] =	vst v63  }
0x8e: {  	_ =	swait.ge [sflag:s10], $0x2800  }
0x8f: {  	[sflag:s10] =	ssyncset.done $0x0  }
0x90: {  	[sflag:s10] =	ssyncadd.s32 $0xFFFFD800  }
0x91: {  	[spmem:s1] =	stream.indirect.scatter.add.f32 [tilespmem:s2], [sflag:$0x5], $0x80, s24, s29, $0xb8;
	[tilespmem:$0x1DC80] =	vst v63  }
0x92: {  	_ =	swait.ge [sflag:s11], $0x50  }
0x93: {  	[sflag:s11] =	ssyncset.done $0x0  }
.Ltmp5:
0x94: {  	[sflag:s11] =	ssyncadd.s32 $0xFFFFFFB0;
	(pc) =	sbr.rel @!p2 .LBB2_6-.Ltmp5, $4  }
0x95: {  	_ =	swait.ge [sflag:s11], $0x50  }
0x96: {  	[sflag:s11] =	ssyncset.done $0x0  }
0x97: {  	p1 =	por $0x1, $0x1;
	[sflag:s11] =	ssyncadd.s32 $0xFFFFFFB0  }
0x98: {  	[tilespmem:s12], [sflag:$0x3] =	stream.indirect.gather [hbm4b:s3+s29], $0x80, s7, s29, $0xb8;
	[tilespmem:$0x1DC80] =	vst v63  }
.Ltmp6:
0x99: {  	(pc) =	sbr.rel .LBB2_7-.Ltmp6, $2  }
0x9a: {  	_ =	sdelay $0x2  }
0x9b: {  	s26 =	simm.s32 $0xF0  }
.LBB2_5:
0x9c: {  	p2 =	sgt.u32 s14, $0x1E  }
.Ltmp7:
0x9d: {  	_ = 	snop;
	(pc) =	sbr.rel @p2 .LBB2_11-.Ltmp7, $4  }
0x9e: {  	_ =	swait.ge [sflag:s10], $0x2800  }
0x9f: {  	[sflag:s10] =	ssyncset.done $0x0  }
0xa0: {  	p1 =	por $0x0, $0x0;
	[sflag:s10] =	ssyncadd.s32 $0xFFFFD800  }
0xa1: {  	[spmem:s1] =	stream.indirect.scatter.add.f32 [tilespmem:s2], [sflag:$0x5], $0x80, s24, s29, $0xb8;
	[tilespmem:$0x1DC80] =	vst v63  }
.LBB2_6:
0xa2: {  	_ =	swait.ge [sflag:s22], $0x2800  }
0xa3: {  	[sflag:s22] =	ssyncset.done $0x0  }
0xa4: {  	s26 =	sadd.s32 $0xFFFFFFB0, s9;
	[sflag:s22] =	ssyncadd.s32 $0xFFFFD800  }
.LBB2_7:
0xa5: {  	s17 =	sadd.s32 s6, s26  }
0xa6: {  	s17 =	sshrl.u32 s17, $0x3  }
0xa7: {  	s31 =	sadd.s32 s4, s17  }
0xa8: {  	[tilespmem:s13], [sflag:$0xC] =	stream.linear.gather [hbm4b:s31+s2], $0x50, $0x38;
	[tilespmem:$0x1DC80] =	vst v63  }
0xa9: {  	s23 =	simm.s32 $0xA380;
	s17 =	sadd.s32 s5, s17  }
0xaa: {  	[tilespmem:s23], [sflag:$0xC] =	stream.linear.gather [hbm4b:s17+s2], $0x50, $0x38;
	[tilespmem:$0x1DC80] =	vst v63  }
0xab: {  	_ =	swait.ge [sflag:s0], $0x2800  }
0xac: {  	[sflag:s0] =	ssyncset.done $0x0  }
0xad: {  	s26 =	simm.s32 $0x2800;
	s23 =	simm.s32 $0xA280;
	[sflag:s0] =	ssyncadd.s32 $0xFFFFD800  }
0xae: {  	[spmem:s1] =	stream.indirect.scatter.add.f32 [tilespmem:s26], [sflag:$0x6], $0x80, s23, s29, $0xb8;
	[tilespmem:$0x1DC80] =	vst v63  }
0xaf: {  	_ =	swait.ge [sflag:s15], $0x50  }
0xb0: {  	[sflag:s15] =	ssyncset.done $0x0  }
.Ltmp8:
0xb1: {  	[sflag:s15] =	ssyncadd.s32 $0xFFFFFFB0;
	(pc) =	sbr.rel @!p1 .LBB2_10-.Ltmp8, $4  }
0xb2: {  	_ =	swait.ge [sflag:s15], $0x50  }
0xb3: {  	[sflag:s15] =	ssyncset.done $0x0  }
0xb4: {  	s31 =	simm.s32 $0x7800;
	[sflag:s15] =	ssyncadd.s32 $0xFFFFFFB0  }
0xb5: {  	[tilespmem:s31], [sflag:$0x4] =	stream.indirect.gather [hbm4b:s3+s29], $0x80, s13, s29, $0xb8;
	[tilespmem:$0x1DC80] =	vst v63  }
0xb6: {  	p1 =	seq.s32 s16, $0x4D8  }
.Ltmp9:
0xb7: {  	_ = 	snop;
	(pc) =	sbr.rel @p1 .LBB2_14-.Ltmp9, $4  }
0xb8: {  	_ = 	snop  }
0xb9: {  	_ =	swait.ge [sflag:s18], $0x2800  }
0xba: {  	[sflag:s18] =	ssyncset.done $0x0  }
0xbb: {  	[sflag:s18] =	ssyncadd.s32 $0xFFFFD800  }
0xbc: {  	s17 =	rddreg [dreg:$0xd]  }
0xbd: {  	s17 =	sadd.s32 s9, s17  }
0xbe: {  	s17 =	sshrl.u32 s17, $0x3  }
0xbf: {  	s23 =	simm.s32 $0xA000;
	s26 =	sadd.s32 s4, s17  }
0xc0: {  	[tilespmem:s23], [sflag:$0x9] =	stream.linear.gather [hbm4b:s26+s2], $0x50, $0x38;
	[tilespmem:$0x1DC80] =	vst v63  }
0xc1: {  	s17 =	sadd.s32 s5, s17  }
0xc2: {  	[tilespmem:s24], [sflag:$0x9] =	stream.linear.gather [hbm4b:s17+s2], $0x50, $0x38;
	[tilespmem:$0x1DC80] =	vst v63  }
0xc3: {  	_ =	swait.ge [sflag:s19], $0x2800  }
0xc4: {  	[sflag:s19] =	ssyncset.done $0x0  }
0xc5: {  	[sflag:s19] =	ssyncadd.s32 $0xFFFFD800  }
0xc6: {  	[spmem:s1] =	stream.indirect.scatter.add.f32 [tilespmem:s12], [sflag:$0x7], $0x80, s8, s29, $0xb8;
	[tilespmem:$0x1DC80] =	vst v63  }
0xc7: {  	_ =	swait.ge [sflag:s28], $0x50  }
0xc8: {  	[sflag:s28] =	ssyncset.done $0x0  }
.Ltmp10:
0xc9: {  	[sflag:s28] =	ssyncadd.s32 $0xFFFFFFB0;
	(pc) =	sbr.rel .LBB2_10-.Ltmp10, $4  }
0xca: {  	_ =	swait.ge [sflag:s28], $0x50  }
0xcb: {  	[sflag:s28] =	ssyncset.done $0x0  }
0xcc: {  	[sflag:s28] =	ssyncadd.s32 $0xFFFFFFB0  }
0xcd: {  	[tilespmem:s2], [sflag:$0x1] =	stream.indirect.gather [hbm4b:s3+s29], $0x80, s23, s29, $0xb8;
	[tilespmem:$0x1DC80] =	vst v63  }
.LBB2_13:
0xce: {  	_ =	sfence.sel $0x180000  }
0xcf: {  	[bflag:$0x0] =	sbarrier.arrive $0xFFFF  }
0xd0: {  	_ =	strace $0x90000050  }
0xd1: {  	[bflag:$0x2] =	sbarrier.arrive $0xFFFF  }
0xd2: {  	s0 =	rddreg [dreg:$0x3]  }
0xd3: {  	s0 =	sadd.s32 @!p0 $0x100000, s0  }
0xd4: {  	[sflag:s0] =	ssyncadd.tile.s32 @!p0 $0x1;
	_ =	shalt  }
.Lfunc_end2:
_tile_overlayer_lowered:
.L_overlay_start_2:
0xd5: {  	(tag) =	ssettag $0x2  }
0xd6: {  	s0 =	rddreg [dreg:$0x0];
	s2 =	stileid.u32  }
0xd7: {  	s1 =	rddreg [dreg:$0x1];
	p0 =	sne.s32 s2, $0x0  }
0xd8: {  	s3 =	rddreg [dreg:$0x2];
	[bflag:$0x3] =	sbarrier.arrive $0xFFFF;
	s2 =	simm.s32 @!p0 $0x1C0D  }
0xd9: {  	[timem:s3], [sflag:s2] =	dma.local @!p0 [hbm:s0], s1  }
0xda: {  	s0 =	simm.s32 @!p0 $0xD  }
0xdb: {  	_ =	swait.ge @!p0 [sflag:s0], s1  }
0xdc: {  	s1 =	ssub.s32 @!p0 $0x0, s1;
	[sflag:s0] =	ssyncset.done @!p0 $0x0  }
0xdd: {  	[sflag:s0] =	ssyncadd.s32 @!p0 s1  }
0xde: {  	[bflag:$0x3] =	sbarrier.arrive $0xFFFF  }
0xdf: {  	_ =	shalt  }

// kernel: kernel.9.cloned.1.call-start
scs
__scs_entry_jumppad:
0x0: {  	(pc) =	sbr.rel $0x88, $3  }
0x1: {  	(tag) =	ssettag $0x0;
	lr =	simm.s32 $0x1  }
0x2: {  	[smem:$0x3F95] =	sst lr;
	_ =	strace $0xD0000000  }
0x3: {  	_ = 	snop  }
0x4: {  	_ = 	snop  }
0x5: {  	_ = 	snop  }
0x6: {  	_ = 	snop  }
0x7: {  	_ = 	snop  }
__scs_overlays_trampoline_lowered:
0x8: {  	[smem:$0x3FA4] =	sst s0  }
0x9: {  	[smem:$0x3FA5] =	sst s1  }
0xa: {  	[smem:$0x3FA6] =	sst s2  }
0xb: {  	[smem:$0x3FA7] =	sst s3  }
0xc: {  	[smem:$0x3FA8] =	sst s4  }
0xd: {  	[smem:$0x3FA9] =	sst s5  }
0xe: {  	[smem:$0x3FAA] =	sst s6  }
0xf: {  	[smem:$0x3FAB] =	sst s7  }
0x10: {  	[smem:$0x3FAC] =	sst s8  }
0x11: {  	[smem:$0x3FAD] =	sst s9;
	s0 =	simm.s32 @!p0 $0x0  }
0x12: {  	s1 =	sld [smem:$0x3F93];
	s0 =	simm.s32 @p0 $0x1  }
0x13: {  	[smem:$0x3FAE] =	sst s0;
	s0 =	simm.s32 @!p1 $0x0  }
0x14: {  	s2 =	sld [smem:$0x3F92];
	s0 =	simm.s32 @p1 $0x1  }
0x15: {  	[smem:$0x3FAF] =	sst s0;
	s0 =	simm.s32 @!p2 $0x0  }
0x16: {  	s3 =	sld [smem:$0x3FDB];
	s0 =	simm.s32 @p2 $0x1  }
0x17: {  	s4 =	simm.s32 $0x1BF5;
	[smem:$0x3FB1] =	sst s0  }
0x18: {  	s0 =	sld [smem:$0x3F94];
	_ =	swait.ge [sflag:s4], $0x0  }
0x19: {  	s7 =	sld [smem:$0x3F95]  }
0x1a: {  	s8 =	sadd.s32 $0xFFFFE003, lr  }
0x1b: {  	s9 =	sadd.s32 $0xFFFFFEF7, lr;
	s5 =	simm.s32 $0xFFFFFFFF;
	p2 =	slt.u32 s8, $0xFFFFF086  }
0x1c: {  	p1 =	slt.u32 s9, $0xF7A;
	s5 =	simm.s32 @!p2 $0x0  }
0x1d: {  	s5 =	simm.s32 @p1 $0x1;
	p0 =	seq.s32 s7, s2  }
0x1e: {  	s7 =	smul.u32 @!p0 $0xF7A, s2;
	p2 =	seq.s32 @!p0 s5, $0x0  }
0x1f: {  	s9 =	smul.u32 $0xF7A, s1;
	s8 =	simm.s32 @!p0 $0x1BF5;
	p2 =	por !p2, p0  }
0x20: {  	[sflag:s8] =	ssyncset.s32 @!p0 $0xFFFFF086;
	s6 =	sadd.s32 @!p0 s3, s7;
	s7 =	simm.s32 @!p0 $0x108  }
0x21: {  	s3 =	sadd.s32 s3, s9;
	s6 =	sadd.s32 @!p0 $0x88, s6;
	s7 =	simm.s32 @p2 $0x1082  }
0x22: {  	[simem:s7], [sflag:s8] =	dma.local @!p0 [hbm:s6], $0xF7A  }
0x23: {  	s9 =	sor.u32 $0xD0000000, s2;
	s6 =	simm.s32 $0x108;
	_ =	swait.ge @!p0 [sflag:s8], $0x0  }
0x24: {  	s3 =	sadd.s32 $0x88, s3;
	s6 =	simm.s32 @!p1 $0x1082;
	[sflag:s4] =	ssyncset.s32 $0xFFFFF086  }
0x25: {  	[simem:s6], [sflag:s4] =	dma.local [hbm:s3], $0xF7A  }
0x26: {  	[smem:$0x3F95] =	sst s1;
	(tag) =	ssettag s2;
	_ =	strace s9  }
0x27: {  	s1 =	sld [smem:$0x3FA5]  }
0x28: {  	s2 =	sld [smem:$0x3FA6]  }
0x29: {  	s4 =	sld [smem:$0x3FA8]  }
0x2a: {  	p0 =	seq.s32 s5, $0x0;
	s5 =	sld [smem:$0x3FA9]  }
0x2b: {  	s6 =	sld [smem:$0x3FAA]  }
0x2c: {  	s7 =	sld [smem:$0x3FAB]  }
0x2d: {  	s3 =	simm.s32 $0x108;
	s8 =	sld [smem:$0x3FAC]  }
0x2e: {  	s3 =	simm.s32 @!p0 $0x1082;
	s9 =	sld [smem:$0x3FAD]  }
0x2f: {  	lr =	sadd.s32 s0, s3;
	s0 =	sld [smem:$0x3FA4]  }
0x30: {  	s3 =	sld [smem:$0x3FA7]  }
0x31: {  	[smem:$0x3FB0] =	sst s10  }
0x32: {  	s10 =	sld [smem:$0x3FAE];
	_ =	sdelay $0x3  }
0x33: {  	p0 =	seq.s32 s10, $0x1;
	s10 =	sld [smem:$0x3FB0];
	_ =	sdelay $0x3  }
0x34: {  	[smem:$0x3FB0] =	sst s10  }
0x35: {  	s10 =	sld [smem:$0x3FAF];
	_ =	sdelay $0x3  }
0x36: {  	p1 =	seq.s32 s10, $0x1;
	s10 =	sld [smem:$0x3FB0];
	_ =	sdelay $0x3  }
0x37: {  	[smem:$0x3FB0] =	sst s10  }
0x38: {  	s10 =	sld [smem:$0x3FB1]  }
0x39: {  	_ = 	snop;
	(pc) =	sbr.ind lr, $3  }
0x3a: {  	_ = 	snop  }
0x3b: {  	_ = 	snop  }
0x3c: {  	p2 =	seq.s32 s10, $0x1;
	s10 =	sld [smem:$0x3FB0]  }
0x3d: {  	_ =	shalt  }
0x3e: {  	_ =	shalt  }
0x3f: {  	_ =	shalt  }
0x40: {  	_ =	shalt  }
0x41: {  	_ =	shalt  }
0x42: {  	_ =	shalt  }
0x43: {  	_ =	shalt  }
0x44: {  	_ =	shalt  }
0x45: {  	_ =	shalt  }
0x46: {  	_ =	shalt  }
0x47: {  	_ =	shalt  }
0x48: {  	_ =	shalt  }
0x49: {  	_ =	shalt  }
0x4a: {  	_ =	shalt  }
0x4b: {  	_ =	shalt  }
0x4c: {  	_ =	shalt  }
0x4d: {  	_ =	shalt  }
0x4e: {  	_ =	shalt  }
0x4f: {  	_ =	shalt  }
0x50: {  	_ =	shalt  }
0x51: {  	_ =	shalt  }
0x52: {  	_ =	shalt  }
0x53: {  	_ =	shalt  }
0x54: {  	_ =	shalt  }
0x55: {  	_ =	shalt  }
0x56: {  	_ =	shalt  }
0x57: {  	_ =	shalt  }
0x58: {  	_ =	shalt  }
0x59: {  	_ =	shalt  }
0x5a: {  	_ =	shalt  }
0x5b: {  	_ =	shalt  }
0x5c: {  	_ =	shalt  }
0x5d: {  	_ =	shalt  }
0x5e: {  	_ =	shalt  }
0x5f: {  	_ =	shalt  }
0x60: {  	_ =	shalt  }
0x61: {  	_ =	shalt  }
0x62: {  	_ =	shalt  }
0x63: {  	_ =	shalt  }
0x64: {  	_ =	shalt  }
0x65: {  	_ =	shalt  }
0x66: {  	_ =	shalt  }
0x67: {  	_ =	shalt  }
0x68: {  	_ =	shalt  }
0x69: {  	_ =	shalt  }
0x6a: {  	_ =	shalt  }
0x6b: {  	_ =	shalt  }
0x6c: {  	_ =	shalt  }
0x6d: {  	_ =	shalt  }
0x6e: {  	_ =	shalt  }
0x6f: {  	_ =	shalt  }
0x70: {  	_ =	shalt  }
0x71: {  	_ =	shalt  }
0x72: {  	_ =	shalt  }
0x73: {  	_ =	shalt  }
0x74: {  	_ =	shalt  }
0x75: {  	_ =	shalt  }
0x76: {  	_ =	shalt  }
0x77: {  	_ =	shalt  }
0x78: {  	_ =	shalt  }
0x79: {  	_ =	shalt  }
0x7a: {  	_ =	shalt  }
0x7b: {  	_ =	shalt  }
0x7c: {  	_ =	shalt  }
0x7d: {  	_ =	shalt  }
0x7e: {  	_ =	shalt  }
0x7f: {  	_ =	shalt  }
0x80: {  	_ =	shalt  }
0x81: {  	_ =	shalt  }
0x82: {  	_ =	shalt  }
0x83: {  	_ =	shalt  }
0x84: {  	_ =	shalt  }
0x85: {  	_ =	shalt  }
0x86: {  	_ =	shalt  }
0x87: {  	_ =	shalt  }
.Lfunc_end0:
.L_simem_size_0:
called_computation_lowered:
.L_overlay_start_0:
0x88: {  	s2 =	sld [smem:$0x3FD9]  }
0x89: {  	s3 =	sld [smem:$0x3FFE];
	_ =	sdelay $0x1  }
0x8a: {  	s1 =	srdreg.scid  }
0x8b: {  	s0 =	sand.u32 $0x1, s1  }
0x8c: {  	s17 =	sshll.u32 s0, $0xA;
	s2 =	sadd.s32 s3, s2  }
0x8d: {  	s2 =	sadd.s32 s2, s17  }
0x8e: {  	[smem:$0x3FBC] =	sst s2  }
0x8f: {  	_ = 	snop  }
0x90: {  	s4 =	sld [smem:$0x3FC9]  }
0x91: {  	s18 =	sld [smem:$0x3FD0];
	(tm) =	ssettm $0x1  }
0x92: {  	s19 =	sld [smem:$0x3FFB];
	_ =	sdelay $0x3  }
0x93: {  	_ =	strace s19  }
0x94: {  	s2 =	sld [smem:$0x3FFC];
	_ =	sdelay $0x3  }
0x95: {  	_ =	strace s2  }
0x96: {  	s2 =	sld [smem:$0x3FFD];
	_ =	sdelay $0x3  }
0x97: {  	_ =	strace s2  }
0x98: {  	_ =	strace $0x8FFFFFFF  }
0x99: {  	s20 =	sld [smem:$0x3FDB];
	_ =	sdelay $0x1  }
0x9a: {  	s5 =	simm.s32 $_scs_section_size  }
0x9b: {  	s6 =	simm.s32 $_size__tile_overlayer_lowered;
	s7 =	simm.s32 $_tile_overlayer_lowered  }
0x9c: {  	s8 =	simm.s32 $0x1BFF;
	s21 =	sshll.u32 s7, $0x1;
	s5 =	sadd.s32 s5, s20  }
0x9d: {  	s22 =	simm.s32 $0x0;
	s6 =	sshll.u32 s6, $0x1;
	s7 =	sadd.s32 s21, s5  }
0x9e: {  	[timem:s22], [sflag:s8] =	dma.local [hbm:s7], s6  }
0x9f: {  	_ =	swait.ge [sflag:s8], s6  }
0xa0: {  	s6 =	ssub.s32 $0x0, s6;
	[sflag:s8] =	ssyncset.done $0x0  }
0xa1: {  	[sflag:s8] =	ssyncadd.s32 s6;
	_ =	sdelay $0x1  }
0xa2: {  	s23 =	simm.s32 $0x1B8B  }
0xa3: {  	_ =	swait.ge [sflag:s23], $0x1  }
0xa4: {  	[sflag:s23] =	ssyncset.done $0x0  }
0xa5: {  	[sflag:s23] =	ssyncadd.s32 $0xFFFFFFFF  }
0xa6: {  	s6 =	sld [smem:$0x0]  }
0xa7: {  	s7 =	sand.u32 $0xFFFFFFFE, s1  }
0xa8: {  	p0 =	sne.s32 s1, s7  }
0xa9: {  	s7 =	sshll.u32 @p0 s7, $0xE  }
0xaa: {  	s7 =	sadd.s32 @p0 $0x11B8D, s7;
	s8 =	sshll.u32 @p0 s6, $0x11  }
0xab: {  	s7 =	sor.u32 @p0 s8, s7  }
0xac: {  	[sflag:s7] =	ssyncadd.remote.s32 @p0 $0x1;
	_ =	sdelay $0x1  }
0xad: {  	s7 =	simm.s32 @p0 $0x1B8D  }
0xae: {  	_ =	swait.eq @p0 [sflag:s7], $0x1  }
0xaf: {  	[sflag:s7] =	ssyncadd.s32 @p0 $0xFFFFFFFF  }
0xb0: {  	s8 =	sshll.u32 @!p0 s1, $0xE  }
0xb1: {  	s8 =	sor.u32 @!p0 $0x4000, s8;
	s7 =	simm.s32 @!p0 $0x1B8D  }
0xb2: {  	s6 =	sshll.u32 @!p0 s6, $0x11;
	s8 =	sadd.s32 @!p0 $0x11B8D, s8;
	_ =	swait.eq @!p0 [sflag:s7], $0x1  }
0xb3: {  	s6 =	sor.u32 @!p0 s6, s8;
	[sflag:s7] =	ssyncadd.s32 @!p0 $0xFFFFFFFF  }
0xb4: {  	s25 =	simm.s32 $0x1B8E;
	s24 =	sld [smem:$0x3FFE];
	[sflag:s6] =	ssyncadd.remote.s32 @!p0 $0x1  }
0xb5: {  	s26 =	simm.s32 $execute0_lowered;
	[smem:$0x3FD2] =	sst s25  }
0xb6: {  	s7 =	sshll.u32 s26, $0x1;
	_ =	strace $0x80000049;
	[dreg:$0x1] =	wrdreg $0xFFFFFFFF  }
0xb7: {  	s28 =	simm.s32 $_size_execute0_lowered;
	s5 =	sadd.s32 s5, s7;
	[dreg:$0x0] =	wrdreg $0x0  }
0xb8: {  	s7 =	sshll.u32 s28, $0x1;
	[dreg:$0x2] =	wrdreg s5  }
0xb9: {  	[dreg:$0x3] =	wrdreg s7  }
0xba: {  	[dreg:$0x4] =	wrdreg $0xC0  }
0xbb: {  	_ =	task [dreg:s22], $0x5FFFF  }
0xbc: {  	[dreg:$0x1] =	wrdreg $0xFFFFFFFF  }
0xbd: {  	[dreg:$0x0] =	wrdreg $0x60  }
0xbe: {  	[dreg:$0x2] =	wrdreg s4  }
0xbf: {  	[dreg:$0x3] =	wrdreg s24  }
0xc0: {  	[dreg:$0x4] =	wrdreg s18  }
0xc1: {  	[dreg:$0x5] =	wrdreg $0xA4000  }
0xc2: {  	[dreg:$0x6] =	wrdreg $0x9  }
0xc3: {  	_ =	task.clear_ibuf [dreg:s22], $0x7FFFF;
	_ =	strace $0x90000049  }
0xc4: {  	s29 =	simm.s32 $0x9;
	_ =	strace $0x8000004B  }
0xc5: {  	_ =	swait.ge [sflag:s29], $0x1  }
0xc6: {  	[sflag:s29] =	ssyncadd.s32 $0xFFFFFFFF  }
0xc7: {  	_ =	strace $0x9000004B  }
0xc8: {  	_ =	sfence  }
0xc9: {  	s30 =	sld [smem:$0x0];
	_ =	sdelay $0x2  }
0xca: {  	s31 =	sshll.u32 s1, $0xD;
	s1 =	sshrl.u32 s1, $0x2  }
0xcb: {  	s4 =	sand.u32 $0x4000, s31;
	s1 =	sadd.s32 s1, s30  }
0xcc: {  	s0 =	sor.u32 s4, s0;
	s1 =	sshll.u32 s1, $0x11  }
0xcd: {  	s0 =	sor.u32 s1, s0  }
0xce: {  	s0 =	sadd.s32 $0x8F2B, s0  }
0xcf: {  	[sflag:s0] =	ssyncadd.remote.s32 $0x1  }
0xd0: {  	_ =	sfence.sel $0xFFFF  }
0xd1: {  	[dreg:$0x0] =	wrdreg $0xFFFFFFFF;
	(pc) =	sbr.abs _section_cstart, $3  }
0xd2: {  	[dreg:$0x1] =	wrdreg $0xFFFFFFFF  }
0xd3: {  	_ =	task.clear_ibuf [dreg:s22], $0x2FFFF;
	_ =	strace $0x9FFFFFFF  }
0xd4: {  	(tm) =	ssettm $0x7FFFFFFF  }
0xd5: {  	_ =	shalt  }
tec
execute0_lowered:
.L_overlay_start_1:
0x0: {  	(tag) =	ssettag $0x1  }
0x1: {  	s1 =	rddreg [dreg:$0x0]  }
0x2: {  	s0 =	rddreg [dreg:$0x1]  }
0x3: {  	s7 =	rddreg [dreg:$0x2]  }
0x4: {  	s2 =	rddreg [dreg:$0x3]  }
0x5: {  	s3 =	simm.s32 $0x0;
	s6 =	srdreg.scid;
	s8 =	stileid.u32  }
0x6: {  	s28 =	simm.s32 $0x9;
	s29 =	simm.s32 $0x50;
	[smem:$0x7FF] =	sst s3  }
0x7: {  	s4 =	sadd.s32 $0x16E00, s0;
	s5 =	sadd.s32 $0x20C00, s0;
	s9 =	sand.u32 $0x1, s6  }
0x8: {  	s0 =	sadd.s32 $0x2C600, s0;
	s10 =	smul.u32 $0x4E000, s8;
	s12 =	sshll.u32 s8, $0x1  }
0x9: {  	s13 =	smul.u32 $0x13800, s8;
	s14 =	sshll.u32 s8, $0x6;
	s19 =	sadd.s32 $0x138000, s2  }
0xa: {  	s23 =	smul.u32 $0x4E20, s8;
	p0 =	sne.s32 s8, $0x0;
	s8 =	simm.s32 $0xA300  }
0xb: {  	_ =	strace $0x8000004A;
	s6 =	ssub.s32 $0x2, s9;
	s16 =	sor.u32 s9, s12  }
0xc: {  	s14 =	sor.u32 $0x1C0D, s14;
	[dreg:$0x8] =	wrdreg s19;
	s21 =	smul.u32 $0x138800, s9  }
0xd: {  	s9 =	smul.u32 $0x2710, s9;
	s19 =	simm.s32 $0x3;
	s11 =	sshrl.u32 s6, $0x1  }
0xe: {  	s10 =	sshrl.u32 s10, $0x2;
	s17 =	sshrl.u32 s13, $0x3;
	[dreg:$0x7] =	wrdreg s14  }
0xf: {  	s11 =	ssub.s32 s6, s11;
	s6 =	smul.u32 $0x2710, s16;
	s10 =	sadd.s32 s10, s2  }
0x10: {  	s18 =	sadd.s32 s7, s17;
	s7 =	sadd.s32 $0x27000, s7;
	[dreg:$0x5] =	wrdreg s10  }
0x11: {  	s25 =	sadd.s32 s13, s21;
	s12 =	sshrl.u32 s21, $0x3;
	[dreg:$0x6] =	wrdreg s18  }
0x12: {  	s17 =	simm.s32 $0xD;
	s13 =	simm.s32 $0xA180;
	[dreg:$0x9] =	wrdreg s7  }
0x13: {  	s7 =	sadd.s32 s9, s23;
	s30 =	smax.u32 s11, $0x1;
	s11 =	simm.s32 $0xB  }
0x14: {  	s18 =	simm.s32 $0x5;
	s23 =	simm.s32 $0x0;
	[dreg:$0xe] =	wrdreg s7  }
0x15: {  	s20 =	sshrl.u32 s6, $0x3;
	s7 =	sadd.s32 $0x190, s7;
	[dreg:$0x11] =	wrdreg s30  }
0x16: {  	s22 =	sadd.s32 s4, s20;
	s15 =	sadd.s32 s5, s20;
	s10 =	sadd.s32 $0xA, s20  }
0x17: {  	s31 =	sshrl.u32 s7, $0x3;
	s7 =	simm.s32 $0xA100;
	[dreg:$0xa] =	wrdreg s22  }
0x18: {  	[dreg:$0xb] =	wrdreg s15;
	s24 =	sadd.s32 s4, s10;
	s10 =	sadd.s32 s5, s10  }
0x19: {  	s20 =	sadd.s32 s31, s5;
	s21 =	sadd.s32 s31, s4;
	s15 =	simm.s32 $0xC  }
.Ltmp0:
0x1a: {  	s22 =	simm.s32 $0x8;
	[dreg:$0xc] =	wrdreg s24;
	(pc) =	sbr.rel .LBB2_1-.Ltmp0, $4  }
0x1b: {  	[dreg:$0xd] =	wrdreg s10;
	s10 =	sshrl.u32 s25, $0x3;
	s24 =	simm.s32 $0xA200  }
0x1c: {  	s25 =	simm.s32 $0x6;
	s26 =	sadd.s32 s0, s10;
	s0 =	sadd.s32 s0, s12  }
0x1d: {  	s10 =	simm.s32 $0x1;
	[dreg:$0xf] =	wrdreg s26;
	s0 =	sadd.s32 $0x27000, s0  }
0x1e: {  	s12 =	simm.s32 $0x5000;
	[dreg:$0x10] =	wrdreg s0;
	s0 =	simm.s32 $0x2  }
.LBB2_14:
0x1f: {  	_ =	swait.ge [sflag:s19], $0x2800  }
0x20: {  	[sflag:s19] =	ssyncset.done $0x0  }
0x21: {  	[sflag:s19] =	ssyncadd.s32 $0xFFFFD800  }
0x22: {  	[spmem:s2] =	stream.indirect.scatter.add.f32 [tilespmem:s12], [sflag:$0x7], $0x80, s8, s29, $0xb8;
	[tilespmem:$0x1DC80] =	vst v63  }
.LBB2_12:
0x23: {  	_ =	swait.ge [sflag:s22], $0x2800  }
0x24: {  	[sflag:s22] =	ssyncset.done $0x0  }
0x25: {  	[sflag:s22] =	ssyncadd.s32 $0xFFFFD800  }
0x26: {  	_ =	swait.ge [sflag:s18], $0x2800  }
0x27: {  	[sflag:s18] =	ssyncset.done $0x0  }
0x28: {  	[sflag:s18] =	ssyncadd.s32 $0xFFFFD800  }
0x29: {  	[bflag:$0x0] =	sbarrier.arrive $0xFFFF  }
0x2a: {  	s14 =	rddreg [dreg:$0x7]  }
0x2b: {  	s9 =	rddreg [dreg:$0xf]  }
0x2c: {  	s17 =	simm.s32 $0xD;
	s16 =	rddreg [dreg:$0x13]  }
0x2d: {  	[hbm:s9], [sflag:s14] =	dma.local [spmem:s16], $0x2700  }
0x2e: {  	_ =	swait.ge [sflag:s17], $0x2700  }
0x2f: {  	[sflag:s17] =	ssyncset.done $0x0;
	s9 =	rddreg [dreg:$0x10]  }
0x30: {  	s16 =	rddreg [dreg:$0x14];
	[sflag:s17] =	ssyncadd.s32 $0xFFFFD900  }
0x31: {  	[hbm:s9], [sflag:s14] =	dma.local @!p0 [spmem:s16], $0x100  }
0x32: {  	s9 =	simm.s32 @!p0 $0xD  }
0x33: {  	_ =	swait.ge @!p0 [sflag:s9], $0x100  }
0x34: {  	s23 =	rddreg [dreg:$0x12]  }
0x35: {  	s31 =	rddreg [dreg:$0x11];
	s23 =	sadd.s32 $0x1, s23  }
0x36: {  	p1 =	sne.s32 s23, s31  }
.Ltmp1:
0x37: {  	_ = 	snop;
	(pc) =	sbr.rel @!p1 .LBB2_13-.Ltmp1, $3  }
0x38: {  	_ =	sdelay $0x1  }
0x39: {  	[sflag:s9] =	ssyncset.done @!p0 $0x0  }
0x3a: {  	[sflag:s9] =	ssyncadd.s32 @!p0 $0xFFFFFF00  }
.LBB2_1:
0x3b: {  	[dreg:$0x12] =	wrdreg s23  }
0x3c: {  	s9 =	rddreg [dreg:$0x5]  }
0x3d: {  	s31 =	rddreg [dreg:$0x6];
	s16 =	sshrl.u32 s9, $0x3  }
0x3e: {  	[dreg:$0x13] =	wrdreg s16  }
0x3f: {  	[spmem:s16], [sflag:s14] =	dma.local [hbm:s31], $0x2700  }
0x40: {  	_ =	swait.ge [sflag:s17], $0x2700  }
0x41: {  	s9 =	rddreg [dreg:$0x8]  }
0x42: {  	[sflag:s17] =	ssyncset.done $0x0;
	s16 =	sshrl.u32 @!p0 s9, $0x3;
	s9 =	rddreg [dreg:$0x9]  }
0x43: {  	[sflag:s17] =	ssyncadd.s32 $0xFFFFD900;
	[dreg:$0x14] =	wrdreg s16  }
0x44: {  	[spmem:s16], [sflag:s14] =	dma.local @!p0 [hbm:s9], $0x100  }
0x45: {  	s9 =	simm.s32 @!p0 $0xD  }
0x46: {  	_ =	swait.ge @!p0 [sflag:s9], $0x100  }
0x47: {  	[sflag:s9] =	ssyncset.done @!p0 $0x0  }
0x48: {  	[sflag:s9] =	ssyncadd.s32 @!p0 $0xFFFFFF00  }
0x49: {  	[bflag:$0x0] =	sbarrier.arrive $0xFFFF  }
0x4a: {  	s14 =	simm.s32 $0xA000;
	s23 =	rddreg [dreg:$0xa]  }
0x4b: {  	[tilespmem:s14], [sflag:$0x9] =	stream.linear.gather [hbm4b:s23+s3], $0x50, $0x38;
	[tilespmem:$0x1DC80] =	vst v63  }
0x4c: {  	s26 =	rddreg [dreg:$0xb]  }
0x4d: {  	[tilespmem:s24], [sflag:$0x9] =	stream.linear.gather [hbm4b:s26+s3], $0x50, $0x38;
	[tilespmem:$0x1DC80] =	vst v63  }
0x4e: {  	s16 =	simm.s32 $0xA080;
	s31 =	rddreg [dreg:$0xc]  }
0x4f: {  	[tilespmem:s16], [sflag:$0xA] =	stream.linear.gather [hbm4b:s31+s3], $0x50, $0x38;
	[tilespmem:$0x1DC80] =	vst v63  }
0x50: {  	s17 =	rddreg [dreg:$0xd];
	s23 =	simm.s32 $0xA280  }
0x51: {  	[tilespmem:s23], [sflag:$0xA] =	stream.linear.gather [hbm4b:s17+s3], $0x50, $0x38;
	[tilespmem:$0x1DC80] =	vst v63  }
0x52: {  	_ =	swait.ge [sflag:s28], $0x50  }
0x53: {  	[sflag:s28] =	ssyncset.done $0x0  }
0x54: {  	[sflag:s28] =	ssyncadd.s32 $0xFFFFFFB0  }
0x55: {  	_ =	swait.ge [sflag:s28], $0x50  }
0x56: {  	[sflag:s28] =	ssyncset.done $0x0  }
0x57: {  	s26 =	simm.s32 $0xA;
	[sflag:s28] =	ssyncadd.s32 $0xFFFFFFB0  }
0x58: {  	[tilespmem:s3], [sflag:$0x1] =	stream.indirect.gather [hbm4b:s1+s29], $0x80, s14, s29, $0xb8;
	[tilespmem:$0x1DC80] =	vst v63  }
0x59: {  	_ =	swait.ge [sflag:s26], $0x50  }
0x5a: {  	[sflag:s26] =	ssyncset.done $0x0  }
0x5b: {  	[sflag:s26] =	ssyncadd.s32 $0xFFFFFFB0  }
.Ltmp2:
0x5c: {  	_ =	swait.ge [sflag:s26], $0x50;
	(pc) =	sbr.rel .LBB2_2-.Ltmp2, $4  }
0x5d: {  	[sflag:s26] =	ssyncset.done $0x0  }
0x5e: {  	s30 =	simm.s32 $0x2;
	s31 =	simm.s32 $0x2800;
	[sflag:s26] =	ssyncadd.s32 $0xFFFFFFB0  }
0x5f: {  	[tilespmem:s31], [sflag:$0x2] =	stream.indirect.gather [hbm4b:s1+s29], $0x80, s16, s29, $0xb8;
	[tilespmem:$0x1DC80] =	vst v63  }
0x60: {  	s9 =	simm.s32 $0x140;
	s14 =	simm.s32 $0x0;
	s16 =	simm.s32 $0x0  }
.LBB2_10:
0x61: {  	_ =	swait.ge [sflag:s25], $0x2800  }
0x62: {  	p1 =	sgt.u32 s14, $0x1D;
	[sflag:s25] =	ssyncset.done $0x0  }
0x63: {  	s17 =	simm.s32 @p1 $0x4;
	[sflag:s25] =	ssyncadd.s32 $0xFFFFD800  }
0x64: {  	_ =	swait.ge @p1 [sflag:s17], $0x2800  }
0x65: {  	s26 =	simm.s32 @p1 $0xA380;
	[sflag:s17] =	ssyncset.done @p1 $0x0  }
0x66: {  	s23 =	simm.s32 @p1 $0x7800;
	[sflag:s17] =	ssyncadd.s32 @p1 $0xFFFFD800;
	s17 =	simm.s32 @p1 $0x50  }
0x67: {  	[spmem:s2] =	stream.indirect.scatter.add.f32 @p1 [tilespmem:s23], [sflag:$0x8], $0x80, s26, s17, $0xb8;
	[tilespmem:$0x1DC80] =	vst v63  }
0x68: {  	s17 =	sadd.s32 @!p1 s16, s21;
	s23 =	simm.s32 @!p1 $0x0;
	s26 =	simm.s32 @!p1 $0xA080  }
0x69: {  	[tilespmem:s26], [sflag:$0xA] =	stream.linear.gather @!p1 [hbm4b:s17+s23], $0x50, $0x38;
	[tilespmem:$0x1DC80] =	vst v63  }
0x6a: {  	s31 =	simm.s32 @!p1 $0xA280;
	s17 =	sadd.s32 @!p1 s16, s20  }
0x6b: {  	[tilespmem:s31], [sflag:$0xA] =	stream.linear.gather @!p1 [hbm4b:s17+s23], $0x50, $0x38;
	[tilespmem:$0x1DC80] =	vst v63  }
0x6c: {  	s17 =	simm.s32 @!p1 $0x4  }
0x6d: {  	_ =	swait.ge @!p1 [sflag:s17], $0x2800  }
0x6e: {  	s23 =	simm.s32 @!p1 $0xA380;
	[sflag:s17] =	ssyncset.done @!p1 $0x0  }
0x6f: {  	s31 =	simm.s32 @!p1 $0x7800;
	[sflag:s17] =	ssyncadd.s32 @!p1 $0xFFFFD800;
	s17 =	simm.s32 @!p1 $0x50  }
0x70: {  	[spmem:s2] =	stream.indirect.scatter.add.f32 @!p1 [tilespmem:s31], [sflag:$0x8], $0x80, s23, s17, $0xb8;
	[tilespmem:$0x1DC80] =	vst v63  }
0x71: {  	s23 =	simm.s32 @!p1 $0xA  }
0x72: {  	_ =	swait.ge @!p1 [sflag:s23], $0x50  }
0x73: {  	[sflag:s23] =	ssyncset.done @!p1 $0x0  }
0x74: {  	[sflag:s23] =	ssyncadd.s32 @!p1 $0xFFFFFFB0  }
0x75: {  	_ =	swait.ge @!p1 [sflag:s23], $0x50  }
0x76: {  	[sflag:s23] =	ssyncset.done @!p1 $0x0  }
0x77: {  	[sflag:s23] =	ssyncadd.s32 @!p1 $0xFFFFFFB0;
	s23 =	simm.s32 @!p1 $0x2800  }
0x78: {  	[tilespmem:s23], [sflag:$0x2] =	stream.indirect.gather @!p1 [hbm4b:s1+s17], $0x80, s26, s17, $0xb8;
	[tilespmem:$0x1DC80] =	vst v63  }
.LBB2_11:
0x79: {  	s16 =	sadd.s32 $0x28, s16  }
0x7a: {  	p1 =	sne.s32 s16, $0x500  }
.Ltmp3:
0x7b: {  	_ = 	snop;
	(pc) =	sbr.rel @!p1 .LBB2_12-.Ltmp3, $2  }
0x7c: {  	_ =	sdelay $0x2  }
0x7d: {  	s14 =	sadd.s32 $0x1, s14;
	s9 =	sadd.s32 $0x140, s9;
	s30 =	sadd.s32 $0x4, s30  }
.LBB2_2:
0x7e: {  	p2 =	seq.s32 s16, $0x0  }
0x7f: {  	p1 =	sgt.u32 @!p2 s30, $0x7C  }
0x80: {  	p1 =	por p2, !p1  }
.Ltmp4:
0x81: {  	_ = 	snop;
	(pc) =	sbr.rel @!p1 .LBB2_5-.Ltmp4, $4  }
0x82: {  	s26 =	simm.s32 @!p2 $0x7  }
0x83: {  	_ =	swait.ge @!p2 [sflag:s26], $0x2800  }
0x84: {  	[sflag:s26] =	ssyncset.done @!p2 $0x0  }
0x85: {  	[sflag:s26] =	ssyncadd.s32 @!p2 $0xFFFFD800  }
0x86: {  	s26 =	smov.u32 s30  }
0x87: {  	s26 =	simm.s32 @p2 $0x2  }
0x88: {  	s26 =	smul.u32 $0x50, s26;
	_ =	sdelay $0x1  }
0x89: {  	s26 =	sadd.s32 s6, s26  }
0x8a: {  	s26 =	sshrl.u32 s26, $0x3  }
0x8b: {  	s17 =	sadd.s32 s4, s26  }
0x8c: {  	[tilespmem:s7], [sflag:$0xB] =	stream.linear.gather [hbm4b:s17+s3], $0x50, $0x38;
	[tilespmem:$0x1DC80] =	vst v63  }
0x8d: {  	s31 =	sadd.s32 s5, s26  }
0x8e: {  	[tilespmem:s8], [sflag:$0xB] =	stream.linear.gather [hbm4b:s31+s3], $0x50, $0x38;
	[tilespmem:$0x1DC80] =	vst v63  }
0x8f: {  	_ =	swait.ge [sflag:s10], $0x2800  }
0x90: {  	[sflag:s10] =	ssyncset.done $0x0  }
0x91: {  	[sflag:s10] =	ssyncadd.s32 $0xFFFFD800  }
0x92: {  	[spmem:s2] =	stream.indirect.scatter.add.f32 [tilespmem:s3], [sflag:$0x5], $0x80, s24, s29, $0xb8;
	[tilespmem:$0x1DC80] =	vst v63  }
0x93: {  	_ =	swait.ge [sflag:s11], $0x50  }
0x94: {  	[sflag:s11] =	ssyncset.done $0x0  }
.Ltmp5:
0x95: {  	[sflag:s11] =	ssyncadd.s32 $0xFFFFFFB0;
	(pc) =	sbr.rel @!p2 .LBB2_6-.Ltmp5, $4  }
0x96: {  	_ =	swait.ge [sflag:s11], $0x50  }
0x97: {  	[sflag:s11] =	ssyncset.done $0x0  }
0x98: {  	p1 =	por $0x1, $0x1;
	[sflag:s11] =	ssyncadd.s32 $0xFFFFFFB0  }
0x99: {  	[tilespmem:s12], [sflag:$0x3] =	stream.indirect.gather [hbm4b:s1+s29], $0x80, s7, s29, $0xb8;
	[tilespmem:$0x1DC80] =	vst v63  }
.Ltmp6:
0x9a: {  	(pc) =	sbr.rel .LBB2_7-.Ltmp6, $2  }
0x9b: {  	_ =	sdelay $0x2  }
0x9c: {  	s26 =	simm.s32 $0xF0  }
.LBB2_5:
0x9d: {  	p2 =	sgt.u32 s14, $0x1E  }
.Ltmp7:
0x9e: {  	_ = 	snop;
	(pc) =	sbr.rel @p2 .LBB2_11-.Ltmp7, $4  }
0x9f: {  	_ =	swait.ge [sflag:s10], $0x2800  }
0xa0: {  	[sflag:s10] =	ssyncset.done $0x0  }
0xa1: {  	p1 =	por $0x0, $0x0;
	[sflag:s10] =	ssyncadd.s32 $0xFFFFD800  }
0xa2: {  	[spmem:s2] =	stream.indirect.scatter.add.f32 [tilespmem:s3], [sflag:$0x5], $0x80, s24, s29, $0xb8;
	[tilespmem:$0x1DC80] =	vst v63  }
.LBB2_6:
0xa3: {  	_ =	swait.ge [sflag:s22], $0x2800  }
0xa4: {  	[sflag:s22] =	ssyncset.done $0x0  }
0xa5: {  	s26 =	sadd.s32 $0xFFFFFFB0, s9;
	[sflag:s22] =	ssyncadd.s32 $0xFFFFD800  }
.LBB2_7:
0xa6: {  	s17 =	sadd.s32 s6, s26  }
0xa7: {  	s17 =	sshrl.u32 s17, $0x3  }
0xa8: {  	s31 =	sadd.s32 s4, s17  }
0xa9: {  	[tilespmem:s13], [sflag:$0xC] =	stream.linear.gather [hbm4b:s31+s3], $0x50, $0x38;
	[tilespmem:$0x1DC80] =	vst v63  }
0xaa: {  	s23 =	simm.s32 $0xA380;
	s17 =	sadd.s32 s5, s17  }
0xab: {  	[tilespmem:s23], [sflag:$0xC] =	stream.linear.gather [hbm4b:s17+s3], $0x50, $0x38;
	[tilespmem:$0x1DC80] =	vst v63  }
0xac: {  	_ =	swait.ge [sflag:s0], $0x2800  }
0xad: {  	[sflag:s0] =	ssyncset.done $0x0  }
0xae: {  	s26 =	simm.s32 $0x2800;
	s23 =	simm.s32 $0xA280;
	[sflag:s0] =	ssyncadd.s32 $0xFFFFD800  }
0xaf: {  	[spmem:s2] =	stream.indirect.scatter.add.f32 [tilespmem:s26], [sflag:$0x6], $0x80, s23, s29, $0xb8;
	[tilespmem:$0x1DC80] =	vst v63  }
0xb0: {  	_ =	swait.ge [sflag:s15], $0x50  }
0xb1: {  	[sflag:s15] =	ssyncset.done $0x0  }
.Ltmp8:
0xb2: {  	[sflag:s15] =	ssyncadd.s32 $0xFFFFFFB0;
	(pc) =	sbr.rel @!p1 .LBB2_10-.Ltmp8, $4  }
0xb3: {  	_ =	swait.ge [sflag:s15], $0x50  }
0xb4: {  	[sflag:s15] =	ssyncset.done $0x0  }
0xb5: {  	s31 =	simm.s32 $0x7800;
	[sflag:s15] =	ssyncadd.s32 $0xFFFFFFB0  }
0xb6: {  	[tilespmem:s31], [sflag:$0x4] =	stream.indirect.gather [hbm4b:s1+s29], $0x80, s13, s29, $0xb8;
	[tilespmem:$0x1DC80] =	vst v63  }
0xb7: {  	p1 =	seq.s32 s16, $0x4D8  }
.Ltmp9:
0xb8: {  	_ = 	snop;
	(pc) =	sbr.rel @p1 .LBB2_14-.Ltmp9, $4  }
0xb9: {  	_ = 	snop  }
0xba: {  	_ =	swait.ge [sflag:s18], $0x2800  }
0xbb: {  	[sflag:s18] =	ssyncset.done $0x0  }
0xbc: {  	[sflag:s18] =	ssyncadd.s32 $0xFFFFD800  }
0xbd: {  	s17 =	rddreg [dreg:$0xe]  }
0xbe: {  	s17 =	sadd.s32 s9, s17  }
0xbf: {  	s17 =	sshrl.u32 s17, $0x3  }
0xc0: {  	s23 =	simm.s32 $0xA000;
	s26 =	sadd.s32 s4, s17  }
0xc1: {  	[tilespmem:s23], [sflag:$0x9] =	stream.linear.gather [hbm4b:s26+s3], $0x50, $0x38;
	[tilespmem:$0x1DC80] =	vst v63  }
0xc2: {  	s17 =	sadd.s32 s5, s17  }
0xc3: {  	[tilespmem:s24], [sflag:$0x9] =	stream.linear.gather [hbm4b:s17+s3], $0x50, $0x38;
	[tilespmem:$0x1DC80] =	vst v63  }
0xc4: {  	_ =	swait.ge [sflag:s19], $0x2800  }
0xc5: {  	[sflag:s19] =	ssyncset.done $0x0  }
0xc6: {  	[sflag:s19] =	ssyncadd.s32 $0xFFFFD800  }
0xc7: {  	[spmem:s2] =	stream.indirect.scatter.add.f32 [tilespmem:s12], [sflag:$0x7], $0x80, s8, s29, $0xb8;
	[tilespmem:$0x1DC80] =	vst v63  }
0xc8: {  	_ =	swait.ge [sflag:s28], $0x50  }
0xc9: {  	[sflag:s28] =	ssyncset.done $0x0  }
.Ltmp10:
0xca: {  	[sflag:s28] =	ssyncadd.s32 $0xFFFFFFB0;
	(pc) =	sbr.rel .LBB2_10-.Ltmp10, $4  }
0xcb: {  	_ =	swait.ge [sflag:s28], $0x50  }
0xcc: {  	[sflag:s28] =	ssyncset.done $0x0  }
0xcd: {  	[sflag:s28] =	ssyncadd.s32 $0xFFFFFFB0  }
0xce: {  	[tilespmem:s3], [sflag:$0x1] =	stream.indirect.gather [hbm4b:s1+s29], $0x80, s23, s29, $0xb8;
	[tilespmem:$0x1DC80] =	vst v63  }
.LBB2_13:
0xcf: {  	_ =	sfence.sel $0x180000  }
0xd0: {  	[bflag:$0x0] =	sbarrier.arrive $0xFFFF  }
0xd1: {  	_ =	strace $0x9000004A  }
0xd2: {  	[bflag:$0x2] =	sbarrier.arrive $0xFFFF  }
0xd3: {  	s0 =	rddreg [dreg:$0x4]  }
0xd4: {  	s0 =	sadd.s32 @!p0 $0x100000, s0  }
0xd5: {  	[sflag:s0] =	ssyncadd.tile.s32 @!p0 $0x1;
	_ =	shalt  }
.Lfunc_end2:
_tile_overlayer_lowered:
.L_overlay_start_2:
0xd6: {  	(tag) =	ssettag $0x2  }
0xd7: {  	s0 =	rddreg [dreg:$0x0];
	s2 =	stileid.u32  }
0xd8: {  	s1 =	rddreg [dreg:$0x1];
	p0 =	sne.s32 s2, $0x0  }
0xd9: {  	s3 =	rddreg [dreg:$0x2];
	[bflag:$0x3] =	sbarrier.arrive $0xFFFF;
	s2 =	simm.s32 @!p0 $0x1C0D  }
0xda: {  	[timem:s3], [sflag:s2] =	dma.local @!p0 [hbm:s0], s1  }
0xdb: {  	s0 =	simm.s32 @!p0 $0xD  }
0xdc: {  	_ =	swait.ge @!p0 [sflag:s0], s1  }
0xdd: {  	s1 =	ssub.s32 @!p0 $0x0, s1;
	[sflag:s0] =	ssyncset.done @!p0 $0x0  }
0xde: {  	[sflag:s0] =	ssyncadd.s32 @!p0 s1  }
0xdf: {  	[bflag:$0x3] =	sbarrier.arrive $0xFFFF  }
0xe0: {  	_ =	shalt  }

</sc_bundles>
